<compile_context>
chip_gen: v7x
topology: tpu7x:2x2x1
jax: 0.10.2.dev20260603
libtpu: 0.0.44.dev20260713+nightly
codegen_flags: <defaults>
</compile_context>

<pallas_src>
import jax
import jax.numpy as jnp
from jax import lax
from jax.experimental import pallas as pl
from jax.experimental.pallas import tpu as pltpu
from jax.experimental.pallas import tpu_sc as plsc

TOPK = 8
E = 64
SCALE = 2.5
T = 32768
NW = 32
RPW = T // NW
CH = 128
NCH = RPW // CH


def _router_body(logits_hbm, bias_hbm, w_hbm, idx_hbm, cnt_hbm,
                 in_ca, in_cb, w_ca, w_cb, i_ca, i_cb, cnt_v, bias_v,
                 sem_na, sem_nb, sem_wa, sem_ia, sem_wb, sem_ib):
    c = lax.axis_index("c")
    s = lax.axis_index("s")
    wid = s * 2 + c
    base = wid * RPW

    pltpu.sync_copy(bias_hbm, bias_v)
    pltpu.async_copy(logits_hbm.at[pl.ds(base, CH), :], in_ca, sem_na)
    pltpu.async_copy(logits_hbm.at[pl.ds(base + CH, CH), :], in_cb, sem_nb)

    lane = lax.iota(jnp.int32, 16)
    lt8 = lane < 8
    zeros16 = jnp.zeros((16,), jnp.int32)
    for j in range(4):
        cnt_v[pl.ds(16 * j, 16)] = zeros16
    bias_regs = [bias_v[pl.ds(16 * j, 16)] for j in range(4)]
    ones16 = jnp.ones((16,), jnp.int32)

    def merge(k0, v0, k1, v1):
        k1r = lax.rev(k1, (0,))
        v1r = lax.rev(v1, (0,))
        km = jnp.where(lt8, k0, k1r)
        vm = jnp.where(lt8, v0, v1r)
        return plsc.sort_key_val(km, vm, descending=True)

    def take(x, idx):
        return x.at[idx].get(mode="promise_in_bounds")

    lane_and7 = jnp.bitwise_and(lane, 7)

    def merge_tree(in_c, r):
        sk = []
        sv = []
        for j in range(4):
            x = in_c[r, pl.ds(16 * j, 16)]
            sg = 1.0 / (1.0 + jnp.exp(-x))
            b = sg + bias_regs[j]
            k_s, v_s = plsc.sort_key_val(b, lane + 16 * j, descending=True)
            sk.append(k_s)
            sv.append(v_s)
        ka, va = merge(sk[0], sv[0], sk[1], sv[1])
        kb, vb = merge(sk[2], sv[2], sk[3], sv[3])
        return merge(ka, va, kb, vb)

    shr3 = lax.shift_right_logical(lane, 3)

    def do_pair(p, pbase, in_c, w_c, i_c):
        rA = 2 * (p - pbase)
        kA, vA = merge_tree(in_c, rA)
        kB, vB = merge_tree(in_c, rA + 1)
        kP = jnp.where(lt8, kA, take(kB, lane_and7))
        vP = jnp.where(lt8, vA, take(vB, lane_and7))
        bg = plsc.load_gather(bias_v, [vP])
        w = kP - bg
        s = w
        for m in (1, 2, 4):
            s = s + take(s, jnp.bitwise_xor(lane, m))
        wn = (w * SCALE) / (s + 1e-20)
        rowv = 2 * (p - pbase) + shr3
        plsc.store_scatter(w_c, [rowv, lane_and7], wn)
        plsc.store_scatter(i_c, [rowv, lane_and7], vP)
        plsc.addupdate_scatter(cnt_v, [vP], ones16, mask=lt8)
        plsc.addupdate_scatter(cnt_v, [vP], ones16, mask=jnp.logical_not(lt8))

    PPC = CH // 2

    def run_chunk(ch, ch2, in_c, w_c, i_c, sem_n, sem_w, sem_i):
        pltpu.make_async_copy(
            logits_hbm.at[pl.ds(base, CH), :], in_c, sem_n).wait()

        @pl.when(ch2 > 0)
        def _():
            pltpu.make_async_copy(
                w_c, w_hbm.at[pl.ds(base, CH), :], sem_w).wait()
            pltpu.make_async_copy(
                i_c, idx_hbm.at[pl.ds(base, CH), :], sem_i).wait()

        pbase = ch * PPC

        @plsc.parallel_loop(0, PPC, unroll=2)
        def _(p):
            do_pair(pbase + p, pbase, in_c, w_c, i_c)

        row0 = base + ch * CH
        pltpu.async_copy(w_c, w_hbm.at[pl.ds(row0, CH), :], sem_w)
        pltpu.async_copy(i_c, idx_hbm.at[pl.ds(row0, CH), :], sem_i)

        @pl.when(ch + 2 < NCH)
        def _():
            rown = base + (ch + 2) * CH
            pltpu.async_copy(logits_hbm.at[pl.ds(rown, CH), :], in_c, sem_n)

    def outer(ch2, carry):
        run_chunk(2 * ch2, ch2, in_ca, w_ca, i_ca, sem_na, sem_wa, sem_ia)
        run_chunk(2 * ch2 + 1, ch2, in_cb, w_cb, i_cb, sem_nb, sem_wb, sem_ib)
        return carry

    lax.fori_loop(0, NCH // 2, outer, 0)

    for w_c, i_c, sem_w, sem_i in ((w_ca, i_ca, sem_wa, sem_ia),
                                   (w_cb, i_cb, sem_wb, sem_ib)):
        pltpu.make_async_copy(w_c, w_hbm.at[pl.ds(base, CH), :], sem_w).wait()
        pltpu.make_async_copy(i_c, idx_hbm.at[pl.ds(base, CH), :], sem_i).wait()

    pltpu.sync_copy(cnt_v, cnt_hbm.at[pl.ds(wid * E, E)])


_router = pl.kernel(
    _router_body,
    out_type=(
        jax.ShapeDtypeStruct((T, TOPK), jnp.float32),
        jax.ShapeDtypeStruct((T, TOPK), jnp.int32),
        jax.ShapeDtypeStruct((NW * E,), jnp.int32),
    ),
    mesh=plsc.VectorSubcoreMesh(core_axis_name="c", subcore_axis_name="s"),
    compiler_params=pltpu.CompilerParams(needs_layout_passes=False,
                                         use_tc_tiling_on_sc=True),
    scratch_types=(
        pltpu.VMEM((CH, E), jnp.float32),
        pltpu.VMEM((CH, E), jnp.float32),
        pltpu.VMEM((CH, TOPK), jnp.float32),
        pltpu.VMEM((CH, TOPK), jnp.float32),
        pltpu.VMEM((CH, TOPK), jnp.int32),
        pltpu.VMEM((CH, TOPK), jnp.int32),
        pltpu.VMEM((E,), jnp.int32),
        pltpu.VMEM((E,), jnp.float32),
        pltpu.SemaphoreType.DMA,
        pltpu.SemaphoreType.DMA,
        pltpu.SemaphoreType.DMA,
        pltpu.SemaphoreType.DMA,
        pltpu.SemaphoreType.DMA,
        pltpu.SemaphoreType.DMA,
    ),
)


def kernel(logits, e_score_correction_bias):
    topk_weight, topk_idx, cnt_part = _router(logits,
                                              e_score_correction_bias)
    tokens_per_expert = cnt_part.reshape(NW, E).sum(axis=0)
    return (logits, topk_weight, topk_idx, tokens_per_expert)

# --- scband reference (transcript-rebuilt; emitter-appended) ---
"""Pipeline reference for scband-no-aux-router-14491219657136 (READ-ONLY COPY).

The authoritative reference and input builder live on the scoring server;
editing this copy changes nothing except your own understanding.
"""

import jax, jax.numpy as jnp
import numpy as np

TOP_K = 8
N_EXPERTS = 64
SCALING = 2.5


def setup_inputs(seed: int = 0) -> dict:
    key = jax.random.key(seed)
    k1, k2 = jax.random.split(key)
    logits = jax.random.normal(k1, (32768, N_EXPERTS), dtype=jnp.float32)
    e_score_correction_bias = jax.random.normal(k2, (N_EXPERTS,), dtype=jnp.float32) * 0.01
    return {"logits": logits, "e_score_correction_bias": e_score_correction_bias}


def reference(logits, e_score_correction_bias):
    # scoring_func == 'sigmoid'
    scores = jax.nn.sigmoid(logits)
    scores_for_choice = scores + e_score_correction_bias[None, :]
    _, topk_idx = jax.lax.top_k(scores_for_choice, TOP_K)
    topk_weight = jnp.take_along_axis(scores, topk_idx, axis=1)
    # top_k > 1 and norm_topk_prob
    denominator = jnp.sum(topk_weight, axis=-1, keepdims=True) + 1e-20
    topk_weight = topk_weight / denominator
    topk_weight = topk_weight * SCALING
    # torch.histc(topk_idx, bins=E, min=0, max=E) over integer expert ids == bincount
    tokens_per_expert = jnp.bincount(topk_idx.reshape(-1), length=N_EXPERTS)
    return (logits, topk_weight, topk_idx, tokens_per_expert)

if __name__ == "__main__":
    import jax
    _d = setup_inputs()
    print(jax.jit(kernel)(*tuple(_d.values())))

</pallas_src>

<mosaic_0001>
#map = affine_map<(d0, d1) -> (0, 0)>
#map1 = affine_map<(d0, d1) -> (0)>
module attributes {stable_mosaic.version = 14 : i64} {
  func.func @_router_body(%arg0: i32, %arg1: i32, %arg2: memref<32768x64xf32, #tpu.memory_space<hbm>>, %arg3: memref<64xf32, #tpu.memory_space<hbm>>, %arg4: memref<32768x8xf32, #tpu.memory_space<hbm>>, %arg5: memref<32768x8xi32, #tpu.memory_space<hbm>>, %arg6: memref<2048xi32, #tpu.memory_space<hbm>>, %arg7: memref<128x64xf32, #tpu.memory_space<vmem>>, %arg8: memref<128x64xf32, #tpu.memory_space<vmem>>, %arg9: memref<128x8xf32, #tpu.memory_space<vmem>>, %arg10: memref<128x8xf32, #tpu.memory_space<vmem>>, %arg11: memref<128x8xi32, #tpu.memory_space<vmem>>, %arg12: memref<128x8xi32, #tpu.memory_space<vmem>>, %arg13: memref<64xi32, #tpu.memory_space<vmem>>, %arg14: memref<64xf32, #tpu.memory_space<vmem>>, %arg15: memref<!tpu.dma_semaphore, #tpu.memory_space<semaphore_mem>>, %arg16: memref<!tpu.dma_semaphore, #tpu.memory_space<semaphore_mem>>, %arg17: memref<!tpu.dma_semaphore, #tpu.memory_space<semaphore_mem>>, %arg18: memref<!tpu.dma_semaphore, #tpu.memory_space<semaphore_mem>>, %arg19: memref<!tpu.dma_semaphore, #tpu.memory_space<semaphore_mem>>, %arg20: memref<!tpu.dma_semaphore, #tpu.memory_space<semaphore_mem>>) attributes {dimension_semantics = [#tpu.dimension_semantics<core_parallel>, #tpu.dimension_semantics<subcore_parallel>], iteration_bounds = array<i64: 2, 16>, scalar_prefetch = 0 : i64, scratch_operands = 14 : i64, tpu.core_type = #tpu.core_type<sc_vector_subcore>, window_params = [{transform_indices = #map}, {transform_indices = #map1}, {transform_indices = #map}, {transform_indices = #map}, {transform_indices = #map1}]} {
    %mul3A = arith.constant 2 : i32
    %mul3A_0 = arith.muli %arg1, %mul3A : i32
    %add3A = arith.addi %mul3A_0, %arg0 : i32
    %mul3A_1 = arith.constant 1024 : i32
    %mul3A_2 = arith.muli %add3A, %mul3A_1 : i32
    "tpu.region"() ({
      %run_scoped3A = tpu.sem_alloc : memref<!tpu.dma_semaphore, #tpu.memory_space<semaphore_mem>>
      tpu.enqueue_dma source(%arg3 : memref<64xf32, #tpu.memory_space<hbm>>) target(%arg14 : memref<64xf32, #tpu.memory_space<vmem>>) target_semaphore(%run_scoped3A : memref<!tpu.dma_semaphore, #tpu.memory_space<semaphore_mem>>)
      tpu.wait_dma2 semaphore(%run_scoped3A : memref<!tpu.dma_semaphore, #tpu.memory_space<semaphore_mem>>) src(%arg3 : memref<64xf32, #tpu.memory_space<hbm>>) dst(%arg14 : memref<64xf32, #tpu.memory_space<vmem>>)
      tpu.yield
    }) : () -> ()
    %dma_start3A = arith.constant 0 : i32
    %dma_start3A_3 = tpu.memref_slice %arg2[%mul3A_2, %dma_start3A] : memref<32768x64xf32, #tpu.memory_space<hbm>> -> memref<128x64xf32, #tpu.memory_space<hbm>>
    %dma_start3A_4 = arith.constant 0 : i32
    %dma_start3A_5 = tpu.memref_slice %arg2[%mul3A_2, %dma_start3A_4] : memref<32768x64xf32, #tpu.memory_space<hbm>> -> memref<128x64xf32, #tpu.memory_space<hbm>>
    tpu.enqueue_dma source(%dma_start3A_5 : memref<128x64xf32, #tpu.memory_space<hbm>>) target(%arg7 : memref<128x64xf32, #tpu.memory_space<vmem>>) target_semaphore(%arg15 : memref<!tpu.dma_semaphore, #tpu.memory_space<semaphore_mem>>)
    %add3A_6 = arith.constant 128 : i32
    %add3A_7 = arith.addi %mul3A_2, %add3A_6 : i32
    %dma_start3A_8 = arith.constant 0 : i32
    %dma_start3A_9 = tpu.memref_slice %arg2[%add3A_7, %dma_start3A_8] : memref<32768x64xf32, #tpu.memory_space<hbm>> -> memref<128x64xf32, #tpu.memory_space<hbm>>
    %dma_start3A_10 = arith.constant 0 : i32
    %dma_start3A_11 = tpu.memref_slice %arg2[%add3A_7, %dma_start3A_10] : memref<32768x64xf32, #tpu.memory_space<hbm>> -> memref<128x64xf32, #tpu.memory_space<hbm>>
    tpu.enqueue_dma source(%dma_start3A_11 : memref<128x64xf32, #tpu.memory_space<hbm>>) target(%arg8 : memref<128x64xf32, #tpu.memory_space<vmem>>) target_semaphore(%arg16 : memref<!tpu.dma_semaphore, #tpu.memory_space<semaphore_mem>>)
    %iota3A = tpu.iota {dimensions = array<i32: 0>} : vector<16xi32>
    %lt3A = arith.constant 8 : i32
    %lt3A_12 = vector.broadcast %lt3A : i32 to vector<16xi32>
    %lt3A_13 = arith.cmpi slt, %iota3A, %lt3A_12 : vector<16xi32>
    %broadcast_in_dim3A = arith.constant 0 : i32
    %broadcast_in_dim3A_14 = vector.broadcast %broadcast_in_dim3A : i32 to vector<16xi32>
    %swap3A = arith.constant 0 : index
    %swap3A_15 = tpu.vector_load %arg13[%swap3A] {strides = array<i32>} : memref<64xi32, #tpu.memory_space<vmem>>, vector<16xi32>,
    tpu.vector_store %arg13[%swap3A], %broadcast_in_dim3A_14 {strides = array<i32>} : memref<64xi32, #tpu.memory_space<vmem>>, vector<16xi32>,
    %swap3A_16 = arith.constant 16 : index
    %swap3A_17 = tpu.vector_load %arg13[%swap3A_16] {strides = array<i32>} : memref<64xi32, #tpu.memory_space<vmem>>, vector<16xi32>,
    tpu.vector_store %arg13[%swap3A_16], %broadcast_in_dim3A_14 {strides = array<i32>} : memref<64xi32, #tpu.memory_space<vmem>>, vector<16xi32>,
    %swap3A_18 = arith.constant 32 : index
    %swap3A_19 = tpu.vector_load %arg13[%swap3A_18] {strides = array<i32>} : memref<64xi32, #tpu.memory_space<vmem>>, vector<16xi32>,
    tpu.vector_store %arg13[%swap3A_18], %broadcast_in_dim3A_14 {strides = array<i32>} : memref<64xi32, #tpu.memory_space<vmem>>, vector<16xi32>,
    %swap3A_20 = arith.constant 48 : index
    %swap3A_21 = tpu.vector_load %arg13[%swap3A_20] {strides = array<i32>} : memref<64xi32, #tpu.memory_space<vmem>>, vector<16xi32>,
    tpu.vector_store %arg13[%swap3A_20], %broadcast_in_dim3A_14 {strides = array<i32>} : memref<64xi32, #tpu.memory_space<vmem>>, vector<16xi32>,
    %get3A = arith.constant 0 : index
    %get3A_22 = tpu.vector_load %arg14[%get3A] {strides = array<i32>} : memref<64xf32, #tpu.memory_space<vmem>>, vector<16xf32>,
    %get3A_23 = arith.constant 16 : index
    %get3A_24 = tpu.vector_load %arg14[%get3A_23] {strides = array<i32>} : memref<64xf32, #tpu.memory_space<vmem>>, vector<16xf32>,
    %get3A_25 = arith.constant 32 : index
    %get3A_26 = tpu.vector_load %arg14[%get3A_25] {strides = array<i32>} : memref<64xf32, #tpu.memory_space<vmem>>, vector<16xf32>,
    %get3A_27 = arith.constant 48 : index
    %get3A_28 = tpu.vector_load %arg14[%get3A_27] {strides = array<i32>} : memref<64xf32, #tpu.memory_space<vmem>>, vector<16xf32>,
    %broadcast_in_dim3A_29 = arith.constant 1 : i32
    %broadcast_in_dim3A_30 = vector.broadcast %broadcast_in_dim3A_29 : i32 to vector<16xi32>
    %and3A = arith.constant 7 : i32
    %and3A_31 = vector.broadcast %and3A : i32 to vector<16xi32>
    %and3A_32 = arith.andi %iota3A, %and3A_31 : vector<16xi32>
    %shift_right_logical3A = arith.constant 3 : i32
    %shift_right_logical3A_33 = vector.broadcast %shift_right_logical3A : i32 to vector<16xi32>
    %shift_right_logical3A_34 = arith.shrui %iota3A, %shift_right_logical3A_33 : vector<16xi32>
    %scan3A = arith.constant 0 : i32
    %scan3A_35 = arith.constant 0 : i32
    %scan3A_36 = arith.constant 4 : i32
    %scan3A_37 = arith.addi %scan3A_35, %scan3A_36 : i32
    %scan3A_38 = arith.constant 1 : i32
    scf.for %scan3A_57 = %scan3A_35 to %scan3A_37 step %scan3A_38  : i32 {
      %mul3A_58 = arith.constant 2 : i32
      %mul3A_59 = arith.muli %mul3A_58, %scan3A_57 : i32
      %dma_wait3A_60 = arith.constant 0 : i32
      %dma_wait3A_61 = tpu.memref_slice %arg2[%mul3A_2, %dma_wait3A_60] : memref<32768x64xf32, #tpu.memory_space<hbm>> -> memref<128x64xf32, #tpu.memory_space<hbm>>
      %dma_wait3A_62 = arith.constant 0 : i32
      %dma_wait3A_63 = tpu.memref_slice %arg2[%mul3A_2, %dma_wait3A_62] : memref<32768x64xf32, #tpu.memory_space<hbm>> -> memref<128x64xf32, #tpu.memory_space<hbm>>
      tpu.wait_dma2 semaphore(%arg15 : memref<!tpu.dma_semaphore, #tpu.memory_space<semaphore_mem>>) src(%dma_wait3A_63 : memref<128x64xf32, #tpu.memory_space<hbm>>) dst(%arg7 : memref<128x64xf32, #tpu.memory_space<vmem>>)
      %gt3A = arith.constant 0 : i32
      %gt3A_64 = arith.cmpi sgt, %scan3A_57, %gt3A : i32
      %convert_element_type3A = arith.extui %gt3A_64 : i1 to i32
      %cond3A = arith.constant 0 : i32
      %cond3A_65 = arith.cmpi ne, %convert_element_type3A, %cond3A : i32
      scf.if %cond3A_65 {
        %dma_wait3A_124 = arith.constant 0 : i32
        %dma_wait3A_125 = tpu.memref_slice %arg4[%mul3A_2, %dma_wait3A_124] : memref<32768x8xf32, #tpu.memory_space<hbm>> -> memref<128x8xf32, #tpu.memory_space<hbm>>
        %dma_wait3A_126 = arith.constant 0 : i32
        %dma_wait3A_127 = tpu.memref_slice %arg4[%mul3A_2, %dma_wait3A_126] : memref<32768x8xf32, #tpu.memory_space<hbm>> -> memref<128x8xf32, #tpu.memory_space<hbm>>
        tpu.wait_dma2 semaphore(%arg17 : memref<!tpu.dma_semaphore, #tpu.memory_space<semaphore_mem>>) src(%arg9 : memref<128x8xf32, #tpu.memory_space<vmem>>) dst(%dma_wait3A_127 : memref<128x8xf32, #tpu.memory_space<hbm>>)
        %dma_wait3A_128 = arith.constant 0 : i32
        %dma_wait3A_129 = tpu.memref_slice %arg5[%mul3A_2, %dma_wait3A_128] : memref<32768x8xi32, #tpu.memory_space<hbm>> -> memref<128x8xi32, #tpu.memory_space<hbm>>
        %dma_wait3A_130 = arith.constant 0 : i32
        %dma_wait3A_131 = tpu.memref_slice %arg5[%mul3A_2, %dma_wait3A_130] : memref<32768x8xi32, #tpu.memory_space<hbm>> -> memref<128x8xi32, #tpu.memory_space<hbm>>
        tpu.wait_dma2 semaphore(%arg18 : memref<!tpu.dma_semaphore, #tpu.memory_space<semaphore_mem>>) src(%arg11 : memref<128x8xi32, #tpu.memory_space<vmem>>) dst(%dma_wait3A_131 : memref<128x8xi32, #tpu.memory_space<hbm>>)
      } else {
      }
      %mul3A_66 = arith.constant 64 : i32
      %mul3A_67 = arith.muli %mul3A_59, %mul3A_66 : i32
      %parallel_loop3A = arith.constant 0 : i32
      %parallel_loop3A_68 = arith.constant 64 : i32
      %parallel_loop3A_69 = arith.constant 1 : i32
      scf.for %parallel_loop3A_124 = %parallel_loop3A to %parallel_loop3A_68 step %parallel_loop3A_69  : i32 {
        %parallel_loop3A_125 = arith.addi %mul3A_67, %parallel_loop3A_124 : i32
        %parallel_loop3A_126 = arith.subi %parallel_loop3A_125, %mul3A_67 : i32
        %parallel_loop3A_127 = arith.constant 2 : i32
        %parallel_loop3A_128 = arith.muli %parallel_loop3A_127, %parallel_loop3A_126 : i32
        %parallel_loop3A_129 = arith.index_cast %parallel_loop3A_128 : i32 to index
        %parallel_loop3A_130 = arith.constant 0 : index
        %parallel_loop3A_131 = tpu.vector_load %arg7[%parallel_loop3A_129, %parallel_loop3A_130] {strides = array<i32>} : memref<128x64xf32, #tpu.memory_space<vmem>>, vector<16xf32>,
        %parallel_loop3A_132 = arith.constant 0.000000e+00 : f32
        %parallel_loop3A_133 = vector.broadcast %parallel_loop3A_132 : f32 to vector<16xf32>
        %parallel_loop3A_134 = arith.subf %parallel_loop3A_133, %parallel_loop3A_131 : vector<16xf32>
        %parallel_loop3A_135 = math.exp %parallel_loop3A_134 : vector<16xf32>
        %parallel_loop3A_136 = arith.constant 1.000000e+00 : f32
        %parallel_loop3A_137 = vector.broadcast %parallel_loop3A_136 : f32 to vector<16xf32>
        %parallel_loop3A_138 = arith.addf %parallel_loop3A_137, %parallel_loop3A_135 : vector<16xf32>
        %parallel_loop3A_139 = arith.constant 1.000000e+00 : f32
        %parallel_loop3A_140 = vector.broadcast %parallel_loop3A_139 : f32 to vector<16xf32>
        %parallel_loop3A_141 = arith.divf %parallel_loop3A_140, %parallel_loop3A_138 : vector<16xf32>
        %parallel_loop3A_142 = arith.addf %parallel_loop3A_141, %get3A_22 : vector<16xf32>
        %parallel_loop3A_143 = arith.constant 0 : i32
        %parallel_loop3A_144 = vector.broadcast %parallel_loop3A_143 : i32 to vector<16xi32>
        %parallel_loop3A_145 = arith.addi %iota3A, %parallel_loop3A_144 : vector<16xi32>
        %parallel_loop3A_146 = arith.constant dense<true> : vector<16xi1>
        %parallel_loop3A_147, %parallel_loop3A_148, %parallel_loop3A_149 = tpu.sort %parallel_loop3A_142, %parallel_loop3A_145 masked %parallel_loop3A_146 {descending = true} : (vector<16xf32>, vector<16xi32>, vector<16xi1>) -> (vector<16xi1>, vector<16xf32>, vector<16xi32>)
        %parallel_loop3A_150 = arith.index_cast %parallel_loop3A_128 : i32 to index
        %parallel_loop3A_151 = arith.constant 16 : index
        %parallel_loop3A_152 = tpu.vector_load %arg7[%parallel_loop3A_150, %parallel_loop3A_151] {strides = array<i32>} : memref<128x64xf32, #tpu.memory_space<vmem>>, vector<16xf32>,
        %parallel_loop3A_153 = arith.constant 0.000000e+00 : f32
        %parallel_loop3A_154 = vector.broadcast %parallel_loop3A_153 : f32 to vector<16xf32>
        %parallel_loop3A_155 = arith.subf %parallel_loop3A_154, %parallel_loop3A_152 : vector<16xf32>
        %parallel_loop3A_156 = math.exp %parallel_loop3A_155 : vector<16xf32>
        %parallel_loop3A_157 = arith.constant 1.000000e+00 : f32
        %parallel_loop3A_158 = vector.broadcast %parallel_loop3A_157 : f32 to vector<16xf32>
        %parallel_loop3A_159 = arith.addf %parallel_loop3A_158, %parallel_loop3A_156 : vector<16xf32>
        %parallel_loop3A_160 = arith.constant 1.000000e+00 : f32
        %parallel_loop3A_161 = vector.broadcast %parallel_loop3A_160 : f32 to vector<16xf32>
        %parallel_loop3A_162 = arith.divf %parallel_loop3A_161, %parallel_loop3A_159 : vector<16xf32>
        %parallel_loop3A_163 = arith.addf %parallel_loop3A_162, %get3A_24 : vector<16xf32>
        %parallel_loop3A_164 = arith.constant 16 : i32
        %parallel_loop3A_165 = vector.broadcast %parallel_loop3A_164 : i32 to vector<16xi32>
        %parallel_loop3A_166 = arith.addi %iota3A, %parallel_loop3A_165 : vector<16xi32>
        %parallel_loop3A_167 = arith.constant dense<true> : vector<16xi1>
        %parallel_loop3A_168, %parallel_loop3A_169, %parallel_loop3A_170 = tpu.sort %parallel_loop3A_163, %parallel_loop3A_166 masked %parallel_loop3A_167 {descending = true} : (vector<16xf32>, vector<16xi32>, vector<16xi1>) -> (vector<16xi1>, vector<16xf32>, vector<16xi32>)
        %parallel_loop3A_171 = arith.index_cast %parallel_loop3A_128 : i32 to index
        %parallel_loop3A_172 = arith.constant 32 : index
        %parallel_loop3A_173 = tpu.vector_load %arg7[%parallel_loop3A_171, %parallel_loop3A_172] {strides = array<i32>} : memref<128x64xf32, #tpu.memory_space<vmem>>, vector<16xf32>,
        %parallel_loop3A_174 = arith.constant 0.000000e+00 : f32
        %parallel_loop3A_175 = vector.broadcast %parallel_loop3A_174 : f32 to vector<16xf32>
        %parallel_loop3A_176 = arith.subf %parallel_loop3A_175, %parallel_loop3A_173 : vector<16xf32>
        %parallel_loop3A_177 = math.exp %parallel_loop3A_176 : vector<16xf32>
        %parallel_loop3A_178 = arith.constant 1.000000e+00 : f32
        %parallel_loop3A_179 = vector.broadcast %parallel_loop3A_178 : f32 to vector<16xf32>
        %parallel_loop3A_180 = arith.addf %parallel_loop3A_179, %parallel_loop3A_177 : vector<16xf32>
        %parallel_loop3A_181 = arith.constant 1.000000e+00 : f32
        %parallel_loop3A_182 = vector.broadcast %parallel_loop3A_181 : f32 to vector<16xf32>
        %parallel_loop3A_183 = arith.divf %parallel_loop3A_182, %parallel_loop3A_180 : vector<16xf32>
        %parallel_loop3A_184 = arith.addf %parallel_loop3A_183, %get3A_26 : vector<16xf32>
        %parallel_loop3A_185 = arith.constant 32 : i32
        %parallel_loop3A_186 = vector.broadcast %parallel_loop3A_185 : i32 to vector<16xi32>
        %parallel_loop3A_187 = arith.addi %iota3A, %parallel_loop3A_186 : vector<16xi32>
        %parallel_loop3A_188 = arith.constant dense<true> : vector<16xi1>
        %parallel_loop3A_189, %parallel_loop3A_190, %parallel_loop3A_191 = tpu.sort %parallel_loop3A_184, %parallel_loop3A_187 masked %parallel_loop3A_188 {descending = true} : (vector<16xf32>, vector<16xi32>, vector<16xi1>) -> (vector<16xi1>, vector<16xf32>, vector<16xi32>)
        %parallel_loop3A_192 = arith.index_cast %parallel_loop3A_128 : i32 to index
        %parallel_loop3A_193 = arith.constant 48 : index
        %parallel_loop3A_194 = tpu.vector_load %arg7[%parallel_loop3A_192, %parallel_loop3A_193] {strides = array<i32>} : memref<128x64xf32, #tpu.memory_space<vmem>>, vector<16xf32>,
        %parallel_loop3A_195 = arith.constant 0.000000e+00 : f32
        %parallel_loop3A_196 = vector.broadcast %parallel_loop3A_195 : f32 to vector<16xf32>
        %parallel_loop3A_197 = arith.subf %parallel_loop3A_196, %parallel_loop3A_194 : vector<16xf32>
        %parallel_loop3A_198 = math.exp %parallel_loop3A_197 : vector<16xf32>
        %parallel_loop3A_199 = arith.constant 1.000000e+00 : f32
        %parallel_loop3A_200 = vector.broadcast %parallel_loop3A_199 : f32 to vector<16xf32>
        %parallel_loop3A_201 = arith.addf %parallel_loop3A_200, %parallel_loop3A_198 : vector<16xf32>
        %parallel_loop3A_202 = arith.constant 1.000000e+00 : f32
        %parallel_loop3A_203 = vector.broadcast %parallel_loop3A_202 : f32 to vector<16xf32>
        %parallel_loop3A_204 = arith.divf %parallel_loop3A_203, %parallel_loop3A_201 : vector<16xf32>
        %parallel_loop3A_205 = arith.addf %parallel_loop3A_204, %get3A_28 : vector<16xf32>
        %parallel_loop3A_206 = arith.constant 48 : i32
        %parallel_loop3A_207 = vector.broadcast %parallel_loop3A_206 : i32 to vector<16xi32>
        %parallel_loop3A_208 = arith.addi %iota3A, %parallel_loop3A_207 : vector<16xi32>
        %parallel_loop3A_209 = arith.constant dense<true> : vector<16xi1>
        %parallel_loop3A_210, %parallel_loop3A_211, %parallel_loop3A_212 = tpu.sort %parallel_loop3A_205, %parallel_loop3A_208 masked %parallel_loop3A_209 {descending = true} : (vector<16xf32>, vector<16xi32>, vector<16xi1>) -> (vector<16xi1>, vector<16xf32>, vector<16xi32>)
        %parallel_loop3A_213 = arith.constant 15 : i32
        %parallel_loop3A_214 = vector.broadcast %parallel_loop3A_213 : i32 to vector<16xi32>
        %parallel_loop3A_215 = tpu.iota {dimensions = array<i32: 0>} : vector<16xi32>
        %parallel_loop3A_216 = arith.subi %parallel_loop3A_214, %parallel_loop3A_215 : vector<16xi32>
        %parallel_loop3A_217 = tpu.dynamic_gather %parallel_loop3A_169[%parallel_loop3A_216] in [0] : vector<16xf32>, vector<16xi32> -> vector<16xf32>
        %parallel_loop3A_218 = arith.constant 15 : i32
        %parallel_loop3A_219 = vector.broadcast %parallel_loop3A_218 : i32 to vector<16xi32>
        %parallel_loop3A_220 = tpu.iota {dimensions = array<i32: 0>} : vector<16xi32>
        %parallel_loop3A_221 = arith.subi %parallel_loop3A_219, %parallel_loop3A_220 : vector<16xi32>
        %parallel_loop3A_222 = tpu.dynamic_gather %parallel_loop3A_170[%parallel_loop3A_221] in [0] : vector<16xi32>, vector<16xi32> -> vector<16xi32>
        %parallel_loop3A_223 = arith.select %lt3A_13, %parallel_loop3A_148, %parallel_loop3A_217 : vector<16xi1>, vector<16xf32>
        %parallel_loop3A_224 = arith.select %lt3A_13, %parallel_loop3A_149, %parallel_loop3A_222 : vector<16xi1>, vector<16xi32>
        %parallel_loop3A_225 = arith.constant dense<true> : vector<16xi1>
        %parallel_loop3A_226, %parallel_loop3A_227, %parallel_loop3A_228 = tpu.sort %parallel_loop3A_223, %parallel_loop3A_224 masked %parallel_loop3A_225 {descending = true} : (vector<16xf32>, vector<16xi32>, vector<16xi1>) -> (vector<16xi1>, vector<16xf32>, vector<16xi32>)
        %parallel_loop3A_229 = arith.constant 15 : i32
        %parallel_loop3A_230 = vector.broadcast %parallel_loop3A_229 : i32 to vector<16xi32>
        %parallel_loop3A_231 = tpu.iota {dimensions = array<i32: 0>} : vector<16xi32>
        %parallel_loop3A_232 = arith.subi %parallel_loop3A_230, %parallel_loop3A_231 : vector<16xi32>
        %parallel_loop3A_233 = tpu.dynamic_gather %parallel_loop3A_211[%parallel_loop3A_232] in [0] : vector<16xf32>, vector<16xi32> -> vector<16xf32>
        %parallel_loop3A_234 = arith.constant 15 : i32
        %parallel_loop3A_235 = vector.broadcast %parallel_loop3A_234 : i32 to vector<16xi32>
        %parallel_loop3A_236 = tpu.iota {dimensions = array<i32: 0>} : vector<16xi32>
        %parallel_loop3A_237 = arith.subi %parallel_loop3A_235, %parallel_loop3A_236 : vector<16xi32>
        %parallel_loop3A_238 = tpu.dynamic_gather %parallel_loop3A_212[%parallel_loop3A_237] in [0] : vector<16xi32>, vector<16xi32> -> vector<16xi32>
        %parallel_loop3A_239 = arith.select %lt3A_13, %parallel_loop3A_190, %parallel_loop3A_233 : vector<16xi1>, vector<16xf32>
        %parallel_loop3A_240 = arith.select %lt3A_13, %parallel_loop3A_191, %parallel_loop3A_238 : vector<16xi1>, vector<16xi32>
        %parallel_loop3A_241 = arith.constant dense<true> : vector<16xi1>
        %parallel_loop3A_242, %parallel_loop3A_243, %parallel_loop3A_244 = tpu.sort %parallel_loop3A_239, %parallel_loop3A_240 masked %parallel_loop3A_241 {descending = true} : (vector<16xf32>, vector<16xi32>, vector<16xi1>) -> (vector<16xi1>, vector<16xf32>, vector<16xi32>)
        %parallel_loop3A_245 = arith.constant 15 : i32
        %parallel_loop3A_246 = vector.broadcast %parallel_loop3A_245 : i32 to vector<16xi32>
        %parallel_loop3A_247 = tpu.iota {dimensions = array<i32: 0>} : vector<16xi32>
        %parallel_loop3A_248 = arith.subi %parallel_loop3A_246, %parallel_loop3A_247 : vector<16xi32>
        %parallel_loop3A_249 = tpu.dynamic_gather %parallel_loop3A_243[%parallel_loop3A_248] in [0] : vector<16xf32>, vector<16xi32> -> vector<16xf32>
        %parallel_loop3A_250 = arith.constant 15 : i32
        %parallel_loop3A_251 = vector.broadcast %parallel_loop3A_250 : i32 to vector<16xi32>
        %parallel_loop3A_252 = tpu.iota {dimensions = array<i32: 0>} : vector<16xi32>
        %parallel_loop3A_253 = arith.subi %parallel_loop3A_251, %parallel_loop3A_252 : vector<16xi32>
        %parallel_loop3A_254 = tpu.dynamic_gather %parallel_loop3A_244[%parallel_loop3A_253] in [0] : vector<16xi32>, vector<16xi32> -> vector<16xi32>
        %parallel_loop3A_255 = arith.select %lt3A_13, %parallel_loop3A_227, %parallel_loop3A_249 : vector<16xi1>, vector<16xf32>
        %parallel_loop3A_256 = arith.select %lt3A_13, %parallel_loop3A_228, %parallel_loop3A_254 : vector<16xi1>, vector<16xi32>
        %parallel_loop3A_257 = arith.constant dense<true> : vector<16xi1>
        %parallel_loop3A_258, %parallel_loop3A_259, %parallel_loop3A_260 = tpu.sort %parallel_loop3A_255, %parallel_loop3A_256 masked %parallel_loop3A_257 {descending = true} : (vector<16xf32>, vector<16xi32>, vector<16xi1>) -> (vector<16xi1>, vector<16xf32>, vector<16xi32>)
        %parallel_loop3A_261 = arith.constant 1 : i32
        %parallel_loop3A_262 = arith.addi %parallel_loop3A_128, %parallel_loop3A_261 : i32
        %parallel_loop3A_263 = arith.index_cast %parallel_loop3A_262 : i32 to index
        %parallel_loop3A_264 = arith.constant 0 : index
        %parallel_loop3A_265 = tpu.vector_load %arg7[%parallel_loop3A_263, %parallel_loop3A_264] {strides = array<i32>} : memref<128x64xf32, #tpu.memory_space<vmem>>, vector<16xf32>,
        %parallel_loop3A_266 = arith.constant 0.000000e+00 : f32
        %parallel_loop3A_267 = vector.broadcast %parallel_loop3A_266 : f32 to vector<16xf32>
        %parallel_loop3A_268 = arith.subf %parallel_loop3A_267, %parallel_loop3A_265 : vector<16xf32>
        %parallel_loop3A_269 = math.exp %parallel_loop3A_268 : vector<16xf32>
        %parallel_loop3A_270 = arith.constant 1.000000e+00 : f32
        %parallel_loop3A_271 = vector.broadcast %parallel_loop3A_270 : f32 to vector<16xf32>
        %parallel_loop3A_272 = arith.addf %parallel_loop3A_271, %parallel_loop3A_269 : vector<16xf32>
        %parallel_loop3A_273 = arith.constant 1.000000e+00 : f32
        %parallel_loop3A_274 = vector.broadcast %parallel_loop3A_273 : f32 to vector<16xf32>
        %parallel_loop3A_275 = arith.divf %parallel_loop3A_274, %parallel_loop3A_272 : vector<16xf32>
        %parallel_loop3A_276 = arith.addf %parallel_loop3A_275, %get3A_22 : vector<16xf32>
        %parallel_loop3A_277 = arith.constant 0 : i32
        %parallel_loop3A_278 = vector.broadcast %parallel_loop3A_277 : i32 to vector<16xi32>
        %parallel_loop3A_279 = arith.addi %iota3A, %parallel_loop3A_278 : vector<16xi32>
        %parallel_loop3A_280 = arith.constant dense<true> : vector<16xi1>
        %parallel_loop3A_281, %parallel_loop3A_282, %parallel_loop3A_283 = tpu.sort %parallel_loop3A_276, %parallel_loop3A_279 masked %parallel_loop3A_280 {descending = true} : (vector<16xf32>, vector<16xi32>, vector<16xi1>) -> (vector<16xi1>, vector<16xf32>, vector<16xi32>)
        %parallel_loop3A_284 = arith.index_cast %parallel_loop3A_262 : i32 to index
        %parallel_loop3A_285 = arith.constant 16 : index
        %parallel_loop3A_286 = tpu.vector_load %arg7[%parallel_loop3A_284, %parallel_loop3A_285] {strides = array<i32>} : memref<128x64xf32, #tpu.memory_space<vmem>>, vector<16xf32>,
        %parallel_loop3A_287 = arith.constant 0.000000e+00 : f32
        %parallel_loop3A_288 = vector.broadcast %parallel_loop3A_287 : f32 to vector<16xf32>
        %parallel_loop3A_289 = arith.subf %parallel_loop3A_288, %parallel_loop3A_286 : vector<16xf32>
        %parallel_loop3A_290 = math.exp %parallel_loop3A_289 : vector<16xf32>
        %parallel_loop3A_291 = arith.constant 1.000000e+00 : f32
        %parallel_loop3A_292 = vector.broadcast %parallel_loop3A_291 : f32 to vector<16xf32>
        %parallel_loop3A_293 = arith.addf %parallel_loop3A_292, %parallel_loop3A_290 : vector<16xf32>
        %parallel_loop3A_294 = arith.constant 1.000000e+00 : f32
        %parallel_loop3A_295 = vector.broadcast %parallel_loop3A_294 : f32 to vector<16xf32>
        %parallel_loop3A_296 = arith.divf %parallel_loop3A_295, %parallel_loop3A_293 : vector<16xf32>
        %parallel_loop3A_297 = arith.addf %parallel_loop3A_296, %get3A_24 : vector<16xf32>
        %parallel_loop3A_298 = arith.constant 16 : i32
        %parallel_loop3A_299 = vector.broadcast %parallel_loop3A_298 : i32 to vector<16xi32>
        %parallel_loop3A_300 = arith.addi %iota3A, %parallel_loop3A_299 : vector<16xi32>
        %parallel_loop3A_301 = arith.constant dense<true> : vector<16xi1>
        %parallel_loop3A_302, %parallel_loop3A_303, %parallel_loop3A_304 = tpu.sort %parallel_loop3A_297, %parallel_loop3A_300 masked %parallel_loop3A_301 {descending = true} : (vector<16xf32>, vector<16xi32>, vector<16xi1>) -> (vector<16xi1>, vector<16xf32>, vector<16xi32>)
        %parallel_loop3A_305 = arith.index_cast %parallel_loop3A_262 : i32 to index
        %parallel_loop3A_306 = arith.constant 32 : index
        %parallel_loop3A_307 = tpu.vector_load %arg7[%parallel_loop3A_305, %parallel_loop3A_306] {strides = array<i32>} : memref<128x64xf32, #tpu.memory_space<vmem>>, vector<16xf32>,
        %parallel_loop3A_308 = arith.constant 0.000000e+00 : f32
        %parallel_loop3A_309 = vector.broadcast %parallel_loop3A_308 : f32 to vector<16xf32>
        %parallel_loop3A_310 = arith.subf %parallel_loop3A_309, %parallel_loop3A_307 : vector<16xf32>
        %parallel_loop3A_311 = math.exp %parallel_loop3A_310 : vector<16xf32>
        %parallel_loop3A_312 = arith.constant 1.000000e+00 : f32
        %parallel_loop3A_313 = vector.broadcast %parallel_loop3A_312 : f32 to vector<16xf32>
        %parallel_loop3A_314 = arith.addf %parallel_loop3A_313, %parallel_loop3A_311 : vector<16xf32>
        %parallel_loop3A_315 = arith.constant 1.000000e+00 : f32
        %parallel_loop3A_316 = vector.broadcast %parallel_loop3A_315 : f32 to vector<16xf32>
        %parallel_loop3A_317 = arith.divf %parallel_loop3A_316, %parallel_loop3A_314 : vector<16xf32>
        %parallel_loop3A_318 = arith.addf %parallel_loop3A_317, %get3A_26 : vector<16xf32>
        %parallel_loop3A_319 = arith.constant 32 : i32
        %parallel_loop3A_320 = vector.broadcast %parallel_loop3A_319 : i32 to vector<16xi32>
        %parallel_loop3A_321 = arith.addi %iota3A, %parallel_loop3A_320 : vector<16xi32>
        %parallel_loop3A_322 = arith.constant dense<true> : vector<16xi1>
        %parallel_loop3A_323, %parallel_loop3A_324, %parallel_loop3A_325 = tpu.sort %parallel_loop3A_318, %parallel_loop3A_321 masked %parallel_loop3A_322 {descending = true} : (vector<16xf32>, vector<16xi32>, vector<16xi1>) -> (vector<16xi1>, vector<16xf32>, vector<16xi32>)
        %parallel_loop3A_326 = arith.index_cast %parallel_loop3A_262 : i32 to index
        %parallel_loop3A_327 = arith.constant 48 : index
        %parallel_loop3A_328 = tpu.vector_load %arg7[%parallel_loop3A_326, %parallel_loop3A_327] {strides = array<i32>} : memref<128x64xf32, #tpu.memory_space<vmem>>, vector<16xf32>,
        %parallel_loop3A_329 = arith.constant 0.000000e+00 : f32
        %parallel_loop3A_330 = vector.broadcast %parallel_loop3A_329 : f32 to vector<16xf32>
        %parallel_loop3A_331 = arith.subf %parallel_loop3A_330, %parallel_loop3A_328 : vector<16xf32>
        %parallel_loop3A_332 = math.exp %parallel_loop3A_331 : vector<16xf32>
        %parallel_loop3A_333 = arith.constant 1.000000e+00 : f32
        %parallel_loop3A_334 = vector.broadcast %parallel_loop3A_333 : f32 to vector<16xf32>
        %parallel_loop3A_335 = arith.addf %parallel_loop3A_334, %parallel_loop3A_332 : vector<16xf32>
        %parallel_loop3A_336 = arith.constant 1.000000e+00 : f32
        %parallel_loop3A_337 = vector.broadcast %parallel_loop3A_336 : f32 to vector<16xf32>
        %parallel_loop3A_338 = arith.divf %parallel_loop3A_337, %parallel_loop3A_335 : vector<16xf32>
        %parallel_loop3A_339 = arith.addf %parallel_loop3A_338, %get3A_28 : vector<16xf32>
        %parallel_loop3A_340 = arith.constant 48 : i32
        %parallel_loop3A_341 = vector.broadcast %parallel_loop3A_340 : i32 to vector<16xi32>
        %parallel_loop3A_342 = arith.addi %iota3A, %parallel_loop3A_341 : vector<16xi32>
        %parallel_loop3A_343 = arith.constant dense<true> : vector<16xi1>
        %parallel_loop3A_344, %parallel_loop3A_345, %parallel_loop3A_346 = tpu.sort %parallel_loop3A_339, %parallel_loop3A_342 masked %parallel_loop3A_343 {descending = true} : (vector<16xf32>, vector<16xi32>, vector<16xi1>) -> (vector<16xi1>, vector<16xf32>, vector<16xi32>)
        %parallel_loop3A_347 = arith.constant 15 : i32
        %parallel_loop3A_348 = vector.broadcast %parallel_loop3A_347 : i32 to vector<16xi32>
        %parallel_loop3A_349 = tpu.iota {dimensions = array<i32: 0>} : vector<16xi32>
        %parallel_loop3A_350 = arith.subi %parallel_loop3A_348, %parallel_loop3A_349 : vector<16xi32>
        %parallel_loop3A_351 = tpu.dynamic_gather %parallel_loop3A_303[%parallel_loop3A_350] in [0] : vector<16xf32>, vector<16xi32> -> vector<16xf32>
        %parallel_loop3A_352 = arith.constant 15 : i32
        %parallel_loop3A_353 = vector.broadcast %parallel_loop3A_352 : i32 to vector<16xi32>
        %parallel_loop3A_354 = tpu.iota {dimensions = array<i32: 0>} : vector<16xi32>
        %parallel_loop3A_355 = arith.subi %parallel_loop3A_353, %parallel_loop3A_354 : vector<16xi32>
        %parallel_loop3A_356 = tpu.dynamic_gather %parallel_loop3A_304[%parallel_loop3A_355] in [0] : vector<16xi32>, vector<16xi32> -> vector<16xi32>
        %parallel_loop3A_357 = arith.select %lt3A_13, %parallel_loop3A_282, %parallel_loop3A_351 : vector<16xi1>, vector<16xf32>
        %parallel_loop3A_358 = arith.select %lt3A_13, %parallel_loop3A_283, %parallel_loop3A_356 : vector<16xi1>, vector<16xi32>
        %parallel_loop3A_359 = arith.constant dense<true> : vector<16xi1>
        %parallel_loop3A_360, %parallel_loop3A_361, %parallel_loop3A_362 = tpu.sort %parallel_loop3A_357, %parallel_loop3A_358 masked %parallel_loop3A_359 {descending = true} : (vector<16xf32>, vector<16xi32>, vector<16xi1>) -> (vector<16xi1>, vector<16xf32>, vector<16xi32>)
        %parallel_loop3A_363 = arith.constant 15 : i32
        %parallel_loop3A_364 = vector.broadcast %parallel_loop3A_363 : i32 to vector<16xi32>
        %parallel_loop3A_365 = tpu.iota {dimensions = array<i32: 0>} : vector<16xi32>
        %parallel_loop3A_366 = arith.subi %parallel_loop3A_364, %parallel_loop3A_365 : vector<16xi32>
        %parallel_loop3A_367 = tpu.dynamic_gather %parallel_loop3A_345[%parallel_loop3A_366] in [0] : vector<16xf32>, vector<16xi32> -> vector<16xf32>
        %parallel_loop3A_368 = arith.constant 15 : i32
        %parallel_loop3A_369 = vector.broadcast %parallel_loop3A_368 : i32 to vector<16xi32>
        %parallel_loop3A_370 = tpu.iota {dimensions = array<i32: 0>} : vector<16xi32>
        %parallel_loop3A_371 = arith.subi %parallel_loop3A_369, %parallel_loop3A_370 : vector<16xi32>
        %parallel_loop3A_372 = tpu.dynamic_gather %parallel_loop3A_346[%parallel_loop3A_371] in [0] : vector<16xi32>, vector<16xi32> -> vector<16xi32>
        %parallel_loop3A_373 = arith.select %lt3A_13, %parallel_loop3A_324, %parallel_loop3A_367 : vector<16xi1>, vector<16xf32>
        %parallel_loop3A_374 = arith.select %lt3A_13, %parallel_loop3A_325, %parallel_loop3A_372 : vector<16xi1>, vector<16xi32>
        %parallel_loop3A_375 = arith.constant dense<true> : vector<16xi1>
        %parallel_loop3A_376, %parallel_loop3A_377, %parallel_loop3A_378 = tpu.sort %parallel_loop3A_373, %parallel_loop3A_374 masked %parallel_loop3A_375 {descending = true} : (vector<16xf32>, vector<16xi32>, vector<16xi1>) -> (vector<16xi1>, vector<16xf32>, vector<16xi32>)
        %parallel_loop3A_379 = arith.constant 15 : i32
        %parallel_loop3A_380 = vector.broadcast %parallel_loop3A_379 : i32 to vector<16xi32>
        %parallel_loop3A_381 = tpu.iota {dimensions = array<i32: 0>} : vector<16xi32>
        %parallel_loop3A_382 = arith.subi %parallel_loop3A_380, %parallel_loop3A_381 : vector<16xi32>
        %parallel_loop3A_383 = tpu.dynamic_gather %parallel_loop3A_377[%parallel_loop3A_382] in [0] : vector<16xf32>, vector<16xi32> -> vector<16xf32>
        %parallel_loop3A_384 = arith.constant 15 : i32
        %parallel_loop3A_385 = vector.broadcast %parallel_loop3A_384 : i32 to vector<16xi32>
        %parallel_loop3A_386 = tpu.iota {dimensions = array<i32: 0>} : vector<16xi32>
        %parallel_loop3A_387 = arith.subi %parallel_loop3A_385, %parallel_loop3A_386 : vector<16xi32>
        %parallel_loop3A_388 = tpu.dynamic_gather %parallel_loop3A_378[%parallel_loop3A_387] in [0] : vector<16xi32>, vector<16xi32> -> vector<16xi32>
        %parallel_loop3A_389 = arith.select %lt3A_13, %parallel_loop3A_361, %parallel_loop3A_383 : vector<16xi1>, vector<16xf32>
        %parallel_loop3A_390 = arith.select %lt3A_13, %parallel_loop3A_362, %parallel_loop3A_388 : vector<16xi1>, vector<16xi32>
        %parallel_loop3A_391 = arith.constant dense<true> : vector<16xi1>
        %parallel_loop3A_392, %parallel_loop3A_393, %parallel_loop3A_394 = tpu.sort %parallel_loop3A_389, %parallel_loop3A_390 masked %parallel_loop3A_391 {descending = true} : (vector<16xf32>, vector<16xi32>, vector<16xi1>) -> (vector<16xi1>, vector<16xf32>, vector<16xi32>)
        %parallel_loop3A_395 = arith.constant 0 : i32
        %parallel_loop3A_396 = vector.broadcast %parallel_loop3A_395 : i32 to vector<16xi32>
        %parallel_loop3A_397 = arith.cmpi slt, %and3A_32, %parallel_loop3A_396 : vector<16xi32>
        %parallel_loop3A_398 = arith.constant 16 : i32
        %parallel_loop3A_399 = vector.broadcast %parallel_loop3A_398 : i32 to vector<16xi32>
        %parallel_loop3A_400 = arith.addi %and3A_32, %parallel_loop3A_399 : vector<16xi32>
        %parallel_loop3A_401 = arith.select %parallel_loop3A_397, %parallel_loop3A_400, %and3A_32 : vector<16xi1>, vector<16xi32>
        %parallel_loop3A_402 = vector.shape_cast %parallel_loop3A_401 : vector<16xi32> to vector<16x1xi32>
        %parallel_loop3A_403 = vector.shape_cast %parallel_loop3A_402 : vector<16x1xi32> to vector<16xi32>
        %parallel_loop3A_404 = tpu.dynamic_gather %parallel_loop3A_393[%parallel_loop3A_403] in [0] : vector<16xf32>, vector<16xi32> -> vector<16xf32>
        %parallel_loop3A_405 = arith.select %lt3A_13, %parallel_loop3A_259, %parallel_loop3A_404 : vector<16xi1>, vector<16xf32>
        %parallel_loop3A_406 = arith.constant 0 : i32
        %parallel_loop3A_407 = vector.broadcast %parallel_loop3A_406 : i32 to vector<16xi32>
        %parallel_loop3A_408 = arith.cmpi slt, %and3A_32, %parallel_loop3A_407 : vector<16xi32>
        %parallel_loop3A_409 = arith.constant 16 : i32
        %parallel_loop3A_410 = vector.broadcast %parallel_loop3A_409 : i32 to vector<16xi32>
        %parallel_loop3A_411 = arith.addi %and3A_32, %parallel_loop3A_410 : vector<16xi32>
        %parallel_loop3A_412 = arith.select %parallel_loop3A_408, %parallel_loop3A_411, %and3A_32 : vector<16xi1>, vector<16xi32>
        %parallel_loop3A_413 = vector.shape_cast %parallel_loop3A_412 : vector<16xi32> to vector<16x1xi32>
        %parallel_loop3A_414 = vector.shape_cast %parallel_loop3A_413 : vector<16x1xi32> to vector<16xi32>
        %parallel_loop3A_415 = tpu.dynamic_gather %parallel_loop3A_394[%parallel_loop3A_414] in [0] : vector<16xi32>, vector<16xi32> -> vector<16xi32>
        %parallel_loop3A_416 = arith.select %lt3A_13, %parallel_loop3A_260, %parallel_loop3A_415 : vector<16xi1>, vector<16xi32>
        %parallel_loop3A_417 = tpu.vector_load_idx %arg14[%parallel_loop3A_416] : memref<64xf32, #tpu.memory_space<vmem>>[vector<16xi32>], vector<16xf32>,
        %parallel_loop3A_418 = arith.subf %parallel_loop3A_405, %parallel_loop3A_417 : vector<16xf32>
        %parallel_loop3A_419 = arith.constant 1 : i32
        %parallel_loop3A_420 = vector.broadcast %parallel_loop3A_419 : i32 to vector<16xi32>
        %parallel_loop3A_421 = arith.xori %iota3A, %parallel_loop3A_420 : vector<16xi32>
        %parallel_loop3A_422 = arith.constant 0 : i32
        %parallel_loop3A_423 = vector.broadcast %parallel_loop3A_422 : i32 to vector<16xi32>
        %parallel_loop3A_424 = arith.cmpi slt, %parallel_loop3A_421, %parallel_loop3A_423 : vector<16xi32>
        %parallel_loop3A_425 = arith.constant 16 : i32
        %parallel_loop3A_426 = vector.broadcast %parallel_loop3A_425 : i32 to vector<16xi32>
        %parallel_loop3A_427 = arith.addi %parallel_loop3A_421, %parallel_loop3A_426 : vector<16xi32>
        %parallel_loop3A_428 = arith.select %parallel_loop3A_424, %parallel_loop3A_427, %parallel_loop3A_421 : vector<16xi1>, vector<16xi32>
        %parallel_loop3A_429 = vector.shape_cast %parallel_loop3A_428 : vector<16xi32> to vector<16x1xi32>
        %parallel_loop3A_430 = vector.shape_cast %parallel_loop3A_429 : vector<16x1xi32> to vector<16xi32>
        %parallel_loop3A_431 = tpu.dynamic_gather %parallel_loop3A_418[%parallel_loop3A_430] in [0] : vector<16xf32>, vector<16xi32> -> vector<16xf32>
        %parallel_loop3A_432 = arith.addf %parallel_loop3A_418, %parallel_loop3A_431 : vector<16xf32>
        %parallel_loop3A_433 = arith.constant 2 : i32
        %parallel_loop3A_434 = vector.broadcast %parallel_loop3A_433 : i32 to vector<16xi32>
        %parallel_loop3A_435 = arith.xori %iota3A, %parallel_loop3A_434 : vector<16xi32>
        %parallel_loop3A_436 = arith.constant 0 : i32
        %parallel_loop3A_437 = vector.broadcast %parallel_loop3A_436 : i32 to vector<16xi32>
        %parallel_loop3A_438 = arith.cmpi slt, %parallel_loop3A_435, %parallel_loop3A_437 : vector<16xi32>
        %parallel_loop3A_439 = arith.constant 16 : i32
        %parallel_loop3A_440 = vector.broadcast %parallel_loop3A_439 : i32 to vector<16xi32>
        %parallel_loop3A_441 = arith.addi %parallel_loop3A_435, %parallel_loop3A_440 : vector<16xi32>
        %parallel_loop3A_442 = arith.select %parallel_loop3A_438, %parallel_loop3A_441, %parallel_loop3A_435 : vector<16xi1>, vector<16xi32>
        %parallel_loop3A_443 = vector.shape_cast %parallel_loop3A_442 : vector<16xi32> to vector<16x1xi32>
        %parallel_loop3A_444 = vector.shape_cast %parallel_loop3A_443 : vector<16x1xi32> to vector<16xi32>
        %parallel_loop3A_445 = tpu.dynamic_gather %parallel_loop3A_432[%parallel_loop3A_444] in [0] : vector<16xf32>, vector<16xi32> -> vector<16xf32>
        %parallel_loop3A_446 = arith.addf %parallel_loop3A_432, %parallel_loop3A_445 : vector<16xf32>
        %parallel_loop3A_447 = arith.constant 4 : i32
        %parallel_loop3A_448 = vector.broadcast %parallel_loop3A_447 : i32 to vector<16xi32>
        %parallel_loop3A_449 = arith.xori %iota3A, %parallel_loop3A_448 : vector<16xi32>
        %parallel_loop3A_450 = arith.constant 0 : i32
        %parallel_loop3A_451 = vector.broadcast %parallel_loop3A_450 : i32 to vector<16xi32>
        %parallel_loop3A_452 = arith.cmpi slt, %parallel_loop3A_449, %parallel_loop3A_451 : vector<16xi32>
        %parallel_loop3A_453 = arith.constant 16 : i32
        %parallel_loop3A_454 = vector.broadcast %parallel_loop3A_453 : i32 to vector<16xi32>
        %parallel_loop3A_455 = arith.addi %parallel_loop3A_449, %parallel_loop3A_454 : vector<16xi32>
        %parallel_loop3A_456 = arith.select %parallel_loop3A_452, %parallel_loop3A_455, %parallel_loop3A_449 : vector<16xi1>, vector<16xi32>
        %parallel_loop3A_457 = vector.shape_cast %parallel_loop3A_456 : vector<16xi32> to vector<16x1xi32>
        %parallel_loop3A_458 = vector.shape_cast %parallel_loop3A_457 : vector<16x1xi32> to vector<16xi32>
        %parallel_loop3A_459 = tpu.dynamic_gather %parallel_loop3A_446[%parallel_loop3A_458] in [0] : vector<16xf32>, vector<16xi32> -> vector<16xf32>
        %parallel_loop3A_460 = arith.addf %parallel_loop3A_446, %parallel_loop3A_459 : vector<16xf32>
        %parallel_loop3A_461 = arith.constant 2.500000e+00 : f32
        %parallel_loop3A_462 = vector.broadcast %parallel_loop3A_461 : f32 to vector<16xf32>
        %parallel_loop3A_463 = arith.mulf %parallel_loop3A_418, %parallel_loop3A_462 : vector<16xf32>
        %parallel_loop3A_464 = arith.constant 9.99999968E-21 : f32
        %parallel_loop3A_465 = vector.broadcast %parallel_loop3A_464 : f32 to vector<16xf32>
        %parallel_loop3A_466 = arith.addf %parallel_loop3A_460, %parallel_loop3A_465 : vector<16xf32>
        %parallel_loop3A_467 = arith.divf %parallel_loop3A_463, %parallel_loop3A_466 : vector<16xf32>
        %parallel_loop3A_468 = arith.subi %parallel_loop3A_125, %mul3A_67 : i32
        %parallel_loop3A_469 = arith.constant 2 : i32
        %parallel_loop3A_470 = arith.muli %parallel_loop3A_469, %parallel_loop3A_468 : i32
        %parallel_loop3A_471 = vector.broadcast %parallel_loop3A_470 : i32 to vector<16xi32>
        %parallel_loop3A_472 = arith.addi %parallel_loop3A_471, %shift_right_logical3A_34 : vector<16xi32>
        tpu.vector_store_idx %arg9[%parallel_loop3A_472, %and3A_32], %parallel_loop3A_467 : memref<128x8xf32, #tpu.memory_space<vmem>>[vector<16xi32>, vector<16xi32>], vector<16xf32>,
        tpu.vector_store_idx %arg11[%parallel_loop3A_472, %and3A_32], %parallel_loop3A_416 : memref<128x8xi32, #tpu.memory_space<vmem>>[vector<16xi32>, vector<16xi32>], vector<16xi32>,
        tpu.vector_store_idx %arg13[%parallel_loop3A_416], %broadcast_in_dim3A_30 masked %lt3A_13 {add = true} : memref<64xi32, #tpu.memory_space<vmem>>[vector<16xi32>], vector<16xi32>, vector<16xi1>
        %parallel_loop3A_473 = arith.constant dense<true> : vector<16xi1>
        %parallel_loop3A_474 = arith.xori %lt3A_13, %parallel_loop3A_473 : vector<16xi1>
        tpu.vector_store_idx %arg13[%parallel_loop3A_416], %broadcast_in_dim3A_30 masked %parallel_loop3A_474 {add = true} : memref<64xi32, #tpu.memory_space<vmem>>[vector<16xi32>], vector<16xi32>, vector<16xi1>
      } {sc.loop_unroll_factor = 2 : i64, sc.parallel_access}
      %mul3A_70 = arith.constant 128 : i32
      %mul3A_71 = arith.muli %mul3A_59, %mul3A_70 : i32
      %add3A_72 = arith.addi %mul3A_2, %mul3A_71 : i32
      %dma_start3A_73 = arith.constant 0 : i32
      %dma_start3A_74 = tpu.memref_slice %arg4[%add3A_72, %dma_start3A_73] : memref<32768x8xf32, #tpu.memory_space<hbm>> -> memref<128x8xf32, #tpu.memory_space<hbm>>
      %dma_start3A_75 = arith.constant 0 : i32
      %dma_start3A_76 = tpu.memref_slice %arg4[%add3A_72, %dma_start3A_75] : memref<32768x8xf32, #tpu.memory_space<hbm>> -> memref<128x8xf32, #tpu.memory_space<hbm>>
      tpu.enqueue_dma source(%arg9 : memref<128x8xf32, #tpu.memory_space<vmem>>) target(%dma_start3A_76 : memref<128x8xf32, #tpu.memory_space<hbm>>) target_semaphore(%arg17 : memref<!tpu.dma_semaphore, #tpu.memory_space<semaphore_mem>>)
      %dma_start3A_77 = arith.constant 0 : i32
      %dma_start3A_78 = tpu.memref_slice %arg5[%add3A_72, %dma_start3A_77] : memref<32768x8xi32, #tpu.memory_space<hbm>> -> memref<128x8xi32, #tpu.memory_space<hbm>>
      %dma_start3A_79 = arith.constant 0 : i32
      %dma_start3A_80 = tpu.memref_slice %arg5[%add3A_72, %dma_start3A_79] : memref<32768x8xi32, #tpu.memory_space<hbm>> -> memref<128x8xi32, #tpu.memory_space<hbm>>
      tpu.enqueue_dma source(%arg11 : memref<128x8xi32, #tpu.memory_space<vmem>>) target(%dma_start3A_80 : memref<128x8xi32, #tpu.memory_space<hbm>>) target_semaphore(%arg18 : memref<!tpu.dma_semaphore, #tpu.memory_space<semaphore_mem>>)
      %add3A_81 = arith.constant 2 : i32
      %add3A_82 = arith.addi %mul3A_59, %add3A_81 : i32
      %lt3A_83 = arith.constant 8 : i32
      %lt3A_84 = arith.cmpi slt, %add3A_82, %lt3A_83 : i32
      %convert_element_type3A_85 = arith.extui %lt3A_84 : i1 to i32
      %cond3A_86 = arith.constant 0 : i32
      %cond3A_87 = arith.cmpi ne, %convert_element_type3A_85, %cond3A_86 : i32
      scf.if %cond3A_87 {
        %add3A_124 = arith.constant 2 : i32
        %add3A_125 = arith.addi %mul3A_59, %add3A_124 : i32
        %mul3A_126 = arith.constant 128 : i32
        %mul3A_127 = arith.muli %add3A_125, %mul3A_126 : i32
        %add3A_128 = arith.addi %mul3A_2, %mul3A_127 : i32
        %dma_start3A_129 = arith.constant 0 : i32
        %dma_start3A_130 = tpu.memref_slice %arg2[%add3A_128, %dma_start3A_129] : memref<32768x64xf32, #tpu.memory_space<hbm>> -> memref<128x64xf32, #tpu.memory_space<hbm>>
        %dma_start3A_131 = arith.constant 0 : i32
        %dma_start3A_132 = tpu.memref_slice %arg2[%add3A_128, %dma_start3A_131] : memref<32768x64xf32, #tpu.memory_space<hbm>> -> memref<128x64xf32, #tpu.memory_space<hbm>>
        tpu.enqueue_dma source(%dma_start3A_132 : memref<128x64xf32, #tpu.memory_space<hbm>>) target(%arg7 : memref<128x64xf32, #tpu.memory_space<vmem>>) target_semaphore(%arg15 : memref<!tpu.dma_semaphore, #tpu.memory_space<semaphore_mem>>)
      } else {
      }
      %mul3A_88 = arith.constant 2 : i32
      %mul3A_89 = arith.muli %mul3A_88, %scan3A_57 : i32
      %add3A_90 = arith.constant 1 : i32
      %add3A_91 = arith.addi %mul3A_89, %add3A_90 : i32
      %dma_wait3A_92 = arith.constant 0 : i32
      %dma_wait3A_93 = tpu.memref_slice %arg2[%mul3A_2, %dma_wait3A_92] : memref<32768x64xf32, #tpu.memory_space<hbm>> -> memref<128x64xf32, #tpu.memory_space<hbm>>
      %dma_wait3A_94 = arith.constant 0 : i32
      %dma_wait3A_95 = tpu.memref_slice %arg2[%mul3A_2, %dma_wait3A_94] : memref<32768x64xf32, #tpu.memory_space<hbm>> -> memref<128x64xf32, #tpu.memory_space<hbm>>
      tpu.wait_dma2 semaphore(%arg16 : memref<!tpu.dma_semaphore, #tpu.memory_space<semaphore_mem>>) src(%dma_wait3A_95 : memref<128x64xf32, #tpu.memory_space<hbm>>) dst(%arg8 : memref<128x64xf32, #tpu.memory_space<vmem>>)
      %gt3A_96 = arith.constant 0 : i32
      %gt3A_97 = arith.cmpi sgt, %scan3A_57, %gt3A_96 : i32
      %convert_element_type3A_98 = arith.extui %gt3A_97 : i1 to i32
      %cond3A_99 = arith.constant 0 : i32
      %cond3A_100 = arith.cmpi ne, %convert_element_type3A_98, %cond3A_99 : i32
      scf.if %cond3A_100 {
        %dma_wait3A_124 = arith.constant 0 : i32
        %dma_wait3A_125 = tpu.memref_slice %arg4[%mul3A_2, %dma_wait3A_124] : memref<32768x8xf32, #tpu.memory_space<hbm>> -> memref<128x8xf32, #tpu.memory_space<hbm>>
        %dma_wait3A_126 = arith.constant 0 : i32
        %dma_wait3A_127 = tpu.memref_slice %arg4[%mul3A_2, %dma_wait3A_126] : memref<32768x8xf32, #tpu.memory_space<hbm>> -> memref<128x8xf32, #tpu.memory_space<hbm>>
        tpu.wait_dma2 semaphore(%arg19 : memref<!tpu.dma_semaphore, #tpu.memory_space<semaphore_mem>>) src(%arg10 : memref<128x8xf32, #tpu.memory_space<vmem>>) dst(%dma_wait3A_127 : memref<128x8xf32, #tpu.memory_space<hbm>>)
        %dma_wait3A_128 = arith.constant 0 : i32
        %dma_wait3A_129 = tpu.memref_slice %arg5[%mul3A_2, %dma_wait3A_128] : memref<32768x8xi32, #tpu.memory_space<hbm>> -> memref<128x8xi32, #tpu.memory_space<hbm>>
        %dma_wait3A_130 = arith.constant 0 : i32
        %dma_wait3A_131 = tpu.memref_slice %arg5[%mul3A_2, %dma_wait3A_130] : memref<32768x8xi32, #tpu.memory_space<hbm>> -> memref<128x8xi32, #tpu.memory_space<hbm>>
        tpu.wait_dma2 semaphore(%arg20 : memref<!tpu.dma_semaphore, #tpu.memory_space<semaphore_mem>>) src(%arg12 : memref<128x8xi32, #tpu.memory_space<vmem>>) dst(%dma_wait3A_131 : memref<128x8xi32, #tpu.memory_space<hbm>>)
      } else {
      }
      %mul3A_101 = arith.constant 64 : i32
      %mul3A_102 = arith.muli %add3A_91, %mul3A_101 : i32
      %parallel_loop3A_103 = arith.constant 0 : i32
      %parallel_loop3A_104 = arith.constant 64 : i32
      %parallel_loop3A_105 = arith.constant 1 : i32
      scf.for %parallel_loop3A_124 = %parallel_loop3A_103 to %parallel_loop3A_104 step %parallel_loop3A_105  : i32 {
        %parallel_loop3A_125 = arith.addi %mul3A_102, %parallel_loop3A_124 : i32
        %parallel_loop3A_126 = arith.subi %parallel_loop3A_125, %mul3A_102 : i32
        %parallel_loop3A_127 = arith.constant 2 : i32
        %parallel_loop3A_128 = arith.muli %parallel_loop3A_127, %parallel_loop3A_126 : i32
        %parallel_loop3A_129 = arith.index_cast %parallel_loop3A_128 : i32 to index
        %parallel_loop3A_130 = arith.constant 0 : index
        %parallel_loop3A_131 = tpu.vector_load %arg8[%parallel_loop3A_129, %parallel_loop3A_130] {strides = array<i32>} : memref<128x64xf32, #tpu.memory_space<vmem>>, vector<16xf32>,
        %parallel_loop3A_132 = arith.constant 0.000000e+00 : f32
        %parallel_loop3A_133 = vector.broadcast %parallel_loop3A_132 : f32 to vector<16xf32>
        %parallel_loop3A_134 = arith.subf %parallel_loop3A_133, %parallel_loop3A_131 : vector<16xf32>
        %parallel_loop3A_135 = math.exp %parallel_loop3A_134 : vector<16xf32>
        %parallel_loop3A_136 = arith.constant 1.000000e+00 : f32
        %parallel_loop3A_137 = vector.broadcast %parallel_loop3A_136 : f32 to vector<16xf32>
        %parallel_loop3A_138 = arith.addf %parallel_loop3A_137, %parallel_loop3A_135 : vector<16xf32>
        %parallel_loop3A_139 = arith.constant 1.000000e+00 : f32
        %parallel_loop3A_140 = vector.broadcast %parallel_loop3A_139 : f32 to vector<16xf32>
        %parallel_loop3A_141 = arith.divf %parallel_loop3A_140, %parallel_loop3A_138 : vector<16xf32>
        %parallel_loop3A_142 = arith.addf %parallel_loop3A_141, %get3A_22 : vector<16xf32>
        %parallel_loop3A_143 = arith.constant 0 : i32
        %parallel_loop3A_144 = vector.broadcast %parallel_loop3A_143 : i32 to vector<16xi32>
        %parallel_loop3A_145 = arith.addi %iota3A, %parallel_loop3A_144 : vector<16xi32>
        %parallel_loop3A_146 = arith.constant dense<true> : vector<16xi1>
        %parallel_loop3A_147, %parallel_loop3A_148, %parallel_loop3A_149 = tpu.sort %parallel_loop3A_142, %parallel_loop3A_145 masked %parallel_loop3A_146 {descending = true} : (vector<16xf32>, vector<16xi32>, vector<16xi1>) -> (vector<16xi1>, vector<16xf32>, vector<16xi32>)
        %parallel_loop3A_150 = arith.index_cast %parallel_loop3A_128 : i32 to index
        %parallel_loop3A_151 = arith.constant 16 : index
        %parallel_loop3A_152 = tpu.vector_load %arg8[%parallel_loop3A_150, %parallel_loop3A_151] {strides = array<i32>} : memref<128x64xf32, #tpu.memory_space<vmem>>, vector<16xf32>,
        %parallel_loop3A_153 = arith.constant 0.000000e+00 : f32
        %parallel_loop3A_154 = vector.broadcast %parallel_loop3A_153 : f32 to vector<16xf32>
        %parallel_loop3A_155 = arith.subf %parallel_loop3A_154, %parallel_loop3A_152 : vector<16xf32>
        %parallel_loop3A_156 = math.exp %parallel_loop3A_155 : vector<16xf32>
        %parallel_loop3A_157 = arith.constant 1.000000e+00 : f32
        %parallel_loop3A_158 = vector.broadcast %parallel_loop3A_157 : f32 to vector<16xf32>
        %parallel_loop3A_159 = arith.addf %parallel_loop3A_158, %parallel_loop3A_156 : vector<16xf32>
        %parallel_loop3A_160 = arith.constant 1.000000e+00 : f32
        %parallel_loop3A_161 = vector.broadcast %parallel_loop3A_160 : f32 to vector<16xf32>
        %parallel_loop3A_162 = arith.divf %parallel_loop3A_161, %parallel_loop3A_159 : vector<16xf32>
        %parallel_loop3A_163 = arith.addf %parallel_loop3A_162, %get3A_24 : vector<16xf32>
        %parallel_loop3A_164 = arith.constant 16 : i32
        %parallel_loop3A_165 = vector.broadcast %parallel_loop3A_164 : i32 to vector<16xi32>
        %parallel_loop3A_166 = arith.addi %iota3A, %parallel_loop3A_165 : vector<16xi32>
        %parallel_loop3A_167 = arith.constant dense<true> : vector<16xi1>
        %parallel_loop3A_168, %parallel_loop3A_169, %parallel_loop3A_170 = tpu.sort %parallel_loop3A_163, %parallel_loop3A_166 masked %parallel_loop3A_167 {descending = true} : (vector<16xf32>, vector<16xi32>, vector<16xi1>) -> (vector<16xi1>, vector<16xf32>, vector<16xi32>)
        %parallel_loop3A_171 = arith.index_cast %parallel_loop3A_128 : i32 to index
        %parallel_loop3A_172 = arith.constant 32 : index
        %parallel_loop3A_173 = tpu.vector_load %arg8[%parallel_loop3A_171, %parallel_loop3A_172] {strides = array<i32>} : memref<128x64xf32, #tpu.memory_space<vmem>>, vector<16xf32>,
        %parallel_loop3A_174 = arith.constant 0.000000e+00 : f32
        %parallel_loop3A_175 = vector.broadcast %parallel_loop3A_174 : f32 to vector<16xf32>
        %parallel_loop3A_176 = arith.subf %parallel_loop3A_175, %parallel_loop3A_173 : vector<16xf32>
        %parallel_loop3A_177 = math.exp %parallel_loop3A_176 : vector<16xf32>
        %parallel_loop3A_178 = arith.constant 1.000000e+00 : f32
        %parallel_loop3A_179 = vector.broadcast %parallel_loop3A_178 : f32 to vector<16xf32>
        %parallel_loop3A_180 = arith.addf %parallel_loop3A_179, %parallel_loop3A_177 : vector<16xf32>
        %parallel_loop3A_181 = arith.constant 1.000000e+00 : f32
        %parallel_loop3A_182 = vector.broadcast %parallel_loop3A_181 : f32 to vector<16xf32>
        %parallel_loop3A_183 = arith.divf %parallel_loop3A_182, %parallel_loop3A_180 : vector<16xf32>
        %parallel_loop3A_184 = arith.addf %parallel_loop3A_183, %get3A_26 : vector<16xf32>
        %parallel_loop3A_185 = arith.constant 32 : i32
        %parallel_loop3A_186 = vector.broadcast %parallel_loop3A_185 : i32 to vector<16xi32>
        %parallel_loop3A_187 = arith.addi %iota3A, %parallel_loop3A_186 : vector<16xi32>
        %parallel_loop3A_188 = arith.constant dense<true> : vector<16xi1>
        %parallel_loop3A_189, %parallel_loop3A_190, %parallel_loop3A_191 = tpu.sort %parallel_loop3A_184, %parallel_loop3A_187 masked %parallel_loop3A_188 {descending = true} : (vector<16xf32>, vector<16xi32>, vector<16xi1>) -> (vector<16xi1>, vector<16xf32>, vector<16xi32>)
        %parallel_loop3A_192 = arith.index_cast %parallel_loop3A_128 : i32 to index
        %parallel_loop3A_193 = arith.constant 48 : index
        %parallel_loop3A_194 = tpu.vector_load %arg8[%parallel_loop3A_192, %parallel_loop3A_193] {strides = array<i32>} : memref<128x64xf32, #tpu.memory_space<vmem>>, vector<16xf32>,
        %parallel_loop3A_195 = arith.constant 0.000000e+00 : f32
        %parallel_loop3A_196 = vector.broadcast %parallel_loop3A_195 : f32 to vector<16xf32>
        %parallel_loop3A_197 = arith.subf %parallel_loop3A_196, %parallel_loop3A_194 : vector<16xf32>
        %parallel_loop3A_198 = math.exp %parallel_loop3A_197 : vector<16xf32>
        %parallel_loop3A_199 = arith.constant 1.000000e+00 : f32
        %parallel_loop3A_200 = vector.broadcast %parallel_loop3A_199 : f32 to vector<16xf32>
        %parallel_loop3A_201 = arith.addf %parallel_loop3A_200, %parallel_loop3A_198 : vector<16xf32>
        %parallel_loop3A_202 = arith.constant 1.000000e+00 : f32
        %parallel_loop3A_203 = vector.broadcast %parallel_loop3A_202 : f32 to vector<16xf32>
        %parallel_loop3A_204 = arith.divf %parallel_loop3A_203, %parallel_loop3A_201 : vector<16xf32>
        %parallel_loop3A_205 = arith.addf %parallel_loop3A_204, %get3A_28 : vector<16xf32>
        %parallel_loop3A_206 = arith.constant 48 : i32
        %parallel_loop3A_207 = vector.broadcast %parallel_loop3A_206 : i32 to vector<16xi32>
        %parallel_loop3A_208 = arith.addi %iota3A, %parallel_loop3A_207 : vector<16xi32>
        %parallel_loop3A_209 = arith.constant dense<true> : vector<16xi1>
        %parallel_loop3A_210, %parallel_loop3A_211, %parallel_loop3A_212 = tpu.sort %parallel_loop3A_205, %parallel_loop3A_208 masked %parallel_loop3A_209 {descending = true} : (vector<16xf32>, vector<16xi32>, vector<16xi1>) -> (vector<16xi1>, vector<16xf32>, vector<16xi32>)
        %parallel_loop3A_213 = arith.constant 15 : i32
        %parallel_loop3A_214 = vector.broadcast %parallel_loop3A_213 : i32 to vector<16xi32>
        %parallel_loop3A_215 = tpu.iota {dimensions = array<i32: 0>} : vector<16xi32>
        %parallel_loop3A_216 = arith.subi %parallel_loop3A_214, %parallel_loop3A_215 : vector<16xi32>
        %parallel_loop3A_217 = tpu.dynamic_gather %parallel_loop3A_169[%parallel_loop3A_216] in [0] : vector<16xf32>, vector<16xi32> -> vector<16xf32>
        %parallel_loop3A_218 = arith.constant 15 : i32
        %parallel_loop3A_219 = vector.broadcast %parallel_loop3A_218 : i32 to vector<16xi32>
        %parallel_loop3A_220 = tpu.iota {dimensions = array<i32: 0>} : vector<16xi32>
        %parallel_loop3A_221 = arith.subi %parallel_loop3A_219, %parallel_loop3A_220 : vector<16xi32>
        %parallel_loop3A_222 = tpu.dynamic_gather %parallel_loop3A_170[%parallel_loop3A_221] in [0] : vector<16xi32>, vector<16xi32> -> vector<16xi32>
        %parallel_loop3A_223 = arith.select %lt3A_13, %parallel_loop3A_148, %parallel_loop3A_217 : vector<16xi1>, vector<16xf32>
        %parallel_loop3A_224 = arith.select %lt3A_13, %parallel_loop3A_149, %parallel_loop3A_222 : vector<16xi1>, vector<16xi32>
        %parallel_loop3A_225 = arith.constant dense<true> : vector<16xi1>
        %parallel_loop3A_226, %parallel_loop3A_227, %parallel_loop3A_228 = tpu.sort %parallel_loop3A_223, %parallel_loop3A_224 masked %parallel_loop3A_225 {descending = true} : (vector<16xf32>, vector<16xi32>, vector<16xi1>) -> (vector<16xi1>, vector<16xf32>, vector<16xi32>)
        %parallel_loop3A_229 = arith.constant 15 : i32
        %parallel_loop3A_230 = vector.broadcast %parallel_loop3A_229 : i32 to vector<16xi32>
        %parallel_loop3A_231 = tpu.iota {dimensions = array<i32: 0>} : vector<16xi32>
        %parallel_loop3A_232 = arith.subi %parallel_loop3A_230, %parallel_loop3A_231 : vector<16xi32>
        %parallel_loop3A_233 = tpu.dynamic_gather %parallel_loop3A_211[%parallel_loop3A_232] in [0] : vector<16xf32>, vector<16xi32> -> vector<16xf32>
        %parallel_loop3A_234 = arith.constant 15 : i32
        %parallel_loop3A_235 = vector.broadcast %parallel_loop3A_234 : i32 to vector<16xi32>
        %parallel_loop3A_236 = tpu.iota {dimensions = array<i32: 0>} : vector<16xi32>
        %parallel_loop3A_237 = arith.subi %parallel_loop3A_235, %parallel_loop3A_236 : vector<16xi32>
        %parallel_loop3A_238 = tpu.dynamic_gather %parallel_loop3A_212[%parallel_loop3A_237] in [0] : vector<16xi32>, vector<16xi32> -> vector<16xi32>
        %parallel_loop3A_239 = arith.select %lt3A_13, %parallel_loop3A_190, %parallel_loop3A_233 : vector<16xi1>, vector<16xf32>
        %parallel_loop3A_240 = arith.select %lt3A_13, %parallel_loop3A_191, %parallel_loop3A_238 : vector<16xi1>, vector<16xi32>
        %parallel_loop3A_241 = arith.constant dense<true> : vector<16xi1>
        %parallel_loop3A_242, %parallel_loop3A_243, %parallel_loop3A_244 = tpu.sort %parallel_loop3A_239, %parallel_loop3A_240 masked %parallel_loop3A_241 {descending = true} : (vector<16xf32>, vector<16xi32>, vector<16xi1>) -> (vector<16xi1>, vector<16xf32>, vector<16xi32>)
        %parallel_loop3A_245 = arith.constant 15 : i32
        %parallel_loop3A_246 = vector.broadcast %parallel_loop3A_245 : i32 to vector<16xi32>
        %parallel_loop3A_247 = tpu.iota {dimensions = array<i32: 0>} : vector<16xi32>
        %parallel_loop3A_248 = arith.subi %parallel_loop3A_246, %parallel_loop3A_247 : vector<16xi32>
        %parallel_loop3A_249 = tpu.dynamic_gather %parallel_loop3A_243[%parallel_loop3A_248] in [0] : vector<16xf32>, vector<16xi32> -> vector<16xf32>
        %parallel_loop3A_250 = arith.constant 15 : i32
        %parallel_loop3A_251 = vector.broadcast %parallel_loop3A_250 : i32 to vector<16xi32>
        %parallel_loop3A_252 = tpu.iota {dimensions = array<i32: 0>} : vector<16xi32>
        %parallel_loop3A_253 = arith.subi %parallel_loop3A_251, %parallel_loop3A_252 : vector<16xi32>
        %parallel_loop3A_254 = tpu.dynamic_gather %parallel_loop3A_244[%parallel_loop3A_253] in [0] : vector<16xi32>, vector<16xi32> -> vector<16xi32>
        %parallel_loop3A_255 = arith.select %lt3A_13, %parallel_loop3A_227, %parallel_loop3A_249 : vector<16xi1>, vector<16xf32>
        %parallel_loop3A_256 = arith.select %lt3A_13, %parallel_loop3A_228, %parallel_loop3A_254 : vector<16xi1>, vector<16xi32>
        %parallel_loop3A_257 = arith.constant dense<true> : vector<16xi1>
        %parallel_loop3A_258, %parallel_loop3A_259, %parallel_loop3A_260 = tpu.sort %parallel_loop3A_255, %parallel_loop3A_256 masked %parallel_loop3A_257 {descending = true} : (vector<16xf32>, vector<16xi32>, vector<16xi1>) -> (vector<16xi1>, vector<16xf32>, vector<16xi32>)
        %parallel_loop3A_261 = arith.constant 1 : i32
        %parallel_loop3A_262 = arith.addi %parallel_loop3A_128, %parallel_loop3A_261 : i32
        %parallel_loop3A_263 = arith.index_cast %parallel_loop3A_262 : i32 to index
        %parallel_loop3A_264 = arith.constant 0 : index
        %parallel_loop3A_265 = tpu.vector_load %arg8[%parallel_loop3A_263, %parallel_loop3A_264] {strides = array<i32>} : memref<128x64xf32, #tpu.memory_space<vmem>>, vector<16xf32>,
        %parallel_loop3A_266 = arith.constant 0.000000e+00 : f32
        %parallel_loop3A_267 = vector.broadcast %parallel_loop3A_266 : f32 to vector<16xf32>
        %parallel_loop3A_268 = arith.subf %parallel_loop3A_267, %parallel_loop3A_265 : vector<16xf32>
        %parallel_loop3A_269 = math.exp %parallel_loop3A_268 : vector<16xf32>
        %parallel_loop3A_270 = arith.constant 1.000000e+00 : f32
        %parallel_loop3A_271 = vector.broadcast %parallel_loop3A_270 : f32 to vector<16xf32>
        %parallel_loop3A_272 = arith.addf %parallel_loop3A_271, %parallel_loop3A_269 : vector<16xf32>
        %parallel_loop3A_273 = arith.constant 1.000000e+00 : f32
        %parallel_loop3A_274 = vector.broadcast %parallel_loop3A_273 : f32 to vector<16xf32>
        %parallel_loop3A_275 = arith.divf %parallel_loop3A_274, %parallel_loop3A_272 : vector<16xf32>
        %parallel_loop3A_276 = arith.addf %parallel_loop3A_275, %get3A_22 : vector<16xf32>
        %parallel_loop3A_277 = arith.constant 0 : i32
        %parallel_loop3A_278 = vector.broadcast %parallel_loop3A_277 : i32 to vector<16xi32>
        %parallel_loop3A_279 = arith.addi %iota3A, %parallel_loop3A_278 : vector<16xi32>
        %parallel_loop3A_280 = arith.constant dense<true> : vector<16xi1>
        %parallel_loop3A_281, %parallel_loop3A_282, %parallel_loop3A_283 = tpu.sort %parallel_loop3A_276, %parallel_loop3A_279 masked %parallel_loop3A_280 {descending = true} : (vector<16xf32>, vector<16xi32>, vector<16xi1>) -> (vector<16xi1>, vector<16xf32>, vector<16xi32>)
        %parallel_loop3A_284 = arith.index_cast %parallel_loop3A_262 : i32 to index
        %parallel_loop3A_285 = arith.constant 16 : index
        %parallel_loop3A_286 = tpu.vector_load %arg8[%parallel_loop3A_284, %parallel_loop3A_285] {strides = array<i32>} : memref<128x64xf32, #tpu.memory_space<vmem>>, vector<16xf32>,
        %parallel_loop3A_287 = arith.constant 0.000000e+00 : f32
        %parallel_loop3A_288 = vector.broadcast %parallel_loop3A_287 : f32 to vector<16xf32>
        %parallel_loop3A_289 = arith.subf %parallel_loop3A_288, %parallel_loop3A_286 : vector<16xf32>
        %parallel_loop3A_290 = math.exp %parallel_loop3A_289 : vector<16xf32>
        %parallel_loop3A_291 = arith.constant 1.000000e+00 : f32
        %parallel_loop3A_292 = vector.broadcast %parallel_loop3A_291 : f32 to vector<16xf32>
        %parallel_loop3A_293 = arith.addf %parallel_loop3A_292, %parallel_loop3A_290 : vector<16xf32>
        %parallel_loop3A_294 = arith.constant 1.000000e+00 : f32
        %parallel_loop3A_295 = vector.broadcast %parallel_loop3A_294 : f32 to vector<16xf32>
        %parallel_loop3A_296 = arith.divf %parallel_loop3A_295, %parallel_loop3A_293 : vector<16xf32>
        %parallel_loop3A_297 = arith.addf %parallel_loop3A_296, %get3A_24 : vector<16xf32>
        %parallel_loop3A_298 = arith.constant 16 : i32
        %parallel_loop3A_299 = vector.broadcast %parallel_loop3A_298 : i32 to vector<16xi32>
        %parallel_loop3A_300 = arith.addi %iota3A, %parallel_loop3A_299 : vector<16xi32>
        %parallel_loop3A_301 = arith.constant dense<true> : vector<16xi1>
        %parallel_loop3A_302, %parallel_loop3A_303, %parallel_loop3A_304 = tpu.sort %parallel_loop3A_297, %parallel_loop3A_300 masked %parallel_loop3A_301 {descending = true} : (vector<16xf32>, vector<16xi32>, vector<16xi1>) -> (vector<16xi1>, vector<16xf32>, vector<16xi32>)
        %parallel_loop3A_305 = arith.index_cast %parallel_loop3A_262 : i32 to index
        %parallel_loop3A_306 = arith.constant 32 : index
        %parallel_loop3A_307 = tpu.vector_load %arg8[%parallel_loop3A_305, %parallel_loop3A_306] {strides = array<i32>} : memref<128x64xf32, #tpu.memory_space<vmem>>, vector<16xf32>,
        %parallel_loop3A_308 = arith.constant 0.000000e+00 : f32
        %parallel_loop3A_309 = vector.broadcast %parallel_loop3A_308 : f32 to vector<16xf32>
        %parallel_loop3A_310 = arith.subf %parallel_loop3A_309, %parallel_loop3A_307 : vector<16xf32>
        %parallel_loop3A_311 = math.exp %parallel_loop3A_310 : vector<16xf32>
        %parallel_loop3A_312 = arith.constant 1.000000e+00 : f32
        %parallel_loop3A_313 = vector.broadcast %parallel_loop3A_312 : f32 to vector<16xf32>
        %parallel_loop3A_314 = arith.addf %parallel_loop3A_313, %parallel_loop3A_311 : vector<16xf32>
        %parallel_loop3A_315 = arith.constant 1.000000e+00 : f32
        %parallel_loop3A_316 = vector.broadcast %parallel_loop3A_315 : f32 to vector<16xf32>
        %parallel_loop3A_317 = arith.divf %parallel_loop3A_316, %parallel_loop3A_314 : vector<16xf32>
        %parallel_loop3A_318 = arith.addf %parallel_loop3A_317, %get3A_26 : vector<16xf32>
        %parallel_loop3A_319 = arith.constant 32 : i32
        %parallel_loop3A_320 = vector.broadcast %parallel_loop3A_319 : i32 to vector<16xi32>
        %parallel_loop3A_321 = arith.addi %iota3A, %parallel_loop3A_320 : vector<16xi32>
        %parallel_loop3A_322 = arith.constant dense<true> : vector<16xi1>
        %parallel_loop3A_323, %parallel_loop3A_324, %parallel_loop3A_325 = tpu.sort %parallel_loop3A_318, %parallel_loop3A_321 masked %parallel_loop3A_322 {descending = true} : (vector<16xf32>, vector<16xi32>, vector<16xi1>) -> (vector<16xi1>, vector<16xf32>, vector<16xi32>)
        %parallel_loop3A_326 = arith.index_cast %parallel_loop3A_262 : i32 to index
        %parallel_loop3A_327 = arith.constant 48 : index
        %parallel_loop3A_328 = tpu.vector_load %arg8[%parallel_loop3A_326, %parallel_loop3A_327] {strides = array<i32>} : memref<128x64xf32, #tpu.memory_space<vmem>>, vector<16xf32>,
        %parallel_loop3A_329 = arith.constant 0.000000e+00 : f32
        %parallel_loop3A_330 = vector.broadcast %parallel_loop3A_329 : f32 to vector<16xf32>
        %parallel_loop3A_331 = arith.subf %parallel_loop3A_330, %parallel_loop3A_328 : vector<16xf32>
        %parallel_loop3A_332 = math.exp %parallel_loop3A_331 : vector<16xf32>
        %parallel_loop3A_333 = arith.constant 1.000000e+00 : f32
        %parallel_loop3A_334 = vector.broadcast %parallel_loop3A_333 : f32 to vector<16xf32>
        %parallel_loop3A_335 = arith.addf %parallel_loop3A_334, %parallel_loop3A_332 : vector<16xf32>
        %parallel_loop3A_336 = arith.constant 1.000000e+00 : f32
        %parallel_loop3A_337 = vector.broadcast %parallel_loop3A_336 : f32 to vector<16xf32>
        %parallel_loop3A_338 = arith.divf %parallel_loop3A_337, %parallel_loop3A_335 : vector<16xf32>
        %parallel_loop3A_339 = arith.addf %parallel_loop3A_338, %get3A_28 : vector<16xf32>
        %parallel_loop3A_340 = arith.constant 48 : i32
        %parallel_loop3A_341 = vector.broadcast %parallel_loop3A_340 : i32 to vector<16xi32>
        %parallel_loop3A_342 = arith.addi %iota3A, %parallel_loop3A_341 : vector<16xi32>
        %parallel_loop3A_343 = arith.constant dense<true> : vector<16xi1>
        %parallel_loop3A_344, %parallel_loop3A_345, %parallel_loop3A_346 = tpu.sort %parallel_loop3A_339, %parallel_loop3A_342 masked %parallel_loop3A_343 {descending = true} : (vector<16xf32>, vector<16xi32>, vector<16xi1>) -> (vector<16xi1>, vector<16xf32>, vector<16xi32>)
        %parallel_loop3A_347 = arith.constant 15 : i32
        %parallel_loop3A_348 = vector.broadcast %parallel_loop3A_347 : i32 to vector<16xi32>
        %parallel_loop3A_349 = tpu.iota {dimensions = array<i32: 0>} : vector<16xi32>
        %parallel_loop3A_350 = arith.subi %parallel_loop3A_348, %parallel_loop3A_349 : vector<16xi32>
        %parallel_loop3A_351 = tpu.dynamic_gather %parallel_loop3A_303[%parallel_loop3A_350] in [0] : vector<16xf32>, vector<16xi32> -> vector<16xf32>
        %parallel_loop3A_352 = arith.constant 15 : i32
        %parallel_loop3A_353 = vector.broadcast %parallel_loop3A_352 : i32 to vector<16xi32>
        %parallel_loop3A_354 = tpu.iota {dimensions = array<i32: 0>} : vector<16xi32>
        %parallel_loop3A_355 = arith.subi %parallel_loop3A_353, %parallel_loop3A_354 : vector<16xi32>
        %parallel_loop3A_356 = tpu.dynamic_gather %parallel_loop3A_304[%parallel_loop3A_355] in [0] : vector<16xi32>, vector<16xi32> -> vector<16xi32>
        %parallel_loop3A_357 = arith.select %lt3A_13, %parallel_loop3A_282, %parallel_loop3A_351 : vector<16xi1>, vector<16xf32>
        %parallel_loop3A_358 = arith.select %lt3A_13, %parallel_loop3A_283, %parallel_loop3A_356 : vector<16xi1>, vector<16xi32>
        %parallel_loop3A_359 = arith.constant dense<true> : vector<16xi1>
        %parallel_loop3A_360, %parallel_loop3A_361, %parallel_loop3A_362 = tpu.sort %parallel_loop3A_357, %parallel_loop3A_358 masked %parallel_loop3A_359 {descending = true} : (vector<16xf32>, vector<16xi32>, vector<16xi1>) -> (vector<16xi1>, vector<16xf32>, vector<16xi32>)
        %parallel_loop3A_363 = arith.constant 15 : i32
        %parallel_loop3A_364 = vector.broadcast %parallel_loop3A_363 : i32 to vector<16xi32>
        %parallel_loop3A_365 = tpu.iota {dimensions = array<i32: 0>} : vector<16xi32>
        %parallel_loop3A_366 = arith.subi %parallel_loop3A_364, %parallel_loop3A_365 : vector<16xi32>
        %parallel_loop3A_367 = tpu.dynamic_gather %parallel_loop3A_345[%parallel_loop3A_366] in [0] : vector<16xf32>, vector<16xi32> -> vector<16xf32>
        %parallel_loop3A_368 = arith.constant 15 : i32
        %parallel_loop3A_369 = vector.broadcast %parallel_loop3A_368 : i32 to vector<16xi32>
        %parallel_loop3A_370 = tpu.iota {dimensions = array<i32: 0>} : vector<16xi32>
        %parallel_loop3A_371 = arith.subi %parallel_loop3A_369, %parallel_loop3A_370 : vector<16xi32>
        %parallel_loop3A_372 = tpu.dynamic_gather %parallel_loop3A_346[%parallel_loop3A_371] in [0] : vector<16xi32>, vector<16xi32> -> vector<16xi32>
        %parallel_loop3A_373 = arith.select %lt3A_13, %parallel_loop3A_324, %parallel_loop3A_367 : vector<16xi1>, vector<16xf32>
        %parallel_loop3A_374 = arith.select %lt3A_13, %parallel_loop3A_325, %parallel_loop3A_372 : vector<16xi1>, vector<16xi32>
        %parallel_loop3A_375 = arith.constant dense<true> : vector<16xi1>
        %parallel_loop3A_376, %parallel_loop3A_377, %parallel_loop3A_378 = tpu.sort %parallel_loop3A_373, %parallel_loop3A_374 masked %parallel_loop3A_375 {descending = true} : (vector<16xf32>, vector<16xi32>, vector<16xi1>) -> (vector<16xi1>, vector<16xf32>, vector<16xi32>)
        %parallel_loop3A_379 = arith.constant 15 : i32
        %parallel_loop3A_380 = vector.broadcast %parallel_loop3A_379 : i32 to vector<16xi32>
        %parallel_loop3A_381 = tpu.iota {dimensions = array<i32: 0>} : vector<16xi32>
        %parallel_loop3A_382 = arith.subi %parallel_loop3A_380, %parallel_loop3A_381 : vector<16xi32>
        %parallel_loop3A_383 = tpu.dynamic_gather %parallel_loop3A_377[%parallel_loop3A_382] in [0] : vector<16xf32>, vector<16xi32> -> vector<16xf32>
        %parallel_loop3A_384 = arith.constant 15 : i32
        %parallel_loop3A_385 = vector.broadcast %parallel_loop3A_384 : i32 to vector<16xi32>
        %parallel_loop3A_386 = tpu.iota {dimensions = array<i32: 0>} : vector<16xi32>
        %parallel_loop3A_387 = arith.subi %parallel_loop3A_385, %parallel_loop3A_386 : vector<16xi32>
        %parallel_loop3A_388 = tpu.dynamic_gather %parallel_loop3A_378[%parallel_loop3A_387] in [0] : vector<16xi32>, vector<16xi32> -> vector<16xi32>
        %parallel_loop3A_389 = arith.select %lt3A_13, %parallel_loop3A_361, %parallel_loop3A_383 : vector<16xi1>, vector<16xf32>
        %parallel_loop3A_390 = arith.select %lt3A_13, %parallel_loop3A_362, %parallel_loop3A_388 : vector<16xi1>, vector<16xi32>
        %parallel_loop3A_391 = arith.constant dense<true> : vector<16xi1>
        %parallel_loop3A_392, %parallel_loop3A_393, %parallel_loop3A_394 = tpu.sort %parallel_loop3A_389, %parallel_loop3A_390 masked %parallel_loop3A_391 {descending = true} : (vector<16xf32>, vector<16xi32>, vector<16xi1>) -> (vector<16xi1>, vector<16xf32>, vector<16xi32>)
        %parallel_loop3A_395 = arith.constant 0 : i32
        %parallel_loop3A_396 = vector.broadcast %parallel_loop3A_395 : i32 to vector<16xi32>
        %parallel_loop3A_397 = arith.cmpi slt, %and3A_32, %parallel_loop3A_396 : vector<16xi32>
        %parallel_loop3A_398 = arith.constant 16 : i32
        %parallel_loop3A_399 = vector.broadcast %parallel_loop3A_398 : i32 to vector<16xi32>
        %parallel_loop3A_400 = arith.addi %and3A_32, %parallel_loop3A_399 : vector<16xi32>
        %parallel_loop3A_401 = arith.select %parallel_loop3A_397, %parallel_loop3A_400, %and3A_32 : vector<16xi1>, vector<16xi32>
        %parallel_loop3A_402 = vector.shape_cast %parallel_loop3A_401 : vector<16xi32> to vector<16x1xi32>
        %parallel_loop3A_403 = vector.shape_cast %parallel_loop3A_402 : vector<16x1xi32> to vector<16xi32>
        %parallel_loop3A_404 = tpu.dynamic_gather %parallel_loop3A_393[%parallel_loop3A_403] in [0] : vector<16xf32>, vector<16xi32> -> vector<16xf32>
        %parallel_loop3A_405 = arith.select %lt3A_13, %parallel_loop3A_259, %parallel_loop3A_404 : vector<16xi1>, vector<16xf32>
        %parallel_loop3A_406 = arith.constant 0 : i32
        %parallel_loop3A_407 = vector.broadcast %parallel_loop3A_406 : i32 to vector<16xi32>
        %parallel_loop3A_408 = arith.cmpi slt, %and3A_32, %parallel_loop3A_407 : vector<16xi32>
        %parallel_loop3A_409 = arith.constant 16 : i32
        %parallel_loop3A_410 = vector.broadcast %parallel_loop3A_409 : i32 to vector<16xi32>
        %parallel_loop3A_411 = arith.addi %and3A_32, %parallel_loop3A_410 : vector<16xi32>
        %parallel_loop3A_412 = arith.select %parallel_loop3A_408, %parallel_loop3A_411, %and3A_32 : vector<16xi1>, vector<16xi32>
        %parallel_loop3A_413 = vector.shape_cast %parallel_loop3A_412 : vector<16xi32> to vector<16x1xi32>
        %parallel_loop3A_414 = vector.shape_cast %parallel_loop3A_413 : vector<16x1xi32> to vector<16xi32>
        %parallel_loop3A_415 = tpu.dynamic_gather %parallel_loop3A_394[%parallel_loop3A_414] in [0] : vector<16xi32>, vector<16xi32> -> vector<16xi32>
        %parallel_loop3A_416 = arith.select %lt3A_13, %parallel_loop3A_260, %parallel_loop3A_415 : vector<16xi1>, vector<16xi32>
        %parallel_loop3A_417 = tpu.vector_load_idx %arg14[%parallel_loop3A_416] : memref<64xf32, #tpu.memory_space<vmem>>[vector<16xi32>], vector<16xf32>,
        %parallel_loop3A_418 = arith.subf %parallel_loop3A_405, %parallel_loop3A_417 : vector<16xf32>
        %parallel_loop3A_419 = arith.constant 1 : i32
        %parallel_loop3A_420 = vector.broadcast %parallel_loop3A_419 : i32 to vector<16xi32>
        %parallel_loop3A_421 = arith.xori %iota3A, %parallel_loop3A_420 : vector<16xi32>
        %parallel_loop3A_422 = arith.constant 0 : i32
        %parallel_loop3A_423 = vector.broadcast %parallel_loop3A_422 : i32 to vector<16xi32>
        %parallel_loop3A_424 = arith.cmpi slt, %parallel_loop3A_421, %parallel_loop3A_423 : vector<16xi32>
        %parallel_loop3A_425 = arith.constant 16 : i32
        %parallel_loop3A_426 = vector.broadcast %parallel_loop3A_425 : i32 to vector<16xi32>
        %parallel_loop3A_427 = arith.addi %parallel_loop3A_421, %parallel_loop3A_426 : vector<16xi32>
        %parallel_loop3A_428 = arith.select %parallel_loop3A_424, %parallel_loop3A_427, %parallel_loop3A_421 : vector<16xi1>, vector<16xi32>
        %parallel_loop3A_429 = vector.shape_cast %parallel_loop3A_428 : vector<16xi32> to vector<16x1xi32>
        %parallel_loop3A_430 = vector.shape_cast %parallel_loop3A_429 : vector<16x1xi32> to vector<16xi32>
        %parallel_loop3A_431 = tpu.dynamic_gather %parallel_loop3A_418[%parallel_loop3A_430] in [0] : vector<16xf32>, vector<16xi32> -> vector<16xf32>
        %parallel_loop3A_432 = arith.addf %parallel_loop3A_418, %parallel_loop3A_431 : vector<16xf32>
        %parallel_loop3A_433 = arith.constant 2 : i32
        %parallel_loop3A_434 = vector.broadcast %parallel_loop3A_433 : i32 to vector<16xi32>
        %parallel_loop3A_435 = arith.xori %iota3A, %parallel_loop3A_434 : vector<16xi32>
        %parallel_loop3A_436 = arith.constant 0 : i32
        %parallel_loop3A_437 = vector.broadcast %parallel_loop3A_436 : i32 to vector<16xi32>
        %parallel_loop3A_438 = arith.cmpi slt, %parallel_loop3A_435, %parallel_loop3A_437 : vector<16xi32>
        %parallel_loop3A_439 = arith.constant 16 : i32
        %parallel_loop3A_440 = vector.broadcast %parallel_loop3A_439 : i32 to vector<16xi32>
        %parallel_loop3A_441 = arith.addi %parallel_loop3A_435, %parallel_loop3A_440 : vector<16xi32>
        %parallel_loop3A_442 = arith.select %parallel_loop3A_438, %parallel_loop3A_441, %parallel_loop3A_435 : vector<16xi1>, vector<16xi32>
        %parallel_loop3A_443 = vector.shape_cast %parallel_loop3A_442 : vector<16xi32> to vector<16x1xi32>
        %parallel_loop3A_444 = vector.shape_cast %parallel_loop3A_443 : vector<16x1xi32> to vector<16xi32>
        %parallel_loop3A_445 = tpu.dynamic_gather %parallel_loop3A_432[%parallel_loop3A_444] in [0] : vector<16xf32>, vector<16xi32> -> vector<16xf32>
        %parallel_loop3A_446 = arith.addf %parallel_loop3A_432, %parallel_loop3A_445 : vector<16xf32>
        %parallel_loop3A_447 = arith.constant 4 : i32
        %parallel_loop3A_448 = vector.broadcast %parallel_loop3A_447 : i32 to vector<16xi32>
        %parallel_loop3A_449 = arith.xori %iota3A, %parallel_loop3A_448 : vector<16xi32>
        %parallel_loop3A_450 = arith.constant 0 : i32
        %parallel_loop3A_451 = vector.broadcast %parallel_loop3A_450 : i32 to vector<16xi32>
        %parallel_loop3A_452 = arith.cmpi slt, %parallel_loop3A_449, %parallel_loop3A_451 : vector<16xi32>
        %parallel_loop3A_453 = arith.constant 16 : i32
        %parallel_loop3A_454 = vector.broadcast %parallel_loop3A_453 : i32 to vector<16xi32>
        %parallel_loop3A_455 = arith.addi %parallel_loop3A_449, %parallel_loop3A_454 : vector<16xi32>
        %parallel_loop3A_456 = arith.select %parallel_loop3A_452, %parallel_loop3A_455, %parallel_loop3A_449 : vector<16xi1>, vector<16xi32>
        %parallel_loop3A_457 = vector.shape_cast %parallel_loop3A_456 : vector<16xi32> to vector<16x1xi32>
        %parallel_loop3A_458 = vector.shape_cast %parallel_loop3A_457 : vector<16x1xi32> to vector<16xi32>
        %parallel_loop3A_459 = tpu.dynamic_gather %parallel_loop3A_446[%parallel_loop3A_458] in [0] : vector<16xf32>, vector<16xi32> -> vector<16xf32>
        %parallel_loop3A_460 = arith.addf %parallel_loop3A_446, %parallel_loop3A_459 : vector<16xf32>
        %parallel_loop3A_461 = arith.constant 2.500000e+00 : f32
        %parallel_loop3A_462 = vector.broadcast %parallel_loop3A_461 : f32 to vector<16xf32>
        %parallel_loop3A_463 = arith.mulf %parallel_loop3A_418, %parallel_loop3A_462 : vector<16xf32>
        %parallel_loop3A_464 = arith.constant 9.99999968E-21 : f32
        %parallel_loop3A_465 = vector.broadcast %parallel_loop3A_464 : f32 to vector<16xf32>
        %parallel_loop3A_466 = arith.addf %parallel_loop3A_460, %parallel_loop3A_465 : vector<16xf32>
        %parallel_loop3A_467 = arith.divf %parallel_loop3A_463, %parallel_loop3A_466 : vector<16xf32>
        %parallel_loop3A_468 = arith.subi %parallel_loop3A_125, %mul3A_102 : i32
        %parallel_loop3A_469 = arith.constant 2 : i32
        %parallel_loop3A_470 = arith.muli %parallel_loop3A_469, %parallel_loop3A_468 : i32
        %parallel_loop3A_471 = vector.broadcast %parallel_loop3A_470 : i32 to vector<16xi32>
        %parallel_loop3A_472 = arith.addi %parallel_loop3A_471, %shift_right_logical3A_34 : vector<16xi32>
        tpu.vector_store_idx %arg10[%parallel_loop3A_472, %and3A_32], %parallel_loop3A_467 : memref<128x8xf32, #tpu.memory_space<vmem>>[vector<16xi32>, vector<16xi32>], vector<16xf32>,
        tpu.vector_store_idx %arg12[%parallel_loop3A_472, %and3A_32], %parallel_loop3A_416 : memref<128x8xi32, #tpu.memory_space<vmem>>[vector<16xi32>, vector<16xi32>], vector<16xi32>,
        tpu.vector_store_idx %arg13[%parallel_loop3A_416], %broadcast_in_dim3A_30 masked %lt3A_13 {add = true} : memref<64xi32, #tpu.memory_space<vmem>>[vector<16xi32>], vector<16xi32>, vector<16xi1>
        %parallel_loop3A_473 = arith.constant dense<true> : vector<16xi1>
        %parallel_loop3A_474 = arith.xori %lt3A_13, %parallel_loop3A_473 : vector<16xi1>
        tpu.vector_store_idx %arg13[%parallel_loop3A_416], %broadcast_in_dim3A_30 masked %parallel_loop3A_474 {add = true} : memref<64xi32, #tpu.memory_space<vmem>>[vector<16xi32>], vector<16xi32>, vector<16xi1>
      } {sc.loop_unroll_factor = 2 : i64, sc.parallel_access}
      %mul3A_106 = arith.constant 128 : i32
      %mul3A_107 = arith.muli %add3A_91, %mul3A_106 : i32
      %add3A_108 = arith.addi %mul3A_2, %mul3A_107 : i32
      %dma_start3A_109 = arith.constant 0 : i32
      %dma_start3A_110 = tpu.memref_slice %arg4[%add3A_108, %dma_start3A_109] : memref<32768x8xf32, #tpu.memory_space<hbm>> -> memref<128x8xf32, #tpu.memory_space<hbm>>
      %dma_start3A_111 = arith.constant 0 : i32
      %dma_start3A_112 = tpu.memref_slice %arg4[%add3A_108, %dma_start3A_111] : memref<32768x8xf32, #tpu.memory_space<hbm>> -> memref<128x8xf32, #tpu.memory_space<hbm>>
      tpu.enqueue_dma source(%arg10 : memref<128x8xf32, #tpu.memory_space<vmem>>) target(%dma_start3A_112 : memref<128x8xf32, #tpu.memory_space<hbm>>) target_semaphore(%arg19 : memref<!tpu.dma_semaphore, #tpu.memory_space<semaphore_mem>>)
      %dma_start3A_113 = arith.constant 0 : i32
      %dma_start3A_114 = tpu.memref_slice %arg5[%add3A_108, %dma_start3A_113] : memref<32768x8xi32, #tpu.memory_space<hbm>> -> memref<128x8xi32, #tpu.memory_space<hbm>>
      %dma_start3A_115 = arith.constant 0 : i32
      %dma_start3A_116 = tpu.memref_slice %arg5[%add3A_108, %dma_start3A_115] : memref<32768x8xi32, #tpu.memory_space<hbm>> -> memref<128x8xi32, #tpu.memory_space<hbm>>
      tpu.enqueue_dma source(%arg12 : memref<128x8xi32, #tpu.memory_space<vmem>>) target(%dma_start3A_116 : memref<128x8xi32, #tpu.memory_space<hbm>>) target_semaphore(%arg20 : memref<!tpu.dma_semaphore, #tpu.memory_space<semaphore_mem>>)
      %add3A_117 = arith.constant 2 : i32
      %add3A_118 = arith.addi %add3A_91, %add3A_117 : i32
      %lt3A_119 = arith.constant 8 : i32
      %lt3A_120 = arith.cmpi slt, %add3A_118, %lt3A_119 : i32
      %convert_element_type3A_121 = arith.extui %lt3A_120 : i1 to i32
      %cond3A_122 = arith.constant 0 : i32
      %cond3A_123 = arith.cmpi ne, %convert_element_type3A_121, %cond3A_122 : i32
      scf.if %cond3A_123 {
        %add3A_124 = arith.constant 2 : i32
        %add3A_125 = arith.addi %add3A_91, %add3A_124 : i32
        %mul3A_126 = arith.constant 128 : i32
        %mul3A_127 = arith.muli %add3A_125, %mul3A_126 : i32
        %add3A_128 = arith.addi %mul3A_2, %mul3A_127 : i32
        %dma_start3A_129 = arith.constant 0 : i32
        %dma_start3A_130 = tpu.memref_slice %arg2[%add3A_128, %dma_start3A_129] : memref<32768x64xf32, #tpu.memory_space<hbm>> -> memref<128x64xf32, #tpu.memory_space<hbm>>
        %dma_start3A_131 = arith.constant 0 : i32
        %dma_start3A_132 = tpu.memref_slice %arg2[%add3A_128, %dma_start3A_131] : memref<32768x64xf32, #tpu.memory_space<hbm>> -> memref<128x64xf32, #tpu.memory_space<hbm>>
        tpu.enqueue_dma source(%dma_start3A_132 : memref<128x64xf32, #tpu.memory_space<hbm>>) target(%arg8 : memref<128x64xf32, #tpu.memory_space<vmem>>) target_semaphore(%arg16 : memref<!tpu.dma_semaphore, #tpu.memory_space<semaphore_mem>>)
      } else {
      }
    }
    %scan3A_39 = arith.constant 4 : i32
    %dma_wait3A = arith.constant 0 : i32
    %dma_wait3A_40 = tpu.memref_slice %arg4[%mul3A_2, %dma_wait3A] : memref<32768x8xf32, #tpu.memory_space<hbm>> -> memref<128x8xf32, #tpu.memory_space<hbm>>
    %dma_wait3A_41 = arith.constant 0 : i32
    %dma_wait3A_42 = tpu.memref_slice %arg4[%mul3A_2, %dma_wait3A_41] : memref<32768x8xf32, #tpu.memory_space<hbm>> -> memref<128x8xf32, #tpu.memory_space<hbm>>
    tpu.wait_dma2 semaphore(%arg17 : memref<!tpu.dma_semaphore, #tpu.memory_space<semaphore_mem>>) src(%arg9 : memref<128x8xf32, #tpu.memory_space<vmem>>) dst(%dma_wait3A_42 : memref<128x8xf32, #tpu.memory_space<hbm>>)
    %dma_wait3A_43 = arith.constant 0 : i32
    %dma_wait3A_44 = tpu.memref_slice %arg5[%mul3A_2, %dma_wait3A_43] : memref<32768x8xi32, #tpu.memory_space<hbm>> -> memref<128x8xi32, #tpu.memory_space<hbm>>
    %dma_wait3A_45 = arith.constant 0 : i32
    %dma_wait3A_46 = tpu.memref_slice %arg5[%mul3A_2, %dma_wait3A_45] : memref<32768x8xi32, #tpu.memory_space<hbm>> -> memref<128x8xi32, #tpu.memory_space<hbm>>
    tpu.wait_dma2 semaphore(%arg18 : memref<!tpu.dma_semaphore, #tpu.memory_space<semaphore_mem>>) src(%arg11 : memref<128x8xi32, #tpu.memory_space<vmem>>) dst(%dma_wait3A_46 : memref<128x8xi32, #tpu.memory_space<hbm>>)
    %dma_wait3A_47 = arith.constant 0 : i32
    %dma_wait3A_48 = tpu.memref_slice %arg4[%mul3A_2, %dma_wait3A_47] : memref<32768x8xf32, #tpu.memory_space<hbm>> -> memref<128x8xf32, #tpu.memory_space<hbm>>
    %dma_wait3A_49 = arith.constant 0 : i32
    %dma_wait3A_50 = tpu.memref_slice %arg4[%mul3A_2, %dma_wait3A_49] : memref<32768x8xf32, #tpu.memory_space<hbm>> -> memref<128x8xf32, #tpu.memory_space<hbm>>
    tpu.wait_dma2 semaphore(%arg19 : memref<!tpu.dma_semaphore, #tpu.memory_space<semaphore_mem>>) src(%arg10 : memref<128x8xf32, #tpu.memory_space<vmem>>) dst(%dma_wait3A_50 : memref<128x8xf32, #tpu.memory_space<hbm>>)
    %dma_wait3A_51 = arith.constant 0 : i32
    %dma_wait3A_52 = tpu.memref_slice %arg5[%mul3A_2, %dma_wait3A_51] : memref<32768x8xi32, #tpu.memory_space<hbm>> -> memref<128x8xi32, #tpu.memory_space<hbm>>
    %dma_wait3A_53 = arith.constant 0 : i32
    %dma_wait3A_54 = tpu.memref_slice %arg5[%mul3A_2, %dma_wait3A_53] : memref<32768x8xi32, #tpu.memory_space<hbm>> -> memref<128x8xi32, #tpu.memory_space<hbm>>
    tpu.wait_dma2 semaphore(%arg20 : memref<!tpu.dma_semaphore, #tpu.memory_space<semaphore_mem>>) src(%arg12 : memref<128x8xi32, #tpu.memory_space<vmem>>) dst(%dma_wait3A_54 : memref<128x8xi32, #tpu.memory_space<hbm>>)
    %mul3A_55 = arith.constant 64 : i32
    %mul3A_56 = arith.muli %add3A, %mul3A_55 : i32
    "tpu.region"() ({
      %run_scoped3A = tpu.sem_alloc : memref<!tpu.dma_semaphore, #tpu.memory_space<semaphore_mem>>
      %dma_start3A_57 = tpu.memref_slice %arg6[%mul3A_56] : memref<2048xi32, #tpu.memory_space<hbm>> -> memref<64xi32, #tpu.memory_space<hbm>>
      %dma_start3A_58 = tpu.memref_slice %arg6[%mul3A_56] : memref<2048xi32, #tpu.memory_space<hbm>> -> memref<64xi32, #tpu.memory_space<hbm>>
      tpu.enqueue_dma source(%arg13 : memref<64xi32, #tpu.memory_space<vmem>>) target(%dma_start3A_58 : memref<64xi32, #tpu.memory_space<hbm>>) target_semaphore(%run_scoped3A : memref<!tpu.dma_semaphore, #tpu.memory_space<semaphore_mem>>)
      %dma_wait3A_59 = tpu.memref_slice %arg6[%mul3A_56] : memref<2048xi32, #tpu.memory_space<hbm>> -> memref<64xi32, #tpu.memory_space<hbm>>
      %dma_wait3A_60 = tpu.memref_slice %arg6[%mul3A_56] : memref<2048xi32, #tpu.memory_space<hbm>> -> memref<64xi32, #tpu.memory_space<hbm>>
      tpu.wait_dma2 semaphore(%run_scoped3A : memref<!tpu.dma_semaphore, #tpu.memory_space<semaphore_mem>>) src(%arg13 : memref<64xi32, #tpu.memory_space<vmem>>) dst(%dma_wait3A_60 : memref<64xi32, #tpu.memory_space<hbm>>)
      tpu.yield
    }) : () -> ()
    return
  }
}

</mosaic_0001>

<sc_bundles>
// kernel: kernel.3.cloned.1.call-start
scs
__scs_entry_jumppad:
0x0: {  	(pc) =	sbr.rel $0x88, $3  }
0x1: {  	(tag) =	ssettag $0x0;
	lr =	simm.s32 $0x1  }
0x2: {  	[smem:$0x3F9F] =	sst lr;
	_ =	strace $0xD0000000  }
0x3: {  	_ = 	snop  }
0x4: {  	_ = 	snop  }
0x5: {  	_ = 	snop  }
0x6: {  	_ = 	snop  }
0x7: {  	_ = 	snop  }
__scs_overlays_trampoline_lowered:
0x8: {  	[smem:$0x3FAE] =	sst s0  }
0x9: {  	[smem:$0x3FAF] =	sst s1  }
0xa: {  	[smem:$0x3FB0] =	sst s2  }
0xb: {  	[smem:$0x3FB1] =	sst s3  }
0xc: {  	[smem:$0x3FB2] =	sst s4  }
0xd: {  	[smem:$0x3FB3] =	sst s5  }
0xe: {  	[smem:$0x3FB4] =	sst s6  }
0xf: {  	[smem:$0x3FB5] =	sst s7  }
0x10: {  	[smem:$0x3FB6] =	sst s8  }
0x11: {  	[smem:$0x3FB7] =	sst s9;
	s0 =	simm.s32 @!p0 $0x0  }
0x12: {  	s1 =	sld [smem:$0x3F9D];
	s0 =	simm.s32 @p0 $0x1  }
0x13: {  	[smem:$0x3FB8] =	sst s0;
	s0 =	simm.s32 @!p1 $0x0  }
0x14: {  	s2 =	sld [smem:$0x3F9C];
	s0 =	simm.s32 @p1 $0x1  }
0x15: {  	[smem:$0x3FB9] =	sst s0;
	s0 =	simm.s32 @!p2 $0x0  }
0x16: {  	s3 =	sld [smem:$0x3FDB];
	s0 =	simm.s32 @p2 $0x1  }
0x17: {  	s4 =	simm.s32 $0x1BF5;
	[smem:$0x3FBB] =	sst s0  }
0x18: {  	s0 =	sld [smem:$0x3F9E];
	_ =	swait.ge [sflag:s4], $0x0  }
0x19: {  	s7 =	sld [smem:$0x3F9F]  }
0x1a: {  	s8 =	sadd.s32 $0xFFFFE003, lr  }
0x1b: {  	s9 =	sadd.s32 $0xFFFFFEF7, lr;
	s5 =	simm.s32 $0xFFFFFFFF;
	p2 =	slt.u32 s8, $0xFFFFF086  }
0x1c: {  	p1 =	slt.u32 s9, $0xF7A;
	s5 =	simm.s32 @!p2 $0x0  }
0x1d: {  	s5 =	simm.s32 @p1 $0x1;
	p0 =	seq.s32 s7, s2  }
0x1e: {  	s7 =	smul.u32 @!p0 $0xF7A, s2;
	p2 =	seq.s32 @!p0 s5, $0x0  }
0x1f: {  	s9 =	smul.u32 $0xF7A, s1;
	s8 =	simm.s32 @!p0 $0x1BF5;
	p2 =	por !p2, p0  }
0x20: {  	[sflag:s8] =	ssyncset.s32 @!p0 $0xFFFFF086;
	s6 =	sadd.s32 @!p0 s3, s7;
	s7 =	simm.s32 @!p0 $0x108  }
0x21: {  	s3 =	sadd.s32 s3, s9;
	s6 =	sadd.s32 @!p0 $0x88, s6;
	s7 =	simm.s32 @p2 $0x1082  }
0x22: {  	[simem:s7], [sflag:s8] =	dma.local @!p0 [hbm:s6], $0xF7A  }
0x23: {  	s9 =	sor.u32 $0xD0000000, s2;
	s6 =	simm.s32 $0x108;
	_ =	swait.ge @!p0 [sflag:s8], $0x0  }
0x24: {  	s3 =	sadd.s32 $0x88, s3;
	s6 =	simm.s32 @!p1 $0x1082;
	[sflag:s4] =	ssyncset.s32 $0xFFFFF086  }
0x25: {  	[simem:s6], [sflag:s4] =	dma.local [hbm:s3], $0xF7A  }
0x26: {  	[smem:$0x3F9F] =	sst s1;
	(tag) =	ssettag s2;
	_ =	strace s9  }
0x27: {  	s1 =	sld [smem:$0x3FAF]  }
0x28: {  	s2 =	sld [smem:$0x3FB0]  }
0x29: {  	s4 =	sld [smem:$0x3FB2]  }
0x2a: {  	p0 =	seq.s32 s5, $0x0;
	s5 =	sld [smem:$0x3FB3]  }
0x2b: {  	s6 =	sld [smem:$0x3FB4]  }
0x2c: {  	s7 =	sld [smem:$0x3FB5]  }
0x2d: {  	s3 =	simm.s32 $0x108;
	s8 =	sld [smem:$0x3FB6]  }
0x2e: {  	s3 =	simm.s32 @!p0 $0x1082;
	s9 =	sld [smem:$0x3FB7]  }
0x2f: {  	lr =	sadd.s32 s0, s3;
	s0 =	sld [smem:$0x3FAE]  }
0x30: {  	s3 =	sld [smem:$0x3FB1]  }
0x31: {  	[smem:$0x3FBA] =	sst s10  }
0x32: {  	s10 =	sld [smem:$0x3FB8];
	_ =	sdelay $0x3  }
0x33: {  	p0 =	seq.s32 s10, $0x1;
	s10 =	sld [smem:$0x3FBA];
	_ =	sdelay $0x3  }
0x34: {  	[smem:$0x3FBA] =	sst s10  }
0x35: {  	s10 =	sld [smem:$0x3FB9];
	_ =	sdelay $0x3  }
0x36: {  	p1 =	seq.s32 s10, $0x1;
	s10 =	sld [smem:$0x3FBA];
	_ =	sdelay $0x3  }
0x37: {  	[smem:$0x3FBA] =	sst s10  }
0x38: {  	s10 =	sld [smem:$0x3FBB]  }
0x39: {  	_ = 	snop;
	(pc) =	sbr.ind lr, $3  }
0x3a: {  	_ = 	snop  }
0x3b: {  	_ = 	snop  }
0x3c: {  	p2 =	seq.s32 s10, $0x1;
	s10 =	sld [smem:$0x3FBA]  }
0x3d: {  	_ =	shalt  }
0x3e: {  	_ =	shalt  }
0x3f: {  	_ =	shalt  }
0x40: {  	_ =	shalt  }
0x41: {  	_ =	shalt  }
0x42: {  	_ =	shalt  }
0x43: {  	_ =	shalt  }
0x44: {  	_ =	shalt  }
0x45: {  	_ =	shalt  }
0x46: {  	_ =	shalt  }
0x47: {  	_ =	shalt  }
0x48: {  	_ =	shalt  }
0x49: {  	_ =	shalt  }
0x4a: {  	_ =	shalt  }
0x4b: {  	_ =	shalt  }
0x4c: {  	_ =	shalt  }
0x4d: {  	_ =	shalt  }
0x4e: {  	_ =	shalt  }
0x4f: {  	_ =	shalt  }
0x50: {  	_ =	shalt  }
0x51: {  	_ =	shalt  }
0x52: {  	_ =	shalt  }
0x53: {  	_ =	shalt  }
0x54: {  	_ =	shalt  }
0x55: {  	_ =	shalt  }
0x56: {  	_ =	shalt  }
0x57: {  	_ =	shalt  }
0x58: {  	_ =	shalt  }
0x59: {  	_ =	shalt  }
0x5a: {  	_ =	shalt  }
0x5b: {  	_ =	shalt  }
0x5c: {  	_ =	shalt  }
0x5d: {  	_ =	shalt  }
0x5e: {  	_ =	shalt  }
0x5f: {  	_ =	shalt  }
0x60: {  	_ =	shalt  }
0x61: {  	_ =	shalt  }
0x62: {  	_ =	shalt  }
0x63: {  	_ =	shalt  }
0x64: {  	_ =	shalt  }
0x65: {  	_ =	shalt  }
0x66: {  	_ =	shalt  }
0x67: {  	_ =	shalt  }
0x68: {  	_ =	shalt  }
0x69: {  	_ =	shalt  }
0x6a: {  	_ =	shalt  }
0x6b: {  	_ =	shalt  }
0x6c: {  	_ =	shalt  }
0x6d: {  	_ =	shalt  }
0x6e: {  	_ =	shalt  }
0x6f: {  	_ =	shalt  }
0x70: {  	_ =	shalt  }
0x71: {  	_ =	shalt  }
0x72: {  	_ =	shalt  }
0x73: {  	_ =	shalt  }
0x74: {  	_ =	shalt  }
0x75: {  	_ =	shalt  }
0x76: {  	_ =	shalt  }
0x77: {  	_ =	shalt  }
0x78: {  	_ =	shalt  }
0x79: {  	_ =	shalt  }
0x7a: {  	_ =	shalt  }
0x7b: {  	_ =	shalt  }
0x7c: {  	_ =	shalt  }
0x7d: {  	_ =	shalt  }
0x7e: {  	_ =	shalt  }
0x7f: {  	_ =	shalt  }
0x80: {  	_ =	shalt  }
0x81: {  	_ =	shalt  }
0x82: {  	_ =	shalt  }
0x83: {  	_ =	shalt  }
0x84: {  	_ =	shalt  }
0x85: {  	_ =	shalt  }
0x86: {  	_ =	shalt  }
0x87: {  	_ =	shalt  }
.Lfunc_end0:
.L_simem_size_0:
called_computation_lowered:
.L_overlay_start_0:
0x88: {  	s2 =	sld [smem:$0x3FD9]  }
0x89: {  	s3 =	sld [smem:$0x3FFE];
	_ =	sdelay $0x1  }
0x8a: {  	s1 =	srdreg.scid  }
0x8b: {  	s0 =	sand.u32 $0x1, s1  }
0x8c: {  	s14 =	sshll.u32 s0, $0xA;
	s2 =	sadd.s32 s3, s2  }
0x8d: {  	s2 =	sadd.s32 s2, s14  }
0x8e: {  	[smem:$0x3FC6] =	sst s2  }
0x8f: {  	_ = 	snop  }
0x90: {  	s2 =	sld [smem:$0x3FD0];
	_ =	sdelay $0x2  }
0x91: {  	s4 =	simm.s32 $0xA;
	s5 =	simm.s32 $0x10;
	s15 =	sld [smem:$0x3FC8]  }
0x92: {  	[smem:s5], [sflag:s4] =	dma.local [hbm:s2], $0x1  }
0x93: {  	_ =	swait.eq [sflag:s4], $0x1  }
0x94: {  	[sflag:s4] =	ssyncset.done $0x0  }
0x95: {  	[sflag:s4] =	ssyncadd.s32 $0xFFFFFFFF  }
0x96: {  	s16 =	sld [smem:$0x10];
	(tm) =	ssettm $0x1  }
0x97: {  	s17 =	sld [smem:$0x3FFB];
	_ =	sdelay $0x3  }
0x98: {  	_ =	strace s17  }
0x99: {  	s4 =	sld [smem:$0x3FFC];
	_ =	sdelay $0x3  }
0x9a: {  	_ =	strace s4  }
0x9b: {  	s4 =	sld [smem:$0x3FFD];
	_ =	sdelay $0x3  }
0x9c: {  	_ =	strace s4  }
0x9d: {  	_ =	strace $0x8FFFFFFF  }
0x9e: {  	s18 =	sld [smem:$0x3FDB];
	_ =	sdelay $0x1  }
0x9f: {  	s19 =	simm.s32 $_scs_section_size  }
0xa0: {  	s6 =	simm.s32 $_size__tile_overlayer_lowered;
	s7 =	simm.s32 $_tile_overlayer_lowered  }
0xa1: {  	s22 =	simm.s32 $0x1BFF;
	s21 =	sshll.u32 s7, $0x1;
	s4 =	sadd.s32 s19, s18  }
0xa2: {  	s8 =	simm.s32 $0x0;
	s20 =	sshll.u32 s6, $0x1;
	s6 =	sadd.s32 s21, s4  }
0xa3: {  	[timem:s8], [sflag:s22] =	dma.local [hbm:s6], s20  }
0xa4: {  	_ =	swait.ge [sflag:s22], s20  }
0xa5: {  	s5 =	ssub.s32 $0x0, s20;
	[sflag:s22] =	ssyncset.done $0x0  }
0xa6: {  	[sflag:s22] =	ssyncadd.s32 s5;
	_ =	sdelay $0x1  }
0xa7: {  	s23 =	simm.s32 $0x1B8B  }
0xa8: {  	_ =	swait.ge [sflag:s23], $0x1  }
0xa9: {  	[sflag:s23] =	ssyncset.done $0x0  }
0xaa: {  	s25 =	simm.s32 $0x1B8E;
	s24 =	sld [smem:$0x3FFE];
	[sflag:s23] =	ssyncadd.s32 $0xFFFFFFFF  }
0xab: {  	s26 =	simm.s32 $execute0_lowered;
	[smem:$0x3FD2] =	sst s25  }
0xac: {  	s6 =	sshll.u32 s26, $0x1;
	_ =	strace $0x80000046;
	[dreg:$0x1] =	wrdreg $0xFFFFFFFF  }
0xad: {  	s28 =	simm.s32 $_size_execute0_lowered;
	s4 =	sadd.s32 s4, s6;
	[dreg:$0x0] =	wrdreg $0x0  }
0xae: {  	s6 =	sshll.u32 s28, $0x1;
	[dreg:$0x2] =	wrdreg s4  }
0xaf: {  	[dreg:$0x3] =	wrdreg s6  }
0xb0: {  	[dreg:$0x4] =	wrdreg $0xC0  }
0xb1: {  	_ =	task [dreg:s8], $0x5FFFF  }
0xb2: {  	[dreg:$0x1] =	wrdreg $0xFFFFFFFF  }
0xb3: {  	[dreg:$0x0] =	wrdreg $0x60  }
0xb4: {  	[dreg:$0x2] =	wrdreg s24  }
0xb5: {  	[dreg:$0x3] =	wrdreg s15  }
0xb6: {  	[dreg:$0x4] =	wrdreg s16  }
0xb7: {  	[dreg:$0x5] =	wrdreg $0x9  }
0xb8: {  	_ =	task.clear_ibuf [dreg:s8], $0x6FFFF;
	_ =	strace $0x90000046  }
0xb9: {  	s29 =	simm.s32 $0x9;
	_ =	strace $0x80000048  }
0xba: {  	_ =	swait.ge [sflag:s29], $0x1  }
0xbb: {  	[sflag:s29] =	ssyncadd.s32 $0xFFFFFFFF  }
0xbc: {  	_ =	strace $0x90000048  }
0xbd: {  	_ =	sfence  }
0xbe: {  	s30 =	sld [smem:$0x0];
	_ =	sdelay $0x2  }
0xbf: {  	s31 =	sshll.u32 s1, $0xD;
	s1 =	sshrl.u32 s1, $0x2  }
0xc0: {  	s3 =	sand.u32 $0x4000, s31;
	s1 =	sadd.s32 s1, s30  }
0xc1: {  	s0 =	sor.u32 s3, s0;
	s1 =	sshll.u32 s1, $0x11  }
0xc2: {  	s0 =	sor.u32 s1, s0  }
0xc3: {  	s0 =	sadd.s32 $0x8F2B, s0  }
0xc4: {  	[sflag:s0] =	ssyncadd.remote.s32 $0x1  }
0xc5: {  	_ =	sfence.sel $0xFFFF  }
0xc6: {  	[dreg:$0x0] =	wrdreg $0xFFFFFFFF;
	(pc) =	sbr.abs _section_cstart, $3  }
0xc7: {  	[dreg:$0x1] =	wrdreg $0xFFFFFFFF  }
0xc8: {  	_ =	task.clear_ibuf [dreg:s8], $0x2FFFF;
	_ =	strace $0x9FFFFFFF  }
0xc9: {  	(tm) =	ssettm $0x7FFFFFFF  }
tec
execute0_lowered:
.L_overlay_start_1:
0x0: {  	(tag) =	ssettag $0x1  }
0x1: {  	s0 =	rddreg [dreg:$0x0]  }
0x2: {  	s1 =	rddreg [dreg:$0x2]  }
0x3: {  	s3 =	simm.s32 $0x0;
	s2 =	srdreg.scid;
	s4 =	stileid.u32;
	v3 =	vimm.s32 $0xEFCDAB89  }
0x4: {  	v4 =	vimm.s32 $0x67452301;
	v6 =	vimm.s32 $0xDCFE98BA;
	s13 =	simm.s32 $0x18080;
	s14 =	simm.s32 $0x7;
	s15 =	simm.s32 $0x4000  }
0x5: {  	v0 =	vlaneseq.u32;
	v7 =	vimm.s32 $0x54761032;
	v8 =	vimm.s32 $0xBA98FEDC;
	s16 =	simm.s32 $0x1;
	s17 =	simm.s32 $0x8000;
	s18 =	simm.s32 $0x10000  }
0x6: {  	v9 =	vimm.s32 $0x32107654;
	vm0 =	vmmov $0xff;
	s19 =	simm.s32 $0x18000;
	s20 =	simm.s32 $0x2;
	s21 =	simm.s32 $0x5;
	vm1 =	vcmask $0x3F20  }
0x7: {  	s22 =	simm.s32 $0x6;
	s23 =	simm.s32 $0xC000;
	s24 =	simm.s32 $0x14000;
	v2 =	vor.u32 $0x10, v0;
	v5 =	vmul.u32 $0xFFFFFFFF, v0;
	v3 =	vunpack.c.l.s4.s8 v3  }
0x8: {  	s25 =	simm.s32 $0x3;
	s26 =	simm.s32 $0x4;
	s28 =	simm.s32 $0x0;
	v4 =	vunpack.c.l.s4.s8 v4;
	v6 =	vunpack.c.l.s4.s8 v6;
	v7 =	vunpack.c.l.s4.s8 v7  }
0x9: {  	[smem:$0x7FF] =	sst s3;
	s2 =	sand.u32 $0x1, s2;
	s4 =	sshll.u32 s4, $0x1;
	v8 =	vunpack.c.l.s4.s8 v8;
	v9 =	vunpack.c.l.s4.s8 v9;
	v10 =	vunpack.c.0.s8.s32 v3  }
0xa: {  	s5 =	sadd.s32 $0x81000, s0;
	s6 =	sadd.s32 $0x101000, s0;
	s10 =	sor.u32 s2, s4;
	v11 =	vunpack.c.0.s8.s32 v4;
	v6 =	vunpack.c.0.s8.s32 v6;
	v7 =	vunpack.c.0.s8.s32 v7  }
.Ltmp0:
0xb: {  	s2 =	ssub.s32 $0x2, s2;
	s4 =	sshll.u32 s10, $0xE;
	v8 =	vunpack.c.0.s8.s32 v8;
	v9 =	vunpack.c.0.s8.s32 v9;
	v3 =	vor.u32 $0x20, v0;
	(pc) =	sbr.rel .LBB2_1-.Ltmp0, $4  }
0xc: {  	_ =	strace $0x80000047;
	s7 =	sshrl.u32 s2, $0x1;
	v4 =	vor.u32 $0x30, v0;
	s11 =	sadd.s32 s4, s0;
	v10 =	vcombine.low v11, v10;
	v11 =	vcombine.low v7, v6  }
0xd: {  	s31 =	sshll.u32 s10, $0x3;
	v5 =	vadd.s32 $0xF, v5;
	s29 =	ssub.s32 s2, s7;
	s30 =	sadd.s32 $0x1000, s11;
	v9 =	vcombine.low v9, v8;
	v6 =	vand.u32 $0x7, v0  }
0xe: {  	s8 =	sadd.s32 $0x1800, s11;
	s9 =	sadd.s32 $0x2000, s11;
	s10 =	sadd.s32 $0x2800, s11;
	v7 =	vand.u32 $0xF, v10;
	v8 =	vand.u32 $0xF, v11;
	v10 =	vshrl.u32 v0, $0x3  }
0xf: {  	s11 =	sadd.s32 s1, s31;
	s12 =	smax.u32 s29, $0x1;
	[dreg:$0x4] =	wrdreg s30;
	v9 =	vand.u32 $0xF, v9;
	v11 =	vimm.s32 $0x1;
	v10 =	vmul.u32 $0x80, v10  }
.LBB2_12:
0x10: {  	_ =	swait.ge [sflag:s25], $0x4000  }
0x11: {  	[sflag:s25] =	ssyncset.done $0x0  }
0x12: {  	[sflag:s25] =	ssyncadd.s32 $0xFFFFC000  }
0x13: {  	_ =	swait.ge [sflag:s26], $0x4000  }
0x14: {  	[sflag:s26] =	ssyncset.done $0x0  }
0x15: {  	[sflag:s26] =	ssyncadd.s32 $0xFFFFC000  }
0x16: {  	_ =	swait.ge [sflag:s21], $0x4000  }
0x17: {  	[sflag:s21] =	ssyncset.done $0x0  }
0x18: {  	[sflag:s21] =	ssyncadd.s32 $0xFFFFC000  }
0x19: {  	s28 =	sadd.s32 $0x1, s28;
	_ =	swait.ge [sflag:s22], $0x4000  }
0x1a: {  	p0 =	sne.s32 s28, s12;
	[sflag:s22] =	ssyncset.done $0x0  }
.Ltmp1:
0x1b: {  	[sflag:s22] =	ssyncadd.s32 $0xFFFFC000;
	(pc) =	sbr.rel @!p0 .LBB2_13-.Ltmp1, $4  }
0x1c: {  	[hbm4b:s11+s3] =	stream.linear.scatter [tilespmem:s19], [sflag:$0x7], $0x40, $0x38;
	[tilespmem:$0x18100] =	vst v63  }
0x1d: {  	_ =	swait.ge [sflag:s14], $0x40  }
0x1e: {  	[sflag:s14] =	ssyncset.done $0x0  }
0x1f: {  	[sflag:s14] =	ssyncadd.s32 $0xFFFFFFC0  }
.LBB2_1:
0x20: {  	s0 =	rddreg [dreg:$0x1]  }
0x21: {  	[tilespmem:s13], [sflag:$0x7] =	stream.linear.gather [hbm4b:s0+s3], $0x80, $0x38;
	[tilespmem:$0x18100] =	vst v63  }
0x22: {  	_ =	swait.ge [sflag:s14], $0x80  }
0x23: {  	[sflag:s14] =	ssyncset.done $0x0  }
0x24: {  	s31 =	rddreg [dreg:$0x4];
	[sflag:s14] =	ssyncadd.s32 $0xFFFFFF80  }
0x25: {  	[tilespmem:s3], [sflag:$0x1] =	stream.linear.gather [hbm4b:s31+s3], $0x4000, $0x38;
	[tilespmem:$0x18100] =	vst v63  }
0x26: {  	_ = 	snop  }
0x27: {  	v1 =	vimm.s32 $0x0;
	[tilespmem:s15], [sflag:$0x2] =	stream.linear.gather [hbm4b:s8+s3], $0x4000, $0x38;
	[tilespmem:$0x18100] =	vst v63  }
0x28: {  	[tilespmem:$0x18000] =	vst v1;
	v12 =	vld [tilespmem:$0x18080]  }
0x29: {  	[tilespmem:$0x18010] =	vst v1;
	v13 =	vld [tilespmem:$0x18090]  }
0x2a: {  	[tilespmem:$0x18020] =	vst v1;
	v14 =	vld [tilespmem:$0x180A0]  }
0x2b: {  	s29 =	simm.s32 $0x0;
	[tilespmem:$0x18030] =	vst v1;
	v15 =	vld [tilespmem:$0x180B0]  }
.LBB2_2:
0x2c: {  	_ =	swait.ge [sflag:s16], $0x4000  }
0x2d: {  	p0 =	seq.s32 s29, $0x0;
	[sflag:s16] =	ssyncset.done $0x0  }
0x2e: {  	s0 =	simm.s32 @!p0 $0x3;
	[sflag:s16] =	ssyncadd.s32 $0xFFFFC000  }
0x2f: {  	_ =	swait.ge @!p0 [sflag:s0], $0x4000  }
0x30: {  	[sflag:s0] =	ssyncset.done @!p0 $0x0  }
0x31: {  	[sflag:s0] =	ssyncadd.s32 @!p0 $0xFFFFC000;
	s0 =	simm.s32 @!p0 $0x4  }
0x32: {  	_ =	swait.ge @!p0 [sflag:s0], $0x4000  }
0x33: {  	[sflag:s0] =	ssyncset.done @!p0 $0x0  }
0x34: {  	s1 =	simm.s32 $0x100;
	[sflag:s0] =	ssyncadd.s32 @!p0 $0xFFFFC000  }
0x35: {  	v16 =	vld [tilespmem:s1+$0x10]  }
0x36: {  	v17 =	vld [tilespmem:s1+$0x20]  }
0x37: {  	v18 =	vld [tilespmem:s1+$0x30]  }
0x38: {  	v19 =	vld [tilespmem:s1+$0x90];
	_ =	sdelay $0x1  }
0x39: {  	v20 =	vld [tilespmem:s1+$0xB0]  }
0x3a: {  	v16 =	vsub.f32 $0.0e+00, v16  }
0x3b: {  	v21 =	vld [tilespmem:s1+$0xA0];
	v17 =	vsub.f32 $0.0e+00, v17;
	v18 =	vsub.f32 $0.0e+00, v18  }
0x3c: {  	v22 =	vld [tilespmem:s1+$0x80];
	v19 =	vsub.f32 $0.0e+00, v19;
	v16 =	vmul.f32 $1.442695020e+00, v16  }
0x3d: {  	v23 =	vld [tilespmem:s1+$0xFFFFFFB0];
	v17 =	vmul.f32 $1.442695020e+00, v17;
	v18 =	vmul.f32 $1.442695020e+00, v18  }
0x3e: {  	v20 =	vsub.f32 $0.0e+00, v20;
	(erf) = vpow2.f32 v16;
	v16 =	vmul.f32 $1.442695020e+00, v19;
	v19 =	vld [tilespmem:s1+$0x0]  }
0x3f: {  	(erf) = vpow2.f32 v17;
	v17 =	vld [tilespmem:s1+$0xFFFFFF30]  }
0x40: {  	v20 =	vmul.f32 $1.442695020e+00, v20;
	(erf) = vpow2.f32 v18  }
0x41: {  	v18 =	vld [tilespmem:s1+$0xFFFFFF90];
	(erf) = vpow2.f32 v16  }
0x42: {  	v21 =	vsub.f32 $0.0e+00, v21;
	v16 =	vld [tilespmem:s1+$0xFFFFFFA0];
	(erf) = vpow2.f32 v20;
	v20 =	vsub.f32 $0.0e+00, v23  }
0x43: {  	v22 =	vsub.f32 $0.0e+00, v22;
	v19 =	vsub.f32 $0.0e+00, v19  }
0x44: {  	v21 =	vmul.f32 $1.442695020e+00, v21;
	v17 =	vsub.f32 $0.0e+00, v17;
	v20 =	vmul.f32 $1.442695020e+00, v20  }
0x45: {  	v22 =	vmul.f32 $1.442695020e+00, v22;
	v19 =	vmul.f32 $1.442695020e+00, v19  }
0x46: {  	(erf) = vpow2.f32 v21;
	v18 =	vsub.f32 $0.0e+00, v18;
	v17 =	vmul.f32 $1.442695020e+00, v17  }
0x47: {  	(erf) = vpow2.f32 v22;
	v16 =	vsub.f32 $0.0e+00, v16  }
0x48: {  	(erf) = vpow2.f32 v20;
	v18 =	vmul.f32 $1.442695020e+00, v18;
	v20 =	vpop (erf)  }
0x49: {  	(erf) = vpow2.f32 v19;
	v16 =	vmul.f32 $1.442695020e+00, v16;
	v19 =	vpop (erf)  }
0x4a: {  	v21 =	vld [tilespmem:s1+$0xFFFFFF10];
	(erf) = vpow2.f32 v17;
	v17 =	vpop (erf)  }
0x4b: {  	v17 =	vadd.f32 $1.000000000e+00, v17  }
0x4c: {  	v20 =	vadd.f32 $1.000000000e+00, v20;
	(erf) = vpow2.f32 v18;
	v18 =	vpop (erf)  }
0x4d: {  	(erf) = vpow2.f32 v16;
	v16 =	vpop (erf)  }
0x4e: {  	(erf) = vrcp.f32 v20;
	v16 =	vadd.f32 $1.000000000e+00, v16  }
0x4f: {  	v21 =	vsub.f32 $0.0e+00, v21;
	v20 =	vld [tilespmem:s1+$0xFFFFFF20];
	v18 =	vadd.f32 $1.000000000e+00, v18;
	(erf) = vrcp.f32 v17;
	v17 =	vpop (erf)  }
0x50: {  	(erf) = vrcp.f32 v16;
	v17 =	vadd.f32 $1.000000000e+00, v17  }
0x51: {  	v22 =	vld [tilespmem:s1+$0xFFFFFF80];
	v19 =	vadd.f32 $1.000000000e+00, v19;
	v23 =	vpop (erf);
	(erf) = vrcp.f32 v18  }
0x52: {  	v18 =	vadd.f32 $1.000000000e+00, v23;
	v23 =	vpop (erf);
	(erf) = vrcp.f32 v17;
	v17 =	vmul.f32 $1.442695020e+00, v21  }
0x53: {  	v21 =	vpop (erf)  }
0x54: {  	(erf) = vrcp.f32 v19;
	v19 =	vsub.f32 $0.0e+00, v20;
	v20 =	vadd.f32 $1.000000000e+00, v21  }
0x55: {  	v16 =	vld [tilespmem:s1+$0xFFFFFF00];
	v21 =	vpop (erf);
	(erf) = vrcp.f32 v18  }
0x56: {  	v18 =	vsub.f32 $0.0e+00, v22;
	(erf) = vpow2.f32 v17;
	v17 =	vpop (erf)  }
0x57: {  	v19 =	vmul.f32 $1.442695020e+00, v19;
	v22 =	vpop (erf)  }
0x58: {  	(erf) = vrcp.f32 v20;
	v18 =	vmul.f32 $1.442695020e+00, v18;
	v20 =	vpop (erf)  }
0x59: {  	(erf) = vpow2.f32 v19;
	v19 =	vadd.f32 v20, v13;
	v20 =	vpop (erf)  }
0x5a: {  	v16 =	vsub.f32 $0.0e+00, v16;
	(erf) = vpow2.f32 v18;
	v18 =	vadd.f32 v20, v15;
	_ =	sdelay $0x1  }
0x5b: {  	v21 =	vadd.f32 $1.000000000e+00, v21;
	v16 =	vmul.f32 $1.442695020e+00, v16;
	v20 =	vpop (erf)  }
0x5c: {  	v23 =	vadd.f32 $1.000000000e+00, v23;
	v17 =	vadd.f32 $1.000000000e+00, v17;
	(xrf1) =	vsort.dscd.msk.f32 $0xffff, v19, v2;
	v19 =	vpop (erf)  }
0x5d: {  	(erf) = vpow2.f32 v16;
	(xrf1) =	vsort.dscd.msk.f32 $0xffff, v18, v4;
	v19 =	vadd.f32 v19, v13;
	v18 =	vpop (erf)  }
0x5e: {  	v16 =	vadd.f32 v20, v15;
	(erf) = vrcp.f32 v23;
	v18 =	vadd.f32 v18, v14  }
0x5f: {  	(erf) = vrcp.f32 v21;
	v21 =	vpop (erf)  }
0x60: {  	v20 =	vadd.f32 $1.000000000e+00, v22;
	(xrf1) =	vsort.dscd.msk.f32 $0xffff, v16, v4;
	(erf) = vrcp.f32 v17;
	v17 =	vpop (erf)  }
0x61: {  	v16 =	vadd.f32 v21, v14;
	(xrf1) =	vsort.dscd.msk.f32 $0xffff, v19, v2;
	v17 =	vadd.f32 v17, v12;
	v19 =	vpop (erf)  }
0x62: {  	(erf) = vrcp.f32 v20;
	(xrf1) =	vsort.dscd.msk.f32 $0xffff, v18, v3;
	v18 =	vpop (erf)  }
0x63: {  	(xrf1) =	vsort.dscd.msk.f32 $0xffff, v16, v3;
	v16 =	vadd.f32 v18, v12;
	_ =	sdelay $0x1  }
0x64: {  	(xrf1) =	vsort.dscd.msk.f32 $0xffff, v17, v0;
	v17 =	vpop (erf)  }
0x65: {  	v18 =	vpop (erf)  }
0x66: {  	(xrf1) =	vsort.dscd.msk.f32 $0xffff, v16, v0;
	v16 =	vpop (erf)  }
0x67: {  	v19 =	vadd.f32 $1.000000000e+00, v19;
	v20 =	vpop (erf)  }
0x68: {  	v21 =	vpop (erf)  }
0x69: {  	v22 =	vpop (erf)  }
0x6a: {  	v17 =	vadd.f32 $1.000000000e+00, v17;
	v20 =	vadd.f32 v20, v15;
	v23 =	vpop (erf)  }
0x6b: {  	v21 =	vadd.f32 v21, v15;
	(erf) = vrcp.f32 v19;
	v19, v24, _ =	vpop (xrf1);
	v22 =	vadd.f32 v22, v13  }
0x6c: {  	(xrf1) =	vsort.dscd.msk.f32 $0xffff, v20, v4;
	(erf) = vrcp.f32 v17;
	v17 =	vperm.xlane v19, v5;
	v20 =	vadd.f32 v23, v14;
	v19, v23, _ =	vpop (xrf1)  }
0x6d: {  	(xrf1) =	vsort.dscd.msk.f32 $0xffff, v21, v4;
	v21 =	vperm.xlane v24, v5;
	v24, v25, _ =	vpop (xrf1)  }
0x6e: {  	v25 =	vperm.xlane v25, v5;
	_ =	sdelay $0x1  }
0x6f: {  	(xrf1) =	vsort.dscd.msk.f32 $0xffff, v22, v2;
	v24 =	vperm.xlane v24, v5;
	v22, v26, _ =	vpop (xrf1)  }
0x70: {  	v18 =	vadd.f32 $1.000000000e+00, v18;
	v19 =	vperm.xlane v19, v5;
	(xrf1) =	vsort.dscd.msk.f32 $0xffff, v20, v3;
	v22 =	vperm.xlane v22, v5;
	v20, v27, _ =	vpop (xrf1)  }
0x71: {  	v20 =	vsel vm0, v20, v24;
	v24 =	vsel vm0, v27, v25;
	v25, v27, _ =	vpop (xrf1)  }
0x72: {  	v23 =	vperm.xlane v23, v5;
	v19 =	vsel vm0, v25, v19  }
0x73: {  	v26 =	vperm.xlane v26, v5  }
0x74: {  	(erf) = vrcp.f32 v18;
	(xrf1) =	vsort.dscd.msk.f32 $0xffff, v20, v24;
	v23 =	vsel vm0, v27, v23;
	v18, v25, _ =	vpop (xrf1)  }
0x75: {  	(xrf1) =	vsort.dscd.msk.f32 $0xffff, v19, v23;
	v18 =	vsel vm0, v18, v22;
	v20 =	vsel vm0, v25, v26;
	v19, v22, _ =	vpop (xrf1)  }
0x76: {  	(xrf1) =	vsort.dscd.msk.f32 $0xffff, v18, v20;
	v18 =	vsel vm0, v22, v21;
	_ =	sdelay $0x1  }
0x77: {  	v17 =	vsel vm0, v19, v17  }
0x78: {  	s2 =	simm.s32 $0x300;
	(xrf1) =	vsort.dscd.msk.f32 $0xffff, v17, v18;
	v18 =	vpop (erf)  }
0x79: {  	v19 =	vld [tilespmem:s2+$0x20];
	v20 =	vpop (erf)  }
0x7a: {  	v17 =	vld [tilespmem:s2+$0x10];
	v20 =	vadd.f32 v20, v14  }
0x7b: {  	v16 =	vadd.f32 $1.000000000e+00, v16  }
0x7c: {  	v23 =	vld [tilespmem:s2+$0x30];
	v26, v24, _ =	vpop (xrf1);
	v18 =	vadd.f32 v18, v13  }
0x7d: {  	(erf) = vrcp.f32 v16;
	v16 =	vld [tilespmem:s2+$0xB0];
	v27, v22, _ =	vpop (xrf1)  }
0x7e: {  	v25 =	vld [tilespmem:s2+$0x90];
	v21 =	vpop (erf);
	v19 =	vsub.f32 $0.0e+00, v19;
	(xrf1) =	vsort.dscd.msk.f32 $0xffff, v18, v2  }
0x7f: {  	v18 =	vadd.f32 v21, v12;
	v17 =	vsub.f32 $0.0e+00, v17;
	(xrf1) =	vsort.dscd.msk.f32 $0xffff, v20, v3;
	v21, v20, _ =	vpop (xrf1)  }
0x80: {  	v29, v28, _ =	vpop (xrf1)  }
0x81: {  	(xrf1) =	vsort.dscd.msk.f32 $0xffff, v18, v0;
	v17 =	vmul.f32 $1.442695020e+00, v17;
	v18 =	vmul.f32 $1.442695020e+00, v19;
	v19 =	vsub.f32 $0.0e+00, v23;
	v23, v30, _ =	vpop (xrf1)  }
0x82: {  	v31 =	vld [tilespmem:s2+$0xA0];
	v23 =	vperm.xlane v23, v5;
	v30 =	vperm.xlane v30, v5;
	v32, v33, _ =	vpop (xrf1)  }
0x83: {  	v54 =	vld [tilespmem:s2+$0xFFFFFFB0];
	v16 =	vsub.f32 $0.0e+00, v16;
	v25 =	vsub.f32 $0.0e+00, v25;
	v19 =	vmul.f32 $1.442695020e+00, v19;
	v34, v35, _ =	vpop (xrf1)  }
0x84: {  	v36 =	vld [tilespmem:s2+$0x80];
	(erf) = vpow2.f32 v17;
	v23 =	vsel vm0, v34, v23;
	v30 =	vsel vm0, v35, v30  }
0x85: {  	v25 =	vmul.f32 $1.442695020e+00, v25;
	(erf) = vpow2.f32 v18;
	(xrf1) =	vsort.dscd.msk.f32 $0xffff, v23, v30;
	v30 =	vld [tilespmem:s2+$0xFFFFFF30]  }
0x86: {  	v16 =	vmul.f32 $1.442695020e+00, v16;
	(erf) = vpow2.f32 v19;
	v23 =	vld [tilespmem:s2+$0x0]  }
0x87: {  	v31 =	vsub.f32 $0.0e+00, v31;
	v19 =	vld [tilespmem:s2+$0xFFFFFF90];
	(erf) = vpow2.f32 v25;
	v32 =	vperm.xlane v32, v5  }
0x88: {  	v33 =	vperm.xlane v33, v5;
	(erf) = vpow2.f32 v16;
	v16 =	vsub.f32 $0.0e+00, v54;
	v17, v55, _ =	vpop (xrf1)  }
0x89: {  	v31 =	vmul.f32 $1.442695020e+00, v31;
	v25 =	vsub.f32 $0.0e+00, v36;
	v17 =	vsel vm0, v17, v32  }
0x8a: {  	v56 =	vld [tilespmem:s2+$0xFFFFFFA0];
	v18 =	vsel vm0, v55, v33;
	v16 =	vmul.f32 $1.442695020e+00, v16;
	v30 =	vsub.f32 $0.0e+00, v30  }
0x8b: {  	v25 =	vmul.f32 $1.442695020e+00, v25;
	(xrf1) =	vsort.dscd.msk.f32 $0xffff, v17, v18;
	v23 =	vsub.f32 $0.0e+00, v23  }
0x8c: {  	v57 =	vpop (erf);
	(erf) = vpow2.f32 v31;
	v19 =	vsub.f32 $0.0e+00, v19;
	v30 =	vmul.f32 $1.442695020e+00, v30  }
0x8d: {  	(erf) = vpow2.f32 v25;
	v18, v17, _ =	vpop (xrf1);
	v58 =	vmul.f32 $1.442695020e+00, v23  }
0x8e: {  	(erf) = vpow2.f32 v16;
	v19 =	vmul.f32 $1.442695020e+00, v19;
	v16 =	vpop (erf)  }
0x8f: {  	v32 =	vsub.f32 $0.0e+00, v56;
	v60 =	vpop (erf);
	(erf) = vpow2.f32 v58  }
0x90: {  	(erf) = vpow2.f32 v30;
	v30 =	vpop (erf)  }
0x91: {  	v32 =	vmul.f32 $1.442695020e+00, v32;
	v31, v34, _ =	vpop (xrf1);
	v16 =	vadd.f32 $1.000000000e+00, v16;
	v30 =	vadd.f32 $1.000000000e+00, v30  }
0x92: {  	v59 =	vld [tilespmem:s2+$0xFFFFFF10];
	(erf) = vpow2.f32 v19;
	v19 =	vpop (erf)  }
0x93: {  	v38 =	vld [tilespmem:s2+$0xFFFFFF80];
	(erf) = vpow2.f32 v32;
	v61 =	vpop (erf)  }
0x94: {  	v25, v23, _ =	vpop (xrf1);
	(erf) = vrcp.f32 v16;
	v32 =	vadd.f32 $1.000000000e+00, v61  }
0x95: {  	v37 =	vld [tilespmem:s2+$0xFFFFFF20];
	v19 =	vadd.f32 $1.000000000e+00, v19;
	(erf) = vrcp.f32 v30;
	v30 =	vpop (erf)  }
0x96: {  	v40, v16, _ =	vpop (xrf1);
	(erf) = vrcp.f32 v32;
	v30 =	vadd.f32 $1.000000000e+00, v30  }
0x97: {  	v36 =	vsub.f32 $0.0e+00, v59;
	v42 =	vpop (erf);
	(erf) = vrcp.f32 v19  }
0x98: {  	v35 =	vadd.f32 $1.000000000e+00, v60;
	v63 =	vpop (erf);
	(erf) = vrcp.f32 v30;
	v30 =	vsub.f32 $0.0e+00, v38  }
0x99: {  	v39 =	vld [tilespmem:s2+$0xFFFFFF00];
	v36 =	vmul.f32 $1.442695020e+00, v36;
	v62, v41, _ =	vpop (xrf1);
	v19 =	vadd.f32 $1.000000000e+00, v42  }
0x9a: {  	v37 =	vsub.f32 $0.0e+00, v37;
	v16 =	vperm.xlane v16, v6;
	v43 =	vpop (erf);
	(erf) = vrcp.f32 v35  }
0x9b: {  	v45 =	vadd.f32 $1.000000000e+00, v43;
	v46 =	vpop (erf);
	(erf) = vrcp.f32 v19;
	v19 =	vmul.f32 $1.442695020e+00, v30  }
0x9c: {  	v44 =	vmul.f32 $1.442695020e+00, v37;
	v16 =	vsel vm0, v41, v16;
	(erf) = vpow2.f32 v36;
	v30 =	vpop (erf)  }
0x9d: {  	(erf) = vrcp.f32 v45;
	v48 =	vpop (erf)  }
0x9e: {  	v42 =	vsub.f32 $0.0e+00, v39;
	(erf) = vpow2.f32 v44;
	v51 =	vpop (erf)  }
0x9f: {  	v33 =	vadd.f32 v57, v12;
	(erf) = vpow2.f32 v19;
	v19 =	vpop (erf)  }
0xa0: {  	v49 =	vadd.f32 $1.000000000e+00, v63;
	v47 =	vmul.f32 $1.442695020e+00, v42;
	v19 =	vadd.f32 v19, v15  }
0xa1: {  	(xrf1) =	vsort.dscd.msk.f32 $0xffff, v33, v0;
	v50 =	vld.idx.msk [tilespmem:v16+s13+$0x0], $0xffff;
	v30 =	vadd.f32 $1.000000000e+00, v30;
	v35 =	vadd.f32 v51, v13  }
0xa2: {  	v40 =	vperm.xlane v40, v6;
	v39 =	vadd.f32 $1.000000000e+00, v46;
	(erf) = vpow2.f32 v47;
	v52 =	vpop (erf)  }
0xa3: {  	(erf) = vrcp.f32 v49;
	v36 =	vadd.f32 v52, v15;
	(xrf1) =	vsort.dscd.msk.f32 $0xffff, v35, v2;
	v54 =	vpop (erf)  }
0xa4: {  	v32 =	vsel vm0, v62, v40;
	(erf) = vrcp.f32 v39;
	v35 =	vadd.f32 v54, v13;
	(xrf1) =	vsort.dscd.msk.f32 $0xffff, v19, v4;
	v19 =	vpop (erf)  }
0xa5: {  	v53 =	vadd.f32 $1.000000000e+00, v48;
	(xrf1) =	vsort.dscd.msk.f32 $0xffff, v36, v4;
	(erf) = vrcp.f32 v30;
	v55 =	vadd.f32 v19, v14;
	v30 =	vpop (erf)  }
0xa6: {  	(xrf1) =	vsort.dscd.msk.f32 $0xffff, v35, v2;
	v19 =	vsub.f32 v32, v50;
	v56 =	vpop (erf)  }
0xa7: {  	v26 =	vperm.xlane v26, v5;
	(erf) = vrcp.f32 v53;
	v30 =	vadd.f32 v30, v14;
	v57 =	vpop (erf);
	(xrf1) =	vsort.dscd.msk.f32 $0xffff, v55, v3  }
0xa8: {  	v27 =	vperm.xlane v27, v5;
	v32 =	vadd.f32 v56, v12;
	v58 =	vperm.xlane v19, v7;
	v59 =	vpop (erf)  }
0xa9: {  	v24 =	vperm.xlane v24, v5;
	(xrf1) =	vsort.dscd.msk.f32 $0xffff, v30, v3;
	v30 =	vadd.f32 v59, v12;
	v60 =	vpop (erf)  }
0xaa: {  	v27 =	vsel vm0, v31, v27;
	v31 =	vadd.f32 $1.000000000e+00, v57;
	(xrf1) =	vsort.dscd.msk.f32 $0xffff, v32, v0;
	v61 =	vadd.f32 v58, v19;
	v62 =	vpop (erf)  }
0xab: {  	v22 =	vperm.xlane v22, v5;
	v63 =	vpop (erf);
	(xrf1) =	vsort.dscd.msk.f32 $0xffff, v30, v0  }
0xac: {  	v26 =	vsel vm0, v29, v26;
	v24 =	vsel vm0, v28, v24;
	v30 =	vperm.xlane v61, v8;
	v29 =	vpop (erf)  }
0xad: {  	v21 =	vperm.xlane v21, v5;
	(xrf1) =	vsort.dscd.msk.f32 $0xffff, v26, v24;
	v28 =	vpop (erf);
	v29 =	vadd.f32 v29, v15  }
0xae: {  	v22 =	vsel vm0, v34, v22;
	v30 =	vadd.f32 v30, v61;
	v42 =	vpop (erf)  }
0xaf: {  	v20 =	vperm.xlane v20, v5;
	v21 =	vsel vm0, v25, v21;
	(xrf1) =	vsort.dscd.msk.f32 $0xffff, v27, v22;
	(erf) = vrcp.f32 v31;
	v27, v31, _ =	vpop (xrf1)  }
0xb0: {  	v43 =	vadd.f32 $1.000000000e+00, v60;
	v24 =	vpop (erf);
	v26 =	vperm.xlane v30, v9;
	v22 =	vadd.f32 v42, v13  }
0xb1: {  	v28 =	vadd.f32 v28, v15;
	(xrf1) =	vsort.dscd.msk.f32 $0xffff, v29, v4;
	v24 =	vadd.f32 v24, v14;
	v29, v44, _ =	vpop (xrf1)  }
0xb2: {  	v20 =	vsel vm0, v23, v20;
	(erf) = vrcp.f32 v43;
	v26 =	vadd.f32 v26, v30;
	v46, v45, _ =	vpop (xrf1)  }
0xb3: {  	(xrf1) =	vsort.dscd.msk.f32 $0xffff, v28, v4;
	v29 =	vperm.xlane v29, v5;
	v30 =	vperm.xlane v44, v5;
	v49, v48, _ =	vpop (xrf1)  }
0xb4: {  	(xrf1) =	vsort.dscd.msk.f32 $0xffff, v22, v2;
	v26 =	vadd.f32 $9.999999680e-21, v26;
	v33 =	vperm.xlane v49, v5;
	v34 =	vperm.xlane v48, v5;
	v22, v50, _ =	vpop (xrf1)  }
0xb5: {  	v35 =	vadd.f32 $1.000000000e+00, v62;
	(xrf1) =	vsort.dscd.msk.f32 $0xffff, v24, v3;
	v28 =	vperm.xlane v46, v5;
	v47 =	vperm.xlane v45, v5;
	v24, v51, _ =	vpop (xrf1)  }
0xb6: {  	(erf) = vrcp.f32 v26;
	v24 =	vsel vm0, v24, v33;
	v52 =	vsel vm0, v51, v34  }
0xb7: {  	v22 =	vperm.xlane v22, v5;
	v26 =	vperm.xlane v50, v5;
	v54, v53, _ =	vpop (xrf1);
	(xrf1) =	vsort.dscd.msk.f32 $0xffff, v24, v52  }
0xb8: {  	(erf) = vrcp.f32 v35;
	v28 =	vsel vm0, v54, v28;
	v32 =	vsel vm0, v53, v47;
	v55, v56, _ =	vpop (xrf1)  }
0xb9: {  	v22 =	vsel vm0, v55, v22;
	v24 =	vsel vm0, v56, v26;
	(xrf1) =	vsort.dscd.msk.f32 $0xffff, v28, v32;
	v23, v25, _ =	vpop (xrf1)  }
0xba: {  	(xrf1) =	vsort.dscd.msk.f32 $0xffff, v22, v24;
	v22 =	vsel vm0, v23, v29;
	v23 =	vsel vm0, v25, v30  }
0xbb: {  	(xrf1) =	vsort.dscd.msk.f32 $0xffff, v21, v20;
	v21, v20, _ =	vpop (xrf1)  }
0xbc: {  	v24 =	vpop (erf)  }
0xbd: {  	s7 =	simm.s32 $0x500;
	(xrf1) =	vsort.dscd.msk.f32 $0xffff, v22, v23;
	v23 =	vpop (erf)  }
0xbe: {  	v26 =	vperm.xlane v18, v5;
	v28 =	vld [tilespmem:s7+$0x20];
	v24 =	vadd.f32 v24, v13;
	v22, v18, _ =	vpop (xrf1)  }
0xbf: {  	v25 =	vld [tilespmem:s7+$0x10];
	v41 =	vpop (erf)  }
0xc0: {  	v17 =	vperm.xlane v17, v5;
	(xrf1) =	vsort.dscd.msk.f32 $0xffff, v24, v2;
	v24 =	vld [tilespmem:s7+$0x30];
	v33, v32, _ =	vpop (xrf1)  }
0xc1: {  	v26 =	vsel vm0, v27, v26;
	v23 =	vadd.f32 v23, v14;
	v27 =	vpop (erf)  }
0xc2: {  	v17 =	vsel vm0, v31, v17;
	v35, v31, _ =	vpop (xrf1)  }
0xc3: {  	(xrf1) =	vsort.dscd.msk.f32 $0xffff, v23, v3;
	v23 =	vadd.f32 v27, v12;
	v27 =	vadd.f32 $1.000000000e+00, v63;
	v30, v29, _ =	vpop (xrf1)  }
0xc4: {  	v25 =	vsub.f32 $0.0e+00, v25;
	(xrf1) =	vsort.dscd.msk.f32 $0xffff, v26, v17;
	v17 =	vld [tilespmem:s7+$0x90];
	v38, v37, _ =	vpop (xrf1)  }
0xc5: {  	v26 =	vsub.f32 $0.0e+00, v28;
	(xrf1) =	vsort.dscd.msk.f32 $0xffff, v23, v0;
	(erf) = vrcp.f32 v27;
	v27 =	vld [tilespmem:s7+$0xB0];
	v23 =	vsub.f32 $0.0e+00, v24;
	v24, v28, _ =	vpop (xrf1)  }
0xc6: {  	v25 =	vmul.f32 $1.442695020e+00, v25;
	v24 =	vperm.xlane v24, v5  }
0xc7: {  	v26 =	vmul.f32 $1.442695020e+00, v26  }
0xc8: {  	(erf) = vpow2.f32 v25;
	v60 =	vmul.f32 $1.442695020e+00, v23  }
0xc9: {  	v57 =	vld [tilespmem:s7+$0xA0];
	(erf) = vpow2.f32 v26;
	v28 =	vperm.xlane v28, v5;
	v59, v58, _ =	vpop (xrf1);
	v17 =	vsub.f32 $0.0e+00, v17  }
0xca: {  	v43 =	vld [tilespmem:s7+$0x80];
	v36 =	vperm.xlane v59, v5;
	v23, v61, _ =	vpop (xrf1);
	v39 =	vperm.xlane v58, v5;
	v27 =	vsub.f32 $0.0e+00, v27  }
0xcb: {  	v62 =	vld [tilespmem:s7+$0xFFFFFFB0];
	v44 =	vsel vm0, v23, v24;
	v28 =	vsel vm0, v61, v28;
	v17 =	vmul.f32 $1.442695020e+00, v17;
	v23, v24, _ =	vpop (xrf1)  }
0xcc: {  	v63 =	vld [tilespmem:s7+$0x0];
	(erf) = vpow2.f32 v60;
	v27 =	vmul.f32 $1.442695020e+00, v27;
	(xrf1) =	vsort.dscd.msk.f32 $0xffff, v44, v28;
	v25, v45, _ =	vpop (xrf1)  }
0xcd: {  	v48 =	vld [tilespmem:s7+$0xFFFFFF30];
	(erf) = vpow2.f32 v17;
	v25 =	vsel vm0, v25, v36;
	v26 =	vsel vm0, v45, v39  }
0xce: {  	v49 =	vld [tilespmem:s7+$0xFFFFFF90];
	v28 =	vsub.f32 $0.0e+00, v57;
	(erf) = vpow2.f32 v27;
	(xrf1) =	vsort.dscd.msk.f32 $0xffff, v25, v26  }
0xcf: {  	v50 =	vld [tilespmem:s7+$0xFFFFFFA0];
	v25 =	vsub.f32 $0.0e+00, v43  }
0xd0: {  	v42 =	vsub.f32 $0.0e+00, v62;
	v17 =	vpop (erf);
	v26 =	vmul.f32 $1.442695020e+00, v28  }
0xd1: {  	v51 =	vsub.f32 $0.0e+00, v63;
	v54 =	vpop (erf);
	v52 =	vmul.f32 $1.442695020e+00, v25  }
0xd2: {  	v42 =	vmul.f32 $1.442695020e+00, v42;
	v46 =	vsub.f32 $0.0e+00, v48;
	v56 =	vpop (erf);
	(erf) = vpow2.f32 v26  }
0xd3: {  	v47 =	vsub.f32 $0.0e+00, v49;
	v43 =	vmul.f32 $1.442695020e+00, v51;
	v28, v27, _ =	vpop (xrf1);
	(erf) = vpow2.f32 v52  }
0xd4: {  	v53 =	vmul.f32 $1.442695020e+00, v46;
	v45 =	vsub.f32 $0.0e+00, v50;
	v40, v39, _ =	vpop (xrf1);
	(erf) = vpow2.f32 v42  }
0xd5: {  	v47 =	vmul.f32 $1.442695020e+00, v47;
	v57 =	vpop (erf);
	(erf) = vpow2.f32 v43  }
0xd6: {  	s1 =	simm.s32 $0x2;
	v45 =	vmul.f32 $1.442695020e+00, v45;
	v42 =	vadd.f32 $1.000000000e+00, v54;
	v58 =	vpop (erf);
	(erf) = vpow2.f32 v53  }
0xd7: {  	v55 =	vmov s1;
	v59 =	vpop (erf);
	(erf) = vpow2.f32 v47  }
0xd8: {  	v46 =	vshll.u32 v55, $0x7;
	v26, v25, _ =	vpop (xrf1);
	(erf) = vpow2.f32 v45;
	v45 =	vadd.f32 $1.000000000e+00, v59  }
0xd9: {  	v46 =	vor.u32 v10, v46;
	v44 =	vadd.f32 $1.000000000e+00, v57;
	v36, v34, _ =	vpop (xrf1)  }
0xda: {  	v19 =	vmul.f32 $2.500000000e+00, v19;
	v48 =	vld [tilespmem:s7+$0xFFFFFF10];
	v46 =	vor.u32 v6, v46;
	(erf) = vrcp.f32 v42;
	v42, v50, _ =	vpop (xrf1)  }
0xdb: {  	v49 =	vld [tilespmem:s7+$0xFFFFFF20];
	(erf) = vrcp.f32 v44;
	v60 =	vpop (erf);
	v50 =	vperm.xlane v50, v6  }
0xdc: {  	(erf) = vrcp.f32 v45;
	v45, v52, _ =	vpop (xrf1)  }
0xdd: {  	v41 =	vmul.f32 v41, v19;
	v61 =	vld [tilespmem:s7+$0xFFFFFF00];
	v1 =	vsel vm0, v52, v50  }
0xde: {  	v51 =	vld [tilespmem:s7+$0xFFFFFF80];
	v19 =	vadd.f32 $1.000000000e+00, v58;
	[tilespmem:$0x1FFE0] =	vst v1  }
0xdf: {  	v48 =	vsub.f32 $0.0e+00, v48;
	v44 =	vadd.f32 $1.000000000e+00, v60;
	[tilespmem:v46+s17+$0x0] =	vst.idx.msk $0xffff, v41  }
0xe0: {  	v43 =	vadd.f32 $1.000000000e+00, v56;
	v56 =	vsub.f32 $0.0e+00, v49;
	v53 =	vpop (erf);
	(erf) = vrcp.f32 v19;
	[tilespmem:v46+s18+$0x0] =	vst.idx.msk $0xffff, v16  }
0xe1: {  	v54 =	vmul.f32 $1.442695020e+00, v48;
	v62 =	vadd.f32 $1.000000000e+00, v53;
	v63 =	vpop (erf);
	(erf) = vrcp.f32 v44;
	[tilespmem:v16+s19+$0x0] =	vst.idx.add.s32.msk $0xff, v11  }
0xe2: {  	v55 =	vpop (erf);
	(erf) = vrcp.f32 v43;
	[tilespmem:v16+s19+$0x0] =	vst.idx.add.s32.msk vm1, v11;
	v16 =	vmul.f32 $1.442695020e+00, v56  }
0xe3: {  	v44 =	vadd.f32 $1.000000000e+00, v55;
	v57 =	vpop (erf);
	(erf) = vrcp.f32 v62  }
0xe4: {  	v58 =	vsub.f32 $0.0e+00, v51;
	(erf) = vpow2.f32 v54;
	v59 =	vpop (erf)  }
0xe5: {  	v60 =	vpop (erf);
	(erf) = vrcp.f32 v44  }
0xe6: {  	v47 =	vsub.f32 $0.0e+00, v61;
	v61 =	vmul.f32 $1.442695020e+00, v58;
	(erf) = vpow2.f32 v16;
	v16 =	vpop (erf)  }
0xe7: {  	v17 =	vadd.f32 v17, v12;
	v42 =	vperm.xlane v42, v6;
	v16 =	vadd.f32 v16, v13  }
0xe8: {  	v47 =	vmul.f32 $1.442695020e+00, v47;
	v62 =	vld.idx.msk [tilespmem:v1+s13+$0x0], $0xffff;
	(erf) = vpow2.f32 v61  }
0xe9: {  	v63 =	vadd.f32 $1.000000000e+00, v63;
	v42 =	vsel vm0, v45, v42;
	v44 =	vpop (erf);
	(xrf1) =	vsort.dscd.msk.f32 $0xffff, v17, v0  }
0xea: {  	v46 =	vadd.f32 $1.000000000e+00, v57;
	(erf) = vpow2.f32 v47;
	v44 =	vadd.f32 v44, v15;
	v51 =	vpop (erf)  }
0xeb: {  	v41 =	vadd.f32 $1.000000000e+00, v59;
	(erf) = vrcp.f32 v63;
	(xrf1) =	vsort.dscd.msk.f32 $0xffff, v16, v2;
	v17 =	vadd.f32 v51, v15;
	v16 =	vpop (erf)  }
0xec: {  	v43 =	vadd.f32 $1.000000000e+00, v60;
	(erf) = vrcp.f32 v46;
	(xrf1) =	vsort.dscd.msk.f32 $0xffff, v44, v4;
	v16 =	vadd.f32 v16, v13;
	v52 =	vpop (erf)  }
0xed: {  	(erf) = vrcp.f32 v41;
	(xrf1) =	vsort.dscd.msk.f32 $0xffff, v17, v4;
	v17 =	vsub.f32 v42, v62;
	v44 =	vadd.f32 v52, v14;
	v53 =	vpop (erf)  }
0xee: {  	v41 =	vadd.f32 v53, v14;
	v54 =	vpop (erf);
	(xrf1) =	vsort.dscd.msk.f32 $0xffff, v16, v2  }
0xef: {  	(erf) = vrcp.f32 v43;
	v56 =	vperm.xlane v17, v7;
	v16 =	vadd.f32 v54, v12;
	v55 =	vpop (erf);
	(xrf1) =	vsort.dscd.msk.f32 $0xffff, v44, v3  }
0xf0: {  	v33 =	vperm.xlane v33, v5;
	v35 =	vperm.xlane v35, v5;
	v57 =	vpop (erf);
	(xrf1) =	vsort.dscd.msk.f32 $0xffff, v41, v3  }
0xf1: {  	v58 =	vadd.f32 v57, v12;
	v59 =	vpop (erf);
	(xrf1) =	vsort.dscd.msk.f32 $0xffff, v16, v0;
	v16 =	vadd.f32 v56, v17  }
0xf2: {  	v32 =	vperm.xlane v32, v5;
	v31 =	vperm.xlane v31, v5;
	v43 =	vpop (erf)  }
0xf3: {  	v35 =	vsel vm0, v40, v35;
	v45 =	vpop (erf);
	(xrf1) =	vsort.dscd.msk.f32 $0xffff, v58, v0;
	v60 =	vperm.xlane v16, v8  }
0xf4: {  	v31 =	vsel vm0, v39, v31;
	v61 =	vpop (erf)  }
0xf5: {  	v33 =	vsel vm0, v38, v33;
	v32 =	vsel vm0, v37, v32;
	v62 =	vpop (erf);
	v16 =	vadd.f32 v60, v16  }
0xf6: {  	v30 =	vperm.xlane v30, v5;
	v29 =	vperm.xlane v29, v5;
	v63 =	vadd.f32 $1.000000000e+00, v55;
	(xrf1) =	vsort.dscd.msk.f32 $0xffff, v33, v32;
	v46 =	vpop (erf)  }
0xf7: {  	v47 =	vadd.f32 $1.000000000e+00, v59;
	v38 =	vadd.f32 v61, v15;
	(xrf1) =	vsort.dscd.msk.f32 $0xffff, v35, v31;
	v31, v35, _ =	vpop (xrf1);
	v49 =	vperm.xlane v16, v9  }
0xf8: {  	v29 =	vsel vm0, v34, v29;
	v37 =	vadd.f32 v62, v15;
	(erf) = vrcp.f32 v63;
	v48 =	vpop (erf)  }
0xf9: {  	v50 =	vadd.f32 v46, v13;
	(xrf1) =	vsort.dscd.msk.f32 $0xffff, v38, v4;
	(erf) = vrcp.f32 v47;
	v52, v51, _ =	vpop (xrf1);
	v16 =	vadd.f32 v49, v16  }
0xfa: {  	v32 =	vadd.f32 v48, v14;
	v33 =	vperm.xlane v52, v5;
	v38 =	vperm.xlane v51, v5;
	v54, v53, _ =	vpop (xrf1)  }
0xfb: {  	(xrf1) =	vsort.dscd.msk.f32 $0xffff, v37, v4;
	v55 =	vperm.xlane v54, v5;
	v56 =	vperm.xlane v53, v5;
	v58, v57, _ =	vpop (xrf1);
	v16 =	vadd.f32 $9.999999680e-21, v16  }
0xfc: {  	(xrf1) =	vsort.dscd.msk.f32 $0xffff, v50, v2;
	v41 =	vperm.xlane v58, v5;
	v42 =	vperm.xlane v57, v5;
	v60, v59, _ =	vpop (xrf1)  }
0xfd: {  	v43 =	vadd.f32 $1.000000000e+00, v43;
	(xrf1) =	vsort.dscd.msk.f32 $0xffff, v32, v3;
	v39 =	vperm.xlane v60, v5;
	v62, v61, _ =	vpop (xrf1);
	(erf) = vrcp.f32 v16  }
0xfe: {  	v16 =	vperm.xlane v59, v5;
	v32 =	vsel vm0, v62, v41;
	v63 =	vsel vm0, v61, v42;
	v49, v48, _ =	vpop (xrf1)  }
0xff: {  	v37 =	vsel vm0, v49, v55;
	v40 =	vsel vm0, v48, v56;
	v50, v51, _ =	vpop (xrf1);
	(xrf1) =	vsort.dscd.msk.f32 $0xffff, v32, v63  }
0x100: {  	(erf) = vrcp.f32 v43;
	v52 =	vsel vm0, v50, v39;
	v16 =	vsel vm0, v51, v16;
	(xrf1) =	vsort.dscd.msk.f32 $0xffff, v37, v40  }
0x101: {  	v30 =	vsel vm0, v36, v30;
	v54, v53, _ =	vpop (xrf1);
	(xrf1) =	vsort.dscd.msk.f32 $0xffff, v52, v16  }
0x102: {  	v16 =	vsel vm0, v54, v33;
	(xrf1) =	vsort.dscd.msk.f32 $0xffff, v30, v29;
	v29 =	vpop (erf)  }
0x103: {  	v30 =	vperm.xlane v20, v5;
	v20 =	vadd.f32 v29, v13  }
0x104: {  	v28 =	vperm.xlane v28, v5;
	v55 =	vsel vm0, v53, v38  }
0x105: {  	s2 =	simm.s32 $0x700;
	v21 =	vperm.xlane v21, v5;
	v27 =	vperm.xlane v27, v5;
	(xrf1) =	vsort.dscd.msk.f32 $0xffff, v16, v55;
	v16 =	vpop (erf)  }
0x106: {  	v28 =	vsel vm0, v31, v28;
	v57 =	vperm.xlane v18, v5;
	v56 =	vld [tilespmem:s2+$0x10];
	v29 =	vadd.f32 v16, v14;
	v18 =	vpop (erf)  }
0x107: {  	v22 =	vperm.xlane v22, v5;
	v58 =	vld [tilespmem:s2+$0x20];
	(xrf1) =	vsort.dscd.msk.f32 $0xffff, v20, v2;
	v34, v16, _ =	vpop (xrf1)  }
0x108: {  	v21 =	vsel vm0, v23, v21;
	v27 =	vsel vm0, v35, v27;
	v23, v20, _ =	vpop (xrf1);
	(xrf1) =	vsort.dscd.msk.f32 $0xffff, v29, v3  }
0x109: {  	v22 =	vsel vm0, v26, v22;
	v24 =	vsel vm0, v24, v30;
	(xrf1) =	vsort.dscd.msk.f32 $0xffff, v28, v27;
	v27 =	vld [tilespmem:s2+$0x30];
	v28 =	vpop (erf)  }
0x10a: {  	v25 =	vsel vm0, v25, v57;
	v40, v39, _ =	vpop (xrf1);
	(xrf1) =	vsort.dscd.msk.f32 $0xffff, v21, v24;
	v21 =	vadd.f32 v28, v12  }
0x10b: {  	v26 =	vadd.f32 $1.000000000e+00, v45;
	v41, v38, _ =	vpop (xrf1);
	v24 =	vsub.f32 $0.0e+00, v56;
	(xrf1) =	vsort.dscd.msk.f32 $0xffff, v22, v25;
	v22 =	vld [tilespmem:s2+$0x90]  }
0x10c: {  	v36, v35, _ =	vpop (xrf1);
	v25 =	vsub.f32 $0.0e+00, v58;
	(xrf1) =	vsort.dscd.msk.f32 $0xffff, v21, v0;
	v21 =	vld [tilespmem:s2+$0xB0]  }
0x10d: {  	(erf) = vrcp.f32 v26;
	v44, v43, _ =	vpop (xrf1);
	v24 =	vmul.f32 $1.442695020e+00, v24  }
0x10e: {  	v26 =	vmul.f32 $1.442695020e+00, v25;
	v25 =	vsub.f32 $0.0e+00, v27;
	v27, v28, _ =	vpop (xrf1)  }
0x10f: {  	(erf) = vpow2.f32 v24;
	v27 =	vperm.xlane v27, v5  }
0x110: {  	v29 =	vld [tilespmem:s2+$0xA0];
	v28 =	vperm.xlane v28, v5;
	v30, v31, _ =	vpop (xrf1);
	v59 =	vmul.f32 $1.442695020e+00, v25;
	v22 =	vsub.f32 $0.0e+00, v22  }
0x111: {  	v63 =	vld [tilespmem:s2+$0xFFFFFFB0];
	(erf) = vpow2.f32 v26;
	v31 =	vperm.xlane v31, v5;
	v21 =	vsub.f32 $0.0e+00, v21  }
0x112: {  	v61 =	vld [tilespmem:s2+$0x80];
	v25, v60, _ =	vpop (xrf1);
	v22 =	vmul.f32 $1.442695020e+00, v22;
	(erf) = vpow2.f32 v59  }
0x113: {  	v53 =	vld [tilespmem:s2+$0xFFFFFF30];
	v62 =	vsel vm0, v25, v27;
	v28 =	vsel vm0, v60, v28;
	v21 =	vmul.f32 $1.442695020e+00, v21  }
0x114: {  	v52 =	vld [tilespmem:s2+$0x0];
	v30 =	vperm.xlane v30, v5;
	v27, v25, _ =	vpop (xrf1);
	(xrf1) =	vsort.dscd.msk.f32 $0xffff, v62, v28;
	(erf) = vpow2.f32 v22  }
0x115: {  	v28 =	vsub.f32 $0.0e+00, v29;
	v22 =	vld [tilespmem:s2+$0xFFFFFFA0];
	v24, v51, _ =	vpop (xrf1);
	(erf) = vpow2.f32 v21  }
0x116: {  	v54 =	vld [tilespmem:s2+$0xFFFFFF90];
	v48 =	vpop (erf);
	v21 =	vsub.f32 $0.0e+00, v63;
	v24 =	vsel vm0, v24, v30;
	v26 =	vsel vm0, v51, v31  }
0x117: {  	v32, v31, _ =	vpop (xrf1);
	(xrf1) =	vsort.dscd.msk.f32 $0xffff, v24, v26;
	v26 =	vsub.f32 $0.0e+00, v61  }
0x118: {  	v57 =	vsub.f32 $0.0e+00, v53;
	v55 =	vmul.f32 $1.442695020e+00, v28;
	v46, v45, _ =	vpop (xrf1);
	v21 =	vmul.f32 $1.442695020e+00, v21  }
0x119: {  	v42 =	vsub.f32 $0.0e+00, v52;
	v30, v29, _ =	vpop (xrf1);
	v56 =	vmul.f32 $1.442695020e+00, v26  }
0x11a: {  	v37 =	vmul.f32 $1.442695020e+00, v57;
	(erf) = vpow2.f32 v55;
	v22 =	vsub.f32 $0.0e+00, v22;
	v28, v24, _ =	vpop (xrf1)  }
0x11b: {  	v49 =	vsub.f32 $0.0e+00, v54;
	v58 =	vmul.f32 $1.442695020e+00, v42;
	v26, v33, _ =	vpop (xrf1);
	(erf) = vpow2.f32 v56  }
0x11c: {  	v22 =	vmul.f32 $1.442695020e+00, v22;
	(erf) = vpow2.f32 v21;
	v21 =	vpop (erf)  }
0x11d: {  	v49 =	vmul.f32 $1.442695020e+00, v49;
	(erf) = vpow2.f32 v58;
	v60 =	vpop (erf)  }
0x11e: {  	v59 =	vld [tilespmem:s2+$0xFFFFFF10];
	v21 =	vadd.f32 $1.000000000e+00, v21;
	(erf) = vpow2.f32 v37;
	v61 =	vpop (erf)  }
0x11f: {  	v63 =	vld [tilespmem:s2+$0xFFFFFF20];
	(erf) = vpow2.f32 v49;
	v62 =	vpop (erf)  }
0x120: {  	(erf) = vpow2.f32 v22;
	v22 =	vpop (erf)  }
0x121: {  	v34 =	vperm.xlane v34, v5;
	v23 =	vperm.xlane v23, v5;
	v55 =	vld [tilespmem:s2+$0xFFFFFF00];
	v47, v42, _ =	vpop (xrf1);
	v22 =	vadd.f32 $1.000000000e+00, v22  }
0x122: {  	v20 =	vperm.xlane v20, v5;
	v37 =	vadd.f32 $1.000000000e+00, v61;
	(erf) = vrcp.f32 v21;
	v21, v56, _ =	vpop (xrf1)  }
0x123: {  	v54 =	vld [tilespmem:s2+$0xFFFFFF80];
	v40 =	vperm.xlane v40, v5;
	v50 =	vsub.f32 $0.0e+00, v59;
	v56 =	vperm.xlane v56, v6  }
0x124: {  	v52 =	vsub.f32 $0.0e+00, v63;
	v49 =	vadd.f32 $1.000000000e+00, v62;
	v63 =	vpop (erf);
	(erf) = vrcp.f32 v37  }
0x125: {  	v50 =	vmul.f32 $1.442695020e+00, v50;
	v37 =	vadd.f32 $1.000000000e+00, v63;
	(erf) = vrcp.f32 v22;
	v58 =	vpop (erf)  }
0x126: {  	v51 =	vadd.f32 $1.000000000e+00, v60;
	v61 =	vsub.f32 $0.0e+00, v55;
	(erf) = vrcp.f32 v49;
	v57, v22, _ =	vpop (xrf1)  }
0x127: {  	v49 =	vadd.f32 $1.000000000e+00, v58;
	v22 =	vsel vm0, v22, v56;
	v56 =	vpop (erf);
	(erf) = vrcp.f32 v37  }
0x128: {  	v60 =	vsub.f32 $0.0e+00, v54;
	v63 =	vmul.f32 $1.442695020e+00, v52;
	v62 =	vpop (erf);
	(erf) = vrcp.f32 v51  }
0x129: {  	s7 =	simm.s32 $0x0;
	v39 =	vperm.xlane v39, v5;
	v58 =	vadd.f32 $1.000000000e+00, v62;
	v59 =	vpop (erf);
	(erf) = vrcp.f32 v49  }
0x12a: {  	v53 =	vmov s7;
	v37 =	vmul.f32 $1.442695020e+00, v60;
	(erf) = vpow2.f32 v50;
	v50 =	vpop (erf)  }
0x12b: {  	v48 =	vadd.f32 v48, v12;
	v60 =	vmul.f32 $1.442695020e+00, v61;
	v61 =	vpop (erf);
	(erf) = vrcp.f32 v58  }
0x12c: {  	v41 =	vperm.xlane v41, v5;
	v62 =	vadd.f32 $1.000000000e+00, v56;
	(erf) = vpow2.f32 v63;
	v63 =	vpop (erf)  }
0x12d: {  	v38 =	vperm.xlane v38, v5;
	(xrf1) =	vsort.dscd.msk.f32 $0xffff, v48, v0;
	v21 =	vperm.xlane v21, v6;
	v55 =	vadd.f32 $1.000000000e+00, v59;
	v58 =	vpop (erf)  }
0x12e: {  	v50 =	vadd.f32 $1.000000000e+00, v50;
	v56 =	vld.idx.msk [tilespmem:v22+s13+$0x0], $0xffff;
	v51 =	vadd.f32 v63, v13;
	(erf) = vpow2.f32 v37;
	v59 =	vpop (erf)  }
0x12f: {  	v37 =	vadd.f32 v58, v15;
	(erf) = vpow2.f32 v60;
	v60 =	vadd.f32 $1.000000000e+00, v61;
	v61 =	vpop (erf)  }
0x130: {  	v49 =	vshll.u32 v53, $0x7;
	v53 =	vadd.f32 v59, v15;
	(erf) = vrcp.f32 v62;
	(xrf1) =	vsort.dscd.msk.f32 $0xffff, v51, v2;
	v62 =	vpop (erf)  }
0x131: {  	v36 =	vperm.xlane v36, v5;
	v51 =	vadd.f32 v61, v13;
	(erf) = vrcp.f32 v55;
	(xrf1) =	vsort.dscd.msk.f32 $0xffff, v37, v4;
	v55 =	vpop (erf)  }
0x132: {  	v21 =	vsel vm0, v57, v21;
	v63 =	vadd.f32 v62, v14;
	(xrf1) =	vsort.dscd.msk.f32 $0xffff, v53, v4;
	v57 =	vpop (erf)  }
0x133: {  	(erf) = vrcp.f32 v50;
	v37 =	vsub.f32 v21, v56;
	v56 =	vadd.f32 v55, v14;
	(xrf1) =	vsort.dscd.msk.f32 $0xffff, v51, v2;
	v50 =	vpop (erf)  }
0x134: {  	v35 =	vperm.xlane v35, v5;
	(erf) = vrcp.f32 v60;
	v48 =	vadd.f32 v57, v12;
	(xrf1) =	vsort.dscd.msk.f32 $0xffff, v63, v3;
	v60 =	vpop (erf)  }
0x135: {  	v58 =	vperm.xlane v37, v7;
	(xrf1) =	vsort.dscd.msk.f32 $0xffff, v56, v3;
	v62 =	vadd.f32 v60, v12  }
0x136: {  	s1 =	simm.s32 $0x6;
	v40 =	vsel vm0, v44, v40;
	v39 =	vsel vm0, v43, v39;
	v53 =	vpop (erf);
	(xrf1) =	vsort.dscd.msk.f32 $0xffff, v48, v0  }
0x137: {  	v41 =	vsel vm0, v46, v41;
	v59 =	vmov s1;
	v63 =	vadd.f32 v58, v37;
	v51 =	vpop (erf);
	(xrf1) =	vsort.dscd.msk.f32 $0xffff, v62, v0  }
0x138: {  	v32 =	vperm.xlane v32, v5;
	v31 =	vperm.xlane v31, v5;
	v38 =	vsel vm0, v45, v38;
	v54 =	vpop (erf)  }
0x139: {  	v36 =	vsel vm0, v47, v36;
	v61 =	vshll.u32 v59, $0x7;
	v57 =	vperm.xlane v63, v8;
	v58 =	vpop (erf)  }
0x13a: {  	v21 =	vor.u32 v10, v49;
	v49 =	vor.u32 v10, v61;
	v61 =	vadd.f32 $1.000000000e+00, v50;
	(xrf1) =	vsort.dscd.msk.f32 $0xffff, v40, v39;
	v59 =	vpop (erf)  }
0x13b: {  	v35 =	vsel vm0, v42, v35;
	v60 =	vadd.f32 v57, v63;
	(xrf1) =	vsort.dscd.msk.f32 $0xffff, v41, v38;
	v38, v41, _ =	vpop (xrf1)  }
0x13c: {  	(erf) = vrcp.f32 v61;
	v63 =	vadd.f32 $1.000000000e+00, v53;
	v43 =	vadd.f32 v58, v15;
	v62 =	vpop (erf)  }
0x13d: {  	v44 =	vadd.f32 v59, v15;
	v52 =	vpop (erf);
	v53 =	vperm.xlane v60, v9;
	v55 =	vadd.f32 v62, v13  }
0x13e: {  	(xrf1) =	vsort.dscd.msk.f32 $0xffff, v43, v4;
	(erf) = vrcp.f32 v63;
	v39 =	vadd.f32 v52, v14;
	v52 =	vperm.xlane v24, v6;
	v57, v56, _ =	vpop (xrf1)  }
0x13f: {  	v40 =	vadd.f32 v53, v60;
	v43 =	vperm.xlane v57, v5;
	v46 =	vperm.xlane v56, v5;
	v59, v58, _ =	vpop (xrf1)  }
0x140: {  	(xrf1) =	vsort.dscd.msk.f32 $0xffff, v44, v4;
	v44 =	vperm.xlane v59, v5;
	v47 =	vperm.xlane v58, v5;
	v61, v60, _ =	vpop (xrf1)  }
0x141: {  	v40 =	vadd.f32 $9.999999680e-21, v40;
	v48 =	vperm.xlane v61, v5;
	v50 =	vperm.xlane v60, v5;
	v63, v62, _ =	vpop (xrf1)  }
0x142: {  	v51 =	vadd.f32 $1.000000000e+00, v51;
	(xrf1) =	vsort.dscd.msk.f32 $0xffff, v55, v2;
	v45 =	vperm.xlane v63, v5;
	v57, v56, _ =	vpop (xrf1);
	v58 =	vperm.xlane v62, v5  }
0x143: {  	(xrf1) =	vsort.dscd.msk.f32 $0xffff, v39, v3;
	(erf) = vrcp.f32 v40;
	v39 =	vsel vm0, v57, v48;
	v59 =	vsel vm0, v56, v50;
	v61, v60, _ =	vpop (xrf1)  }
0x144: {  	(erf) = vrcp.f32 v51;
	v44 =	vsel vm0, v61, v44;
	v47 =	vsel vm0, v60, v47;
	v62, v63, _ =	vpop (xrf1);
	(xrf1) =	vsort.dscd.msk.f32 $0xffff, v39, v59  }
0x145: {  	v50 =	vsel vm0, v62, v45;
	v40 =	vsel vm0, v63, v58;
	(xrf1) =	vsort.dscd.msk.f32 $0xffff, v44, v47;
	v24, v53, _ =	vpop (xrf1)  }
0x146: {  	v1 =	vor.u32 v6, v21;
	(xrf1) =	vsort.dscd.msk.f32 $0xffff, v50, v40;
	v58 =	vpop (erf);
	v55 =	vsel vm0, v24, v43  }
0x147: {  	v56 =	vsel vm0, v53, v46;
	(xrf1) =	vsort.dscd.msk.f32 $0xffff, v36, v35;
	v59 =	vadd.f32 v58, v13;
	v60 =	vpop (erf)  }
0x148: {  	s0 =	simm.s32 $0x900;
	v23 =	vsel vm0, v30, v23;
	[tilespmem:$0x1FFF0] =	vst v1;
	(xrf1) =	vsort.dscd.msk.f32 $0xffff, v55, v56;
	v61 =	vadd.f32 v60, v14  }
0x149: {  	v32 =	vsel vm0, v38, v32;
	v31 =	vsel vm0, v41, v31;
	v62 =	vld [tilespmem:s0+$0x10];
	(xrf1) =	vsort.dscd.msk.f32 $0xffff, v59, v2  }
0x14a: {  	v30 =	vadd.f32 $1.000000000e+00, v54;
	v57 =	vperm.xlane v16, v5;
	v16 =	vsel vm0, v33, v52;
	v63 =	vld [tilespmem:s0+$0x20];
	v42, v45, _ =	vpop (xrf1);
	(xrf1) =	vsort.dscd.msk.f32 $0xffff, v61, v3  }
0x14b: {  	v17 =	vmul.f32 $2.500000000e+00, v17;
	v50, v36, _ =	vpop (xrf1);
	(xrf1) =	vsort.dscd.msk.f32 $0xffff, v32, v31;
	v31 =	vld [tilespmem:s0+$0x30]  }
0x14c: {  	v34 =	vsel vm0, v27, v34;
	s2 =	simm.s32 $0x4;
	v20 =	vsel vm0, v29, v20;
	(erf) = vrcp.f32 v30;
	v27 =	vpop (erf)  }
0x14d: {  	v25 =	vsel vm0, v25, v57;
	v47 =	vmov s2;
	v24 =	vor.u32 v6, v49;
	v46 =	vpop (erf)  }
0x14e: {  	v49 =	vshll.u32 v47, $0x7;
	v53 =	vperm.xlane v28, v6;
	v51, v52, _ =	vpop (xrf1);
	(xrf1) =	vsort.dscd.msk.f32 $0xffff, v34, v25;
	v25 =	vadd.f32 v46, v12  }
0x14f: {  	v29 =	vld.idx.msk [tilespmem:v16+s13+$0x0], $0xffff;
	v54 =	vsub.f32 $0.0e+00, v62;
	v33 =	vsub.f32 $0.0e+00, v63;
	v43, v28, _ =	vpop (xrf1);
	(xrf1) =	vsort.dscd.msk.f32 $0xffff, v23, v20;
	v23 =	vor.u32 v10, v49  }
0x150: {  	v20 =	vld [tilespmem:s0+$0x90];
	v39, v30, _ =	vpop (xrf1);
	(xrf1) =	vsort.dscd.msk.f32 $0xffff, v25, v0;
	v25 =	vmul.f32 v18, v17;
	v17 =	vor.u32 v6, v23;
	v23 =	vsub.f32 $0.0e+00, v31  }
0x151: {  	v32 =	vmul.f32 $1.442695020e+00, v54  }
0x152: {  	v33 =	vmul.f32 $1.442695020e+00, v33;
	v44, v40, _ =	vpop (xrf1);
	v18 =	vsel vm0, v26, v53;
	v26 =	vld [tilespmem:s0+$0xB0]  }
0x153: {  	(erf) = vpow2.f32 v32;
	v31, v55, _ =	vpop (xrf1)  }
0x154: {  	(erf) = vpow2.f32 v33;
	v19 =	vsub.f32 v18, v29;
	v29 =	vld [tilespmem:s0+$0xA0];
	v58 =	vmul.f32 $1.442695020e+00, v23;
	v57, v56, _ =	vpop (xrf1)  }
0x155: {  	v48 =	vld [tilespmem:s0+$0x80];
	v60 =	vsub.f32 $0.0e+00, v20;
	v31 =	vperm.xlane v31, v5;
	v34 =	vperm.xlane v55, v5;
	v20, v23, _ =	vpop (xrf1)  }
0x156: {  	v49 =	vld [tilespmem:s0+$0xFFFFFFB0];
	v35 =	vperm.xlane v57, v5;
	v38 =	vperm.xlane v56, v5  }
0x157: {  	v63 =	vld [tilespmem:s0+$0x0];
	v26 =	vsub.f32 $0.0e+00, v26;
	v31 =	vsel vm0, v20, v31;
	v34 =	vsel vm0, v23, v34;
	v23, v20, _ =	vpop (xrf1)  }
0x158: {  	v46 =	vmul.f32 $1.442695020e+00, v60;
	v60 =	vld [tilespmem:s0+$0xFFFFFF30];
	(erf) = vpow2.f32 v58;
	v62, v61, _ =	vpop (xrf1)  }
0x159: {  	v29 =	vsub.f32 $0.0e+00, v29;
	v26 =	vmul.f32 $1.442695020e+00, v26;
	v59 =	vsel vm0, v61, v38;
	v61 =	vld [tilespmem:s0+$0xFFFFFF90]  }
0x15a: {  	v48 =	vsub.f32 $0.0e+00, v48;
	(erf) = vpow2.f32 v46;
	(xrf1) =	vsort.dscd.msk.f32 $0xffff, v31, v34;
	v31 =	vsel vm0, v62, v35  }
0x15b: {  	v54 =	vpop (erf);
	v58 =	vld [tilespmem:s0+$0xFFFFFFA0];
	(erf) = vpow2.f32 v26;
	v26 =	vsub.f32 $0.0e+00, v49;
	(xrf1) =	vsort.dscd.msk.f32 $0xffff, v31, v59;
	v59 =	vmul.f32 $1.442695020e+00, v29  }
0x15c: {  	v33, v32, _ =	vpop (xrf1);
	v62 =	vsub.f32 $0.0e+00, v63;
	v31 =	vperm.xlane v45, v5;
	v45 =	vmul.f32 $1.442695020e+00, v48  }
0x15d: {  	v55 =	vsub.f32 $0.0e+00, v60;
	v47, v46, _ =	vpop (xrf1);
	v26 =	vmul.f32 $1.442695020e+00, v26;
	(erf) = vpow2.f32 v59  }
0x15e: {  	v53 =	vmul.f32 $2.500000000e+00, v37;
	v34, v29, _ =	vpop (xrf1);
	v60 =	vmul.f32 $1.442695020e+00, v62;
	v59 =	vsub.f32 $0.0e+00, v61  }
0x15f: {  	v38, v49, _ =	vpop (xrf1);
	(erf) = vpow2.f32 v45;
	v45 =	vmul.f32 $1.442695020e+00, v55  }
0x160: {  	v37, v48, _ =	vpop (xrf1);
	v55 =	vsub.f32 $0.0e+00, v58;
	(erf) = vpow2.f32 v26;
	v58 =	vmul.f32 $1.442695020e+00, v59  }
0x161: {  	v26 =	vpop (erf);
	(erf) = vpow2.f32 v60  }
0x162: {  	v55 =	vmul.f32 $1.442695020e+00, v55;
	(erf) = vpow2.f32 v45;
	v59 =	vpop (erf)  }
0x163: {  	v60 =	vld [tilespmem:s0+$0xFFFFFF10];
	v26 =	vadd.f32 $1.000000000e+00, v26;
	(erf) = vpow2.f32 v58;
	v45 =	vpop (erf)  }
0x164: {  	v61 =	vld [tilespmem:s0+$0xFFFFFF20];
	(erf) = vpow2.f32 v55;
	v58 =	vpop (erf)  }
0x165: {  	v62 =	vadd.f32 $1.000000000e+00, v45;
	v45 =	vperm.xlane v50, v5;
	v63 =	vpop (erf);
	v50 =	vadd.f32 $1.000000000e+00, v58  }
0x166: {  	v51 =	vperm.xlane v51, v5;
	(erf) = vrcp.f32 v26;
	v63 =	vadd.f32 $1.000000000e+00, v63;
	v58 =	vpop (erf)  }
0x167: {  	v35 =	vperm.xlane v42, v5;
	v42, v41, _ =	vpop (xrf1);
	v55 =	vld [tilespmem:s0+$0xFFFFFF80];
	(erf) = vrcp.f32 v62;
	v58 =	vadd.f32 $1.000000000e+00, v58  }
0x168: {  	v59 =	vadd.f32 $1.000000000e+00, v59;
	v60 =	vsub.f32 $0.0e+00, v60;
	v18, v26, _ =	vpop (xrf1);
	v62 =	vld [tilespmem:s0+$0xFFFFFF00];
	(erf) = vrcp.f32 v63  }
0x169: {  	v52 =	vperm.xlane v52, v5;
	v61 =	vsub.f32 $0.0e+00, v61;
	(erf) = vrcp.f32 v50;
	v50 =	vpop (erf)  }
0x16a: {  	v26 =	vperm.xlane v26, v6;
	v60 =	vmul.f32 $1.442695020e+00, v60;
	v63, v1, _ =	vpop (xrf1)  }
0x16b: {  	v61 =	vmul.f32 $1.442695020e+00, v61;
	v50 =	vadd.f32 $1.000000000e+00, v50;
	(erf) = vrcp.f32 v58;
	v58 =	vpop (erf)  }
0x16c: {  	v55 =	vsub.f32 $0.0e+00, v55;
	(erf) = vrcp.f32 v59;
	v26 =	vsel vm0, v1, v26;
	v59 =	vpop (erf)  }
0x16d: {  	(erf) = vrcp.f32 v50;
	v50 =	vsub.f32 $0.0e+00, v62;
	v1 =	vadd.f32 $1.000000000e+00, v59;
	v59 =	vpop (erf)  }
0x16e: {  	v55 =	vmul.f32 $1.442695020e+00, v55;
	(erf) = vpow2.f32 v60;
	v60 =	vpop (erf)  }
0x16f: {  	v54 =	vadd.f32 v54, v12;
	v62 =	vpop (erf);
	(erf) = vrcp.f32 v1;
	v1 =	vmul.f32 $1.442695020e+00, v50  }
0x170: {  	v43 =	vperm.xlane v43, v5;
	v44 =	vsel vm0, v44, v51;
	(erf) = vpow2.f32 v61;
	v61 =	vpop (erf)  }
0x171: {  	v27 =	vmul.f32 v27, v53;
	(xrf1) =	vsort.dscd.msk.f32 $0xffff, v54, v0;
	v50 =	vadd.f32 $1.000000000e+00, v58;
	v58 =	vadd.f32 v61, v13  }
0x172: {  	v53 =	vperm.xlane v28, v5;
	v60 =	vadd.f32 $1.000000000e+00, v60;
	(erf) = vpow2.f32 v55;
	v55 =	vpop (erf)  }
0x173: {  	v59 =	vadd.f32 $1.000000000e+00, v59;
	v61 =	vld.idx.msk [tilespmem:v26+s13+$0x0], $0xffff;
	v55 =	vadd.f32 v55, v15;
	(erf) = vpow2.f32 v1;
	v1 =	vpop (erf)  }
0x174: {  	s7 =	simm.s32 $0xA;
	v54 =	vadd.f32 $1.000000000e+00, v62;
	(erf) = vrcp.f32 v50;
	(xrf1) =	vsort.dscd.msk.f32 $0xffff, v58, v2;
	v1 =	vadd.f32 v1, v15;
	v62 =	vpop (erf)  }
0x175: {  	v56 =	vmov s7;
	v18 =	vperm.xlane v18, v6;
	(erf) = vrcp.f32 v59;
	(xrf1) =	vsort.dscd.msk.f32 $0xffff, v55, v4;
	v58 =	vpop (erf)  }
0x176: {  	v56 =	vshll.u32 v56, $0x7;
	v50 =	vadd.f32 v62, v13;
	(erf) = vrcp.f32 v60;
	v60 =	vpop (erf);
	(xrf1) =	vsort.dscd.msk.f32 $0xffff, v1, v4  }
0x177: {  	v56 =	vor.u32 v10, v56;
	v59 =	vadd.f32 v58, v14;
	v1 =	vsel vm0, v63, v18;
	v62 =	vpop (erf)  }
0x178: {  	(erf) = vrcp.f32 v54;
	v18 =	vadd.f32 v60, v14;
	(xrf1) =	vsort.dscd.msk.f32 $0xffff, v50, v2;
	v50 =	vsub.f32 v1, v61;
	v54 =	vpop (erf)  }
0x179: {  	v57 =	vperm.xlane v19, v7;
	v1 =	vadd.f32 v62, v12;
	(xrf1) =	vsort.dscd.msk.f32 $0xffff, v59, v3;
	v28 =	vpop (erf)  }
0x17a: {  	(xrf1) =	vsort.dscd.msk.f32 $0xffff, v18, v3;
	v18 =	vperm.xlane v50, v7;
	v63 =	vadd.f32 v28, v12;
	v58 =	vpop (erf)  }
0x17b: {  	v57 =	vadd.f32 v57, v19;
	v46 =	vsel vm0, v46, v53;
	v28 =	vor.u32 v6, v56;
	v56 =	vpop (erf)  }
0x17c: {  	v43 =	vsel vm0, v47, v43;
	(xrf1) =	vsort.dscd.msk.f32 $0xffff, v1, v0;
	v18 =	vadd.f32 v18, v50;
	v51 =	vpop (erf)  }
0x17d: {  	v40 =	vsel vm0, v40, v52;
	v60 =	vperm.xlane v57, v8;
	(xrf1) =	vsort.dscd.msk.f32 $0xffff, v63, v0;
	v61 =	vpop (erf)  }
0x17e: {  	v47 =	vperm.xlane v30, v5;
	v53 =	vadd.f32 $1.000000000e+00, v54;
	v62 =	vperm.xlane v18, v8;
	(xrf1) =	vsort.dscd.msk.f32 $0xffff, v44, v40;
	v63 =	vpop (erf)  }
0x17f: {  	v30 =	vmul.f32 $2.500000000e+00, v19;
	v19 =	vadd.f32 v61, v15;
	v61 =	vadd.f32 $1.000000000e+00, v58;
	(xrf1) =	vsort.dscd.msk.f32 $0xffff, v43, v46;
	v43, v46, _ =	vpop (xrf1)  }
0x180: {  	v59 =	vpop (erf);
	v52 =	vadd.f32 v62, v18;
	v62 =	vadd.f32 v63, v15  }
0x181: {  	v1 =	vperm.xlane v36, v5;
	v36 =	vadd.f32 v60, v57;
	v60 =	vpop (erf);
	v63 =	vadd.f32 v59, v13  }
0x182: {  	v39 =	vperm.xlane v39, v5;
	v49 =	vperm.xlane v49, v6;
	v59, v58, _ =	vpop (xrf1)  }
0x183: {  	(erf) = vrcp.f32 v53;
	(xrf1) =	vsort.dscd.msk.f32 $0xffff, v19, v4;
	v19 =	vperm.xlane v52, v9;
	v40 =	vadd.f32 v60, v14;
	v60, v53, _ =	vpop (xrf1)  }
0x184: {  	v32 =	vperm.xlane v32, v5;
	(erf) = vrcp.f32 v61;
	(xrf1) =	vsort.dscd.msk.f32 $0xffff, v62, v4;
	v62, v61, _ =	vpop (xrf1)  }
0x185: {  	v18 =	vsel vm0, v48, v49;
	v19 =	vadd.f32 v19, v52;
	v55 =	vperm.xlane v61, v5  }
0x186: {  	(xrf1) =	vsort.dscd.msk.f32 $0xffff, v63, v2;
	v48 =	vperm.xlane v60, v5;
	v54 =	vperm.xlane v62, v5;
	v60, v63, _ =	vpop (xrf1)  }
0x187: {  	v38 =	vperm.xlane v38, v6;
	v56 =	vadd.f32 $1.000000000e+00, v56;
	(xrf1) =	vsort.dscd.msk.f32 $0xffff, v40, v3;
	v19 =	vadd.f32 $9.999999680e-21, v19;
	v62, v61, _ =	vpop (xrf1)  }
0x188: {  	v57 =	vperm.xlane v63, v5;
	v40 =	vsel vm0, v62, v54;
	v63 =	vsel vm0, v61, v55  }
0x189: {  	v52 =	vperm.xlane v58, v5;
	v53 =	vperm.xlane v53, v5;
	v55, v58, _ =	vpop (xrf1);
	(xrf1) =	vsort.dscd.msk.f32 $0xffff, v40, v63  }
0x18a: {  	v47 =	vsel vm0, v41, v47;
	v49 =	vperm.xlane v60, v5;
	(erf) = vrcp.f32 v19  }
0x18b: {  	v44 =	vperm.xlane v59, v5;
	(erf) = vrcp.f32 v56;
	v19 =	vsel vm0, v55, v48;
	v61, v60, _ =	vpop (xrf1)  }
0x18c: {  	v56 =	vpop (erf);
	v59 =	vsel vm0, v58, v53;
	v49 =	vsel vm0, v61, v49;
	v63 =	vsel vm0, v60, v57  }
0x18d: {  	(xrf1) =	vsort.dscd.msk.f32 $0xffff, v19, v59;
	v19 =	vsel vm0, v42, v39;
	v54, v48, _ =	vpop (xrf1);
	v59 =	vsel vm0, v20, v31  }
0x18e: {  	v20 =	vadd.f32 v56, v13;
	(xrf1) =	vsort.dscd.msk.f32 $0xffff, v49, v63;
	v41 =	vsel vm0, v54, v44  }
0x18f: {  	s1 =	simm.s32 $0x8;
	v58 =	vpop (erf);
	v42 =	vsel vm0, v48, v52;
	(xrf1) =	vsort.dscd.msk.f32 $0xffff, v19, v47;
	v19 =	vperm.xlane v33, v5  }
0x190: {  	s2 =	simm.s32 $0xB00;
	v35 =	vsel vm0, v23, v35;
	v62 =	vmov s1;
	v61 =	vadd.f32 v58, v14;
	v60, v23, _ =	vpop (xrf1);
	(xrf1) =	vsort.dscd.msk.f32 $0xffff, v41, v42  }
0x191: {  	v45 =	vsel vm0, v34, v45;
	v40 =	vshll.u32 v62, $0x7;
	v62 =	vld [tilespmem:s2+$0x10];
	v34, v31, _ =	vpop (xrf1);
	v19 =	vsel vm0, v43, v19;
	(xrf1) =	vsort.dscd.msk.f32 $0xffff, v20, v2  }
0x192: {  	v46 =	vsel vm0, v46, v32;
	v53, v52, _ =	vpop (xrf1);
	(xrf1) =	vsort.dscd.msk.f32 $0xffff, v61, v3  }
0x193: {  	v55 =	vld.idx.msk [tilespmem:v18+s13+$0x0], $0xffff;
	v57 =	vperm.xlane v36, v9;
	(xrf1) =	vsort.dscd.msk.f32 $0xffff, v19, v46  }
0x194: {  	v37 =	vsel vm0, v37, v38;
	v1 =	vsel vm0, v29, v1;
	v19, v38, _ =	vpop (xrf1);
	(xrf1) =	vsort.dscd.msk.f32 $0xffff, v35, v59  }
0x195: {  	v54 =	vld [tilespmem:s2+$0x20];
	v36 =	vadd.f32 v57, v36;
	(xrf1) =	vsort.dscd.msk.f32 $0xffff, v45, v1;
	v21, v45, _ =	vpop (xrf1)  }
0x196: {  	v40 =	vor.u32 v10, v40;
	v58 =	vld [tilespmem:s2+$0x90];
	v39 =	vmul.f32 $2.500000000e+00, v50;
	v41 =	vsub.f32 $0.0e+00, v62;
	v48, v50, _ =	vpop (xrf1)  }
0x197: {  	v63 =	vadd.f32 $1.000000000e+00, v51;
	v29 =	vperm.xlane v60, v5;
	v36 =	vadd.f32 $9.999999680e-21, v36;
	v61, v60, _ =	vpop (xrf1)  }
0x198: {  	v32 =	vsub.f32 v37, v55;
	v55 =	vld [tilespmem:s2+$0x30];
	v51 =	vmul.f32 $1.442695020e+00, v41;
	v41 =	vperm.xlane v61, v5  }
0x199: {  	(erf) = vrcp.f32 v63;
	v20 =	vor.u32 v6, v40;
	v33 =	vpop (erf)  }
0x19a: {  	v43 =	vperm.xlane v53, v5;
	(erf) = vrcp.f32 v36;
	v57 =	vpop (erf);
	v59 =	vsub.f32 $0.0e+00, v54  }
0x19b: {  	v40 =	vld [tilespmem:s2+$0xB0];
	v47 =	vperm.xlane v52, v5;
	v56 =	vperm.xlane v32, v7;
	v36 =	vsub.f32 $0.0e+00, v58;
	v62, v53, _ =	vpop (xrf1)  }
0x19c: {  	v35 =	vadd.f32 v57, v12;
	v42 =	vmul.f32 $1.442695020e+00, v59;
	v59 =	vld [tilespmem:s2+$0xFFFFFFB0];
	v63 =	vperm.xlane v60, v5;
	v61, v60, _ =	vpop (xrf1)  }
0x19d: {  	v54 =	vld [tilespmem:s2+$0xA0];
	v37 =	vsub.f32 $0.0e+00, v55;
	v52 =	vperm.xlane v62, v5;
	v62 =	vsel vm0, v61, v41;
	v44, v41, _ =	vpop (xrf1)  }
0x19e: {  	v57 =	vld [tilespmem:s2+$0x80];
	(erf) = vpow2.f32 v51;
	v49 =	vadd.f32 v56, v32;
	(xrf1) =	vsort.dscd.msk.f32 $0xffff, v35, v0;
	v63 =	vsel vm0, v60, v63;
	v61, v60, _ =	vpop (xrf1)  }
0x19f: {  	v36 =	vmul.f32 $1.442695020e+00, v36;
	v37 =	vmul.f32 $1.442695020e+00, v37;
	(xrf1) =	vsort.dscd.msk.f32 $0xffff, v62, v63;
	v62 =	vsel vm0, v61, v52;
	v52 =	vld [tilespmem:s2+$0xFFFFFF30]  }
0x1a0: {  	v56 =	vperm.xlane v38, v5;
	v40 =	vsub.f32 $0.0e+00, v40;
	(erf) = vpow2.f32 v42;
	v35 =	vld [tilespmem:s2+$0x0]  }
0x1a1: {  	v55 =	vmul.f32 v33, v39;
	(erf) = vpow2.f32 v37;
	v38 =	vsub.f32 $0.0e+00, v59  }
0x1a2: {  	v40 =	vmul.f32 $1.442695020e+00, v40;
	v51 =	vpop (erf);
	v53 =	vperm.xlane v53, v5;
	v63 =	vsub.f32 $0.0e+00, v54  }
0x1a3: {  	v42 =	vsub.f32 $0.0e+00, v57;
	v33 =	vpop (erf);
	(erf) = vpow2.f32 v36;
	v1 =	vmul.f32 $1.442695020e+00, v38  }
0x1a4: {  	v39 =	vmul.f32 $1.442695020e+00, v63;
	v53 =	vsel vm0, v60, v53;
	v52 =	vsub.f32 $0.0e+00, v52  }
0x1a5: {  	(erf) = vpow2.f32 v40;
	v63 =	vmul.f32 $1.442695020e+00, v42;
	(xrf1) =	vsort.dscd.msk.f32 $0xffff, v62, v53;
	v62 =	vsub.f32 $0.0e+00, v35  }
0x1a6: {  	(erf) = vpow2.f32 v39;
	v52 =	vmul.f32 $1.442695020e+00, v52  }
0x1a7: {  	v37 =	vld [tilespmem:s2+$0xFFFFFF90];
	(erf) = vpow2.f32 v63;
	v39 =	vmul.f32 $1.442695020e+00, v62  }
0x1a8: {  	(erf) = vpow2.f32 v1;
	v1 =	vpop (erf)  }
0x1a9: {  	v36 =	vld [tilespmem:s2+$0xFFFFFFA0];
	v63 =	vpop (erf);
	(erf) = vpow2.f32 v39  }
0x1aa: {  	(erf) = vpow2.f32 v52;
	v52 =	vpop (erf)  }
0x1ab: {  	v39 =	vsel vm0, v50, v47;
	v50 =	vadd.f32 $1.000000000e+00, v52;
	v52 =	vld [tilespmem:s2+$0xFFFFFF20]  }
0x1ac: {  	s7 =	simm.s32 $0xE;
	v37 =	vsub.f32 $0.0e+00, v37;
	v53, v54, _ =	vpop (xrf1)  }
0x1ad: {  	v46 =	vmov s7;
	v19 =	vperm.xlane v19, v5;
	v57, v58, _ =	vpop (xrf1)  }
0x1ae: {  	v59 =	vperm.xlane v49, v8;
	v36 =	vsub.f32 $0.0e+00, v36;
	v62 =	vmul.f32 $1.442695020e+00, v37;
	v60, v61, _ =	vpop (xrf1)  }
0x1af: {  	[tilespmem:v24+s17+$0x0] =	vst.idx.msk $0xffff, v25;
	v46 =	vshll.u32 v46, $0x7;
	v21 =	vperm.xlane v21, v5;
	v45 =	vperm.xlane v45, v5;
	v47 =	vld [tilespmem:s2+$0xFFFFFF10];
	v40, v42, _ =	vpop (xrf1)  }
0x1b0: {  	v49 =	vadd.f32 v59, v49;
	v36 =	vmul.f32 $1.442695020e+00, v36;
	v35, v38, _ =	vpop (xrf1);
	v25 =	vsub.f32 $0.0e+00, v52;
	v52 =	vld [tilespmem:$0x1FFE0]  }
0x1b1: {  	v37 =	vsel vm0, v48, v43;
	v1 =	vadd.f32 $1.000000000e+00, v1;
	(erf) = vpow2.f32 v62;
	v48 =	vpop (erf)  }
0x1b2: {  	v56 =	vsel vm0, v58, v56;
	(erf) = vpow2.f32 v36;
	v43 =	vpop (erf);
	v48 =	vadd.f32 $1.000000000e+00, v48  }
0x1b3: {  	v58 =	vperm.xlane v34, v5;
	v59, v62, _ =	vpop (xrf1);
	(erf) = vrcp.f32 v1;
	v1 =	vld [tilespmem:s2+$0xFFFFFF80];
	v36 =	vadd.f32 $1.000000000e+00, v43  }
0x1b4: {  	v34 =	vsub.f32 $0.0e+00, v47;
	v43 =	vsel vm0, v57, v19;
	(erf) = vrcp.f32 v50;
	v19, v57, _ =	vpop (xrf1)  }
0x1b5: {  	v46 =	vor.u32 v10, v46;
	v47 =	vpop (erf);
	v50 =	vperm.xlane v57, v6;
	(erf) = vrcp.f32 v36  }
0x1b6: {  	v57 =	vperm.xlane v23, v5;
	v47 =	vadd.f32 $1.000000000e+00, v47;
	v36 =	vld [tilespmem:s2+$0xFFFFFF00];
	(erf) = vrcp.f32 v48;
	v48, v23, _ =	vpop (xrf1)  }
0x1b7: {  	v63 =	vadd.f32 $1.000000000e+00, v63;
	v23 =	vsel vm0, v23, v50;
	v50 =	vadd.f32 v51, v12;
	[tilespmem:v24+s18+$0x0] =	vst.idx.msk $0xffff, v52  }
0x1b8: {  	v51 =	vmul.f32 $1.442695020e+00, v34;
	v1 =	vsub.f32 $0.0e+00, v1;
	(erf) = vrcp.f32 v47;
	v34 =	vpop (erf);
	[tilespmem:v52+s19+$0x0] =	vst.idx.add.s32.msk $0xff, v11  }
0x1b9: {  	v25 =	vmul.f32 $1.442695020e+00, v25;
	[tilespmem:v52+s19+$0x0] =	vst.idx.add.s32.msk vm1, v11;
	v52 =	vadd.f32 $1.000000000e+00, v34;
	v34 =	vsel vm0, v59, v21;
	v21 =	vpop (erf)  }
0x1ba: {  	v46 =	vor.u32 v6, v46;
	[tilespmem:v28+s17+$0x0] =	vst.idx.msk $0xffff, v27;
	v1 =	vmul.f32 $1.442695020e+00, v1;
	(erf) = vrcp.f32 v63;
	v27 =	vpop (erf)  }
0x1bb: {  	[tilespmem:v28+s18+$0x0] =	vst.idx.msk $0xffff, v22;
	v24 =	vsub.f32 $0.0e+00, v36;
	v27 =	vadd.f32 $1.000000000e+00, v27;
	v28 =	vpop (erf);
	(erf) = vrcp.f32 v52  }
0x1bc: {  	[tilespmem:v22+s19+$0x0] =	vst.idx.add.s32.msk $0xff, v11;
	v36 =	vsel vm0, v62, v45;
	v62 =	vadd.f32 $1.000000000e+00, v28;
	(erf) = vpow2.f32 v51;
	v28 =	vpop (erf)  }
0x1bd: {  	v31 =	vperm.xlane v31, v5;
	[tilespmem:v22+s19+$0x0] =	vst.idx.add.s32.msk vm1, v11;
	v22 =	vadd.f32 $1.000000000e+00, v28;
	v28 =	vpop (erf);
	(erf) = vrcp.f32 v27  }
0x1be: {  	v24 =	vmul.f32 $1.442695020e+00, v24;
	(erf) = vpow2.f32 v25;
	v25 =	vpop (erf)  }
0x1bf: {  	v30 =	vmul.f32 v33, v30;
	[tilespmem:v46+s17+$0x0] =	vst.idx.msk $0xffff, v55;
	v21 =	vadd.f32 $1.000000000e+00, v21;
	(erf) = vpow2.f32 v1;
	v1 =	vpop (erf)  }
0x1c0: {  	v19 =	vperm.xlane v19, v6;
	[tilespmem:v46+s18+$0x0] =	vst.idx.msk $0xffff, v26;
	v63 =	vld.idx.msk [tilespmem:v23+s13+$0x0], $0xffff;
	v1 =	vadd.f32 v1, v15  }
0x1c1: {  	[tilespmem:v26+s19+$0x0] =	vst.idx.add.s32.msk $0xff, v11;
	(xrf1) =	vsort.dscd.msk.f32 $0xffff, v50, v0;
	v25 =	vadd.f32 v25, v13  }
0x1c2: {  	v31 =	vsel vm0, v61, v31;
	v19 =	vsel vm0, v48, v19;
	[tilespmem:v26+s19+$0x0] =	vst.idx.add.s32.msk vm1, v11;
	(erf) = vpow2.f32 v24;
	v24 =	vpop (erf)  }
0x1c3: {  	v45 =	vperm.xlane v53, v5;
	v24 =	vadd.f32 v24, v15;
	(erf) = vrcp.f32 v21;
	(xrf1) =	vsort.dscd.msk.f32 $0xffff, v25, v2;
	v21 =	vpop (erf)  }
0x1c4: {  	v51 =	vperm.xlane v54, v5;
	v55 =	vadd.f32 $1.000000000e+00, v28;
	(erf) = vrcp.f32 v62;
	(xrf1) =	vsort.dscd.msk.f32 $0xffff, v1, v4;
	v1 =	vpop (erf)  }
0x1c5: {  	v46 =	vld [tilespmem:$0x1FFF0];
	v25 =	vsub.f32 v19, v63;
	v21 =	vadd.f32 v21, v13;
	(erf) = vrcp.f32 v22;
	v22 =	vpop (erf)  }
0x1c6: {  	(xrf1) =	vsort.dscd.msk.f32 $0xffff, v24, v4;
	v1 =	vadd.f32 v1, v14;
	v19 =	vadd.f32 v22, v14;
	v22 =	vpop (erf)  }
0x1c7: {  	v27 =	vsel vm0, v44, v29;
	v29 =	vsel vm0, v60, v58;
	(xrf1) =	vsort.dscd.msk.f32 $0xffff, v21, v2;
	(erf) = vrcp.f32 v55;
	v24 =	vpop (erf)  }
0x1c8: {  	v22 =	vadd.f32 v22, v12;
	(xrf1) =	vsort.dscd.msk.f32 $0xffff, v1, v3;
	v1 =	vperm.xlane v25, v7;
	v59 =	vadd.f32 $1.000000000e+00, v24;
	v24 =	vpop (erf)  }
0x1c9: {  	v58 =	vperm.xlane v42, v6;
	(xrf1) =	vsort.dscd.msk.f32 $0xffff, v19, v3;
	v24 =	vadd.f32 v24, v12  }
0x1ca: {  	s2 =	simm.s32 $0xC;
	v28 =	vsel vm0, v41, v57;
	v60 =	vpop (erf);
	(xrf1) =	vsort.dscd.msk.f32 $0xffff, v22, v0;
	v1 =	vadd.f32 v1, v25  }
0x1cb: {  	v63 =	vperm.xlane v49, v9;
	v21 =	vmov s2;
	v22 =	vsel vm0, v38, v58;
	v62 =	vpop (erf);
	(xrf1) =	vsort.dscd.msk.f32 $0xffff, v24, v0  }
0x1cc: {  	v21 =	vshll.u32 v21, $0x7;
	v19 =	vperm.xlane v40, v6;
	v47 =	vpop (erf);
	v24 =	vperm.xlane v1, v8  }
0x1cd: {  	[tilespmem:v46+s17+$0x0] =	vst.idx.msk $0xffff, v30;
	v41 =	vadd.f32 v63, v49;
	v21 =	vor.u32 v10, v21;
	v48 =	vpop (erf)  }
0x1ce: {  	v61 =	vadd.f32 $1.000000000e+00, v60;
	v44 =	vsel vm0, v35, v19;
	(xrf1) =	vsort.dscd.msk.f32 $0xffff, v37, v39;
	v50 =	vpop (erf);
	v1 =	vadd.f32 v24, v1  }
0x1cf: {  	v19 =	vmul.f32 $2.500000000e+00, v32;
	v49 =	vadd.f32 v48, v15;
	(xrf1) =	vsort.dscd.msk.f32 $0xffff, v43, v56;
	v24 =	vor.u32 v6, v21;
	v56, v55, _ =	vpop (xrf1)  }
0x1d0: {  	(erf) = vrcp.f32 v59;
	v33 =	vadd.f32 v50, v15;
	v52 =	vpop (erf);
	v54 =	vld.idx.msk [tilespmem:v22+s13+$0x0], $0xffff;
	v53 =	vperm.xlane v1, v9  }
0x1d1: {  	(erf) = vrcp.f32 v61;
	v35 =	vsel vm0, v56, v45;
	v21 =	vadd.f32 v52, v13;
	v26 =	vpop (erf);
	(xrf1) =	vsort.dscd.msk.f32 $0xffff, v49, v4  }
0x1d2: {  	v37 =	vsel vm0, v55, v51;
	v30, v57, _ =	vpop (xrf1);
	v26 =	vadd.f32 v26, v14;
	v1 =	vadd.f32 v53, v1  }
0x1d3: {  	(xrf1) =	vsort.dscd.msk.f32 $0xffff, v33, v4;
	v30 =	vperm.xlane v30, v5;
	v33 =	vperm.xlane v57, v5;
	v59, v58, _ =	vpop (xrf1)  }
0x1d4: {  	v32 =	vperm.xlane v59, v5;
	v38 =	vperm.xlane v58, v5;
	v61, v60, _ =	vpop (xrf1);
	v1 =	vadd.f32 $9.999999680e-21, v1  }
0x1d5: {  	v40 =	vadd.f32 $1.000000000e+00, v62;
	(xrf1) =	vsort.dscd.msk.f32 $0xffff, v21, v2;
	v43 =	vperm.xlane v61, v5;
	v45 =	vperm.xlane v60, v5;
	v21, v62, _ =	vpop (xrf1)  }
0x1d6: {  	(xrf1) =	vsort.dscd.msk.f32 $0xffff, v26, v3;
	v26 =	vsub.f32 v44, v54;
	v21 =	vperm.xlane v21, v5;
	v63, v52, _ =	vpop (xrf1);
	(erf) = vrcp.f32 v1  }
0x1d7: {  	v1 =	vperm.xlane v62, v5;
	v53 =	vsel vm0, v63, v43;
	v54 =	vsel vm0, v52, v45;
	v55, v56, _ =	vpop (xrf1)  }
0x1d8: {  	v39 =	vadd.f32 $1.000000000e+00, v47;
	v32 =	vsel vm0, v55, v32;
	v38 =	vsel vm0, v56, v38;
	v58, v57, _ =	vpop (xrf1);
	(xrf1) =	vsort.dscd.msk.f32 $0xffff, v53, v54  }
0x1d9: {  	(erf) = vrcp.f32 v40;
	v21 =	vsel vm0, v58, v21;
	v1 =	vsel vm0, v57, v1;
	(xrf1) =	vsort.dscd.msk.f32 $0xffff, v32, v38;
	v62, v61, _ =	vpop (xrf1)  }
0x1da: {  	s7 =	simm.s32 $0x12;
	v59 =	vpop (erf);
	(erf) = vrcp.f32 v39;
	(xrf1) =	vsort.dscd.msk.f32 $0xffff, v21, v1;
	v21 =	vsel vm0, v62, v30  }
0x1db: {  	[tilespmem:v46+s18+$0x0] =	vst.idx.msk $0xffff, v16;
	v41 =	vadd.f32 $9.999999680e-21, v41;
	v60 =	vadd.f32 v59, v13;
	v1 =	vmov s7  }
0x1dc: {  	v63 =	vpop (erf);
	v32 =	vperm.xlane v26, v7;
	v30 =	vsel vm0, v61, v33;
	v1 =	vshll.u32 v1, $0x7;
	(xrf1) =	vsort.dscd.msk.f32 $0xffff, v34, v36  }
0x1dd: {  	s30 =	sshll.u32 s29, $0xC;
	v39 =	vadd.f32 v63, v14;
	(erf) = vrcp.f32 v41;
	(xrf1) =	vsort.dscd.msk.f32 $0xffff, v21, v30;
	v1 =	vor.u32 v10, v1;
	v21, v36, _ =	vpop (xrf1)  }
0x1de: {  	s31 =	simm.s32 $0x10;
	s0 =	simm.s32 $0xA;
	s2 =	simm.s32 $0xD00;
	v33 =	vor.u32 v6, v1;
	(xrf1) =	vsort.dscd.msk.f32 $0xffff, v60, v2;
	v30 =	vperm.xlane v21, v5;
	v38, v34, _ =	vpop (xrf1);
	v21 =	vmul.f32 $2.500000000e+00, v26  }
.LBB2_3:
0x1df: {  	v1 =	vld [tilespmem:s2+$0x10];
	(xrf1) =	vsort.dscd.msk.f32 $0xffff, v39, v3;
	v39, v40, _ =	vpop (xrf1);
	v36 =	vperm.xlane v36, v5;
	v41 =	vmul.f32 $2.500000000e+00, v25;
	v42 =	vadd.f32 v32, v26  }
0x1e0: {  	v46 =	vmov s31;
	v43 =	vld [tilespmem:s2+$0x20];
	v39 =	vperm.xlane v39, v5;
	v40 =	vperm.xlane v40, v5;
	(xrf1) =	vsort.dscd.msk.f32 $0xffff, v35, v37;
	v35 =	vpop (erf)  }
0x1e1: {  	v25 =	vperm.xlane v38, v5;
	v32 =	vshll.u32 v46, $0x7;
	v44 =	vld [tilespmem:s2+$0xFFFFFFB0];
	v37, v45, _ =	vpop (xrf1);
	v35 =	vmul.f32 v35, v41;
	(xrf1) =	vsort.dscd.msk.f32 $0xffff, v27, v28  }
0x1e2: {  	v26 =	vmov v20;
	v28 =	vld [tilespmem:s2+$0x30];
	v38 =	vperm.xlane v37, v5;
	v27 =	vperm.xlane v45, v5;
	v37 =	vpop (erf);
	(xrf1) =	vsort.dscd.msk.f32 $0xffff, v29, v31  }
0x1e3: {  	v20 =	vmov v24;
	v31 =	vperm.xlane v34, v5;
	v29 =	vld [tilespmem:s2+$0x90];
	v41 =	vadd.f32 v37, v12;
	v37 =	vpop (erf);
	[tilespmem:v33+s17+$0x0] =	vst.idx.msk $0xffff, v35  }
0x1e4: {  	v35 =	vperm.xlane v42, v8;
	v45 =	vld [tilespmem:s2+$0xB0];
	v37 =	vadd.f32 v37, v12;
	v46, v47, _ =	vpop (xrf1);
	[tilespmem:v33+s18+$0x0] =	vst.idx.msk $0xffff, v23  }
0x1e5: {  	v1 =	vsub.f32 $0.0e+00, v1;
	v50 =	vsub.f32 $0.0e+00, v43;
	(xrf1) =	vsort.dscd.msk.f32 $0xffff, v41, v0;
	v24, v33, _ =	vpop (xrf1);
	[tilespmem:v23+s19+$0x0] =	vst.idx.add.s32.msk $0xff, v11  }
0x1e6: {  	v41 =	vsub.f32 $0.0e+00, v44;
	v24 =	vsel vm0, v24, v39;
	v33 =	vsel vm0, v33, v40;
	[tilespmem:v23+s19+$0x0] =	vst.idx.add.s32.msk vm1, v11;
	v34 =	vpop (erf)  }
0x1e7: {  	v1 =	vmul.f32 $1.442695020e+00, v1;
	v23 =	vld [tilespmem:s2+$0xFFFFFF30];
	v39 =	vmul.f32 $1.442695020e+00, v50;
	v50 =	vsub.f32 $0.0e+00, v28;
	v40, v43, _ =	vpop (xrf1)  }
0x1e8: {  	v35 =	vadd.f32 v35, v42;
	v44 =	vld [tilespmem:s2+$0xA0];
	v40 =	vperm.xlane v40, v5;
	v43 =	vperm.xlane v43, v5;
	v48, v49, _ =	vpop (xrf1)  }
0x1e9: {  	s0 =	sadd.s32 $0x2, s0;
	v29 =	vsub.f32 $0.0e+00, v29;
	v42 =	vld [tilespmem:s2+$0xFFFFFF90];
	v59 =	vmul.f32 $1.442695020e+00, v50;
	v58 =	vperm.xlane v48, v5;
	v53, v51, _ =	vpop (xrf1)  }
0x1ea: {  	p1 =	slt.u32 s0, $0x3E;
	v61 =	vperm.xlane v49, v5;
	v52 =	vld [tilespmem:s2+$0x80];
	v40 =	vsel vm0, v53, v40;
	v43 =	vsel vm0, v51, v43;
	v51, v28, _ =	vpop (xrf1)  }
0x1eb: {  	v56 =	vsub.f32 $0.0e+00, v45;
	v57 =	vmul.f32 $1.442695020e+00, v29;
	v53 =	vld [tilespmem:s2+$0xFFFFFFA0];
	(erf) = vpow2.f32 v1;
	v1, v54, _ =	vpop (xrf1);
	(xrf1) =	vsort.dscd.msk.f32 $0xffff, v40, v43  }
0x1ec: {  	v43 =	vld [tilespmem:s2+$0x0];
	(erf) = vpow2.f32 v39;
	v1 =	vsel vm0, v1, v58;
	v39 =	vsel vm0, v54, v61;
	v48, v49, _ =	vpop (xrf1)  }
0x1ed: {  	v58 =	vmul.f32 $1.442695020e+00, v56;
	v54 =	vld [tilespmem:s2+$0xFFFFFF10];
	v60 =	vsub.f32 $0.0e+00, v44;
	(erf) = vpow2.f32 v59;
	v45, v50, _ =	vpop (xrf1);
	(xrf1) =	vsort.dscd.msk.f32 $0xffff, v1, v39  }
0x1ee: {  	v23 =	vsub.f32 $0.0e+00, v23;
	v39 =	vmul.f32 $1.442695020e+00, v41;
	v1 =	vld [tilespmem:s2+$0xFFFFFF20];
	(erf) = vpow2.f32 v57;
	v29, v55, _ =	vpop (xrf1)  }
0x1ef: {  	v56 =	vld [tilespmem:s2+$0xFFFFFF80];
	v52 =	vsub.f32 $0.0e+00, v52;
	v57 =	vmul.f32 $1.442695020e+00, v60;
	(erf) = vpow2.f32 v58;
	v41, v44, _ =	vpop (xrf1)  }
0x1f0: {  	v23 =	vmul.f32 $1.442695020e+00, v23;
	v62 =	vsub.f32 $0.0e+00, v42;
	v58 =	vld [tilespmem:s2+$0xFFFFFF00];
	v53 =	vsub.f32 $0.0e+00, v53;
	v40, v42, _ =	vpop (xrf1)  }
0x1f1: {  	v43 =	vsub.f32 $0.0e+00, v43;
	v60 =	vmul.f32 $1.442695020e+00, v52;
	(erf) = vpow2.f32 v57;
	[tilespmem:v16+s19+$0x0] =	vst.idx.add.s32.msk $0xff, v11  }
0x1f2: {  	v57 =	vmul.f32 $1.442695020e+00, v62;
	v54 =	vsub.f32 $0.0e+00, v54;
	v53 =	vmul.f32 $1.442695020e+00, v53;
	[tilespmem:v16+s19+$0x0] =	vst.idx.add.s32.msk vm1, v11;
	v16 =	vmovc v18;
	v18 =	vmovc v22  }
0x1f3: {  	v1 =	vsub.f32 $0.0e+00, v1;
	v61 =	vmul.f32 $1.442695020e+00, v43;
	(erf) = vpow2.f32 v60;
	v52, v59, _ =	vpop (xrf1)  }
0x1f4: {  	v54 =	vmul.f32 $1.442695020e+00, v54;
	v43 =	vsub.f32 $0.0e+00, v56;
	(erf) = vpow2.f32 v39;
	v39 =	vpop (erf)  }
0x1f5: {  	v56 =	vsub.f32 $0.0e+00, v58;
	v1 =	vmul.f32 $1.442695020e+00, v1;
	(erf) = vpow2.f32 v61;
	v22 =	vpop (erf)  }
0x1f6: {  	(erf) = vpow2.f32 v23;
	v23 =	vpop (erf)  }
0x1f7: {  	v58 =	vmul.f32 $1.442695020e+00, v43;
	v43 =	vsel vm0, v45, v38;
	v23 =	vadd.f32 $1.000000000e+00, v23  }
0x1f8: {  	v62 =	vadd.f32 $1.000000000e+00, v39;
	v45 =	vmul.f32 $1.442695020e+00, v56;
	(erf) = vpow2.f32 v57;
	v39 =	vpop (erf)  }
0x1f9: {  	v46 =	vperm.xlane v46, v5;
	(erf) = vpow2.f32 v53;
	v53 =	vpop (erf)  }
0x1fa: {  	v47 =	vperm.xlane v47, v5;
	v63 =	vadd.f32 $1.000000000e+00, v53;
	(erf) = vrcp.f32 v62;
	v56, v38, _ =	vpop (xrf1)  }
0x1fb: {  	v61 =	vadd.f32 $1.000000000e+00, v39;
	(erf) = vrcp.f32 v23;
	v60 =	vpop (erf);
	v38 =	vperm.xlane v38, v6  }
0x1fc: {  	v50 =	vsel vm0, v50, v27;
	v57 =	vadd.f32 $1.000000000e+00, v60;
	(erf) = vrcp.f32 v63;
	v53, v23, _ =	vpop (xrf1)  }
0x1fd: {  	v22 =	vadd.f32 $1.000000000e+00, v22;
	v27 =	vpop (erf);
	(erf) = vrcp.f32 v61;
	v23 =	vsel vm0, v23, v38  }
0x1fe: {  	v38 =	vsel vm0, v52, v46;
	v60 =	vadd.f32 $1.000000000e+00, v27;
	v39 =	vpop (erf);
	(erf) = vrcp.f32 v57  }
0x1ff: {  	v46 =	vadd.f32 $1.000000000e+00, v39;
	v52 =	vpop (erf);
	(erf) = vrcp.f32 v22;
	v39 =	vsel vm0, v59, v47  }
0x200: {  	v48 =	vperm.xlane v48, v5;
	v22 =	vadd.f32 $1.000000000e+00, v52;
	v47 =	vpop (erf);
	(erf) = vrcp.f32 v60  }
0x201: {  	v49 =	vperm.xlane v49, v5;
	v47 =	vadd.f32 $1.000000000e+00, v47;
	(erf) = vpow2.f32 v54;
	v27 =	vpop (erf)  }
0x202: {  	v52 =	vadd.f32 $1.000000000e+00, v27;
	v54 =	vpop (erf);
	(erf) = vrcp.f32 v22;
	v22 =	vld.idx.msk [tilespmem:v23+s13+$0x0], $0xffff;
	v27 =	vsel vm0, v51, v30  }
0x203: {  	v28 =	vsel vm0, v28, v36;
	v30 =	vadd.f32 $1.000000000e+00, v54;
	(erf) = vpow2.f32 v1;
	v1 =	vpop (erf)  }
0x204: {  	v29 =	vsel vm0, v29, v25;
	v51 =	vadd.f32 v1, v13;
	(erf) = vpow2.f32 v58;
	v36 =	vpop (erf)  }
0x205: {  	v54 =	vadd.f32 v36, v15;
	(erf) = vpow2.f32 v45;
	v36 =	vpop (erf);
	v45 =	vperm.xlane v56, v6;
	(xrf1) =	vsort.dscd.msk.f32 $0xffff, v37, v0  }
0x206: {  	v31 =	vsel vm0, v55, v31;
	v36 =	vadd.f32 v36, v15;
	(erf) = vrcp.f32 v46;
	(xrf1) =	vsort.dscd.msk.f32 $0xffff, v51, v2;
	v1 =	vpop (erf)  }
0x207: {  	v1 =	vadd.f32 v1, v13;
	(erf) = vrcp.f32 v47;
	(xrf1) =	vsort.dscd.msk.f32 $0xffff, v54, v4;
	v25 =	vpop (erf);
	v37 =	vsel vm0, v53, v45  }
0x208: {  	v45 =	vadd.f32 v25, v14;
	(erf) = vrcp.f32 v52;
	v46 =	vpop (erf);
	(xrf1) =	vsort.dscd.msk.f32 $0xffff, v36, v4;
	v25 =	vsub.f32 v37, v22  }
0x209: {  	v22 =	vadd.f32 v46, v14;
	(erf) = vrcp.f32 v30;
	v30 =	vpop (erf);
	(xrf1) =	vsort.dscd.msk.f32 $0xffff, v1, v2;
	v1 =	vperm.xlane v44, v6  }
0x20a: {  	v30 =	vadd.f32 v30, v12;
	v36 =	vpop (erf);
	(xrf1) =	vsort.dscd.msk.f32 $0xffff, v45, v3;
	v37 =	vperm.xlane v25, v7  }
0x20b: {  	v41 =	vperm.xlane v41, v6;
	v36 =	vadd.f32 $1.000000000e+00, v36;
	v44 =	vpop (erf);
	(xrf1) =	vsort.dscd.msk.f32 $0xffff, v22, v3;
	v22 =	vsel vm0, v42, v1  }
0x20c: {  	v1 =	vadd.f32 v44, v12;
	v42 =	vpop (erf);
	(xrf1) =	vsort.dscd.msk.f32 $0xffff, v30, v0;
	v30 =	vadd.f32 v37, v25  }
0x20d: {  	v40 =	vsel vm0, v40, v41;
	v41 =	vperm.xlane v35, v9;
	v37 =	vadd.f32 $1.000000000e+00, v42;
	v42 =	vpop (erf)  }
0x20e: {  	v19 =	vmul.f32 v34, v19;
	v42 =	vadd.f32 $1.000000000e+00, v42;
	v44 =	vpop (erf);
	(xrf1) =	vsort.dscd.msk.f32 $0xffff, v1, v0;
	v1 =	vperm.xlane v30, v8  }
0x20f: {  	v32 =	vor.u32 v10, v32;
	v45 =	vadd.f32 v41, v35;
	v34 =	vadd.f32 $1.000000000e+00, v44;
	v44 =	vpop (erf)  }
0x210: {  	v41 =	vadd.f32 v44, v15;
	v44 =	vpop (erf);
	v1 =	vadd.f32 v1, v30;
	(xrf1) =	vsort.dscd.msk.f32 $0xffff, v24, v33;
	v30 =	vld.idx.msk [tilespmem:v22+s13+$0x0], $0xffff  }
0x211: {  	v24 =	vor.u32 v6, v32;
	v46 =	vadd.f32 v44, v15;
	v44 =	vpop (erf);
	(xrf1) =	vsort.dscd.msk.f32 $0xffff, v43, v50;
	v43 =	vadd.f32 $9.999999680e-21, v45  }
0x212: {  	v32 =	vadd.f32 v44, v13;
	(erf) = vrcp.f32 v36;
	v35 =	vpop (erf);
	(xrf1) =	vsort.dscd.msk.f32 $0xffff, v41, v4;
	v47 =	vperm.xlane v1, v9  }
0x213: {  	v41 =	vadd.f32 v35, v14;
	v35, v44, _ =	vpop (xrf1);
	[tilespmem:v17+s17+$0x0] =	vst.idx.msk $0xffff, v19;
	v19 =	vmov v21  }
0x214: {  	(erf) = vrcp.f32 v37;
	(xrf1) =	vsort.dscd.msk.f32 $0xffff, v46, v4;
	v21, v33, _ =	vpop (xrf1);
	v35 =	vsel vm0, v35, v48;
	v1 =	vadd.f32 v47, v1  }
0x215: {  	v37 =	vsel vm0, v44, v49;
	v21 =	vperm.xlane v21, v5;
	v33 =	vperm.xlane v33, v5;
	v36, v45, _ =	vpop (xrf1)  }
0x216: {  	v36 =	vperm.xlane v36, v5;
	v50 =	vperm.xlane v45, v5;
	v45, v46, _ =	vpop (xrf1);
	v1 =	vadd.f32 $9.999999680e-21, v1;
	[tilespmem:v17+s18+$0x0] =	vst.idx.msk $0xffff, v16  }
0x217: {  	v17 =	vmov v26;
	v49 =	vperm.xlane v45, v5;
	v46 =	vperm.xlane v46, v5;
	(xrf1) =	vsort.dscd.msk.f32 $0xffff, v32, v2;
	v32, v47, _ =	vpop (xrf1)  }
0x218: {  	v26 =	vsub.f32 v40, v30;
	v51 =	vperm.xlane v32, v5;
	(xrf1) =	vsort.dscd.msk.f32 $0xffff, v41, v3;
	v41, v48, _ =	vpop (xrf1);
	(erf) = vrcp.f32 v1  }
0x219: {  	v30 =	vsel vm0, v41, v49;
	v40 =	vsel vm0, v48, v46;
	v41, v45, _ =	vpop (xrf1)  }
0x21a: {  	v1 =	vperm.xlane v47, v5;
	v36 =	vsel vm0, v41, v36  }
0x21b: {  	s31 =	sadd.s32 $0x4, s31;
	v41 =	vsel vm0, v45, v50;
	(erf) = vrcp.f32 v42;
	v42, v44, _ =	vpop (xrf1);
	(xrf1) =	vsort.dscd.msk.f32 $0xffff, v30, v40  }
.Ltmp2:
0x21c: {  	s1 =	sadd.s32 $0x2, s31;
	v30 =	vsel vm0, v42, v51;
	v1 =	vsel vm0, v44, v1;
	(erf) = vrcp.f32 v34;
	v32 =	vpop (erf);
	(xrf1) =	vsort.dscd.msk.f32 $0xffff, v36, v41;
	(pc) =	sbr.rel @p1 .LBB2_3-.Ltmp2, $4  }
0x21d: {  	v42 =	vadd.f32 v32, v13;
	v32 =	vperm.xlane v26, v7;
	v36, v40, _ =	vpop (xrf1);
	(xrf1) =	vsort.dscd.msk.f32 $0xffff, v30, v1;
	v1 =	vmov s1  }
0x21e: {  	v41 =	vsel vm0, v36, v21;
	v30 =	vsel vm0, v40, v33;
	v33 =	vpop (erf);
	v1 =	vshll.u32 v1, $0x7;
	(xrf1) =	vsort.dscd.msk.f32 $0xffff, v38, v39  }
0x21f: {  	v39 =	vadd.f32 v33, v14;
	(xrf1) =	vsort.dscd.msk.f32 $0xffff, v41, v30;
	v1 =	vor.u32 v10, v1;
	v21, v36, _ =	vpop (xrf1);
	(erf) = vrcp.f32 v43  }
0x220: {  	s2 =	sadd.s32 $0x200, s2;
	(xrf1) =	vsort.dscd.msk.f32 $0xffff, v42, v2;
	v30 =	vperm.xlane v21, v5;
	v33 =	vor.u32 v6, v1;
	v38, v34, _ =	vpop (xrf1);
	v21 =	vmul.f32 $2.500000000e+00, v26  }
0x221: {  	_ = 	snop  }
0x222: {  	v1, v40, _ =	vpop (xrf1)  }
0x223: {  	v41 =	vpop (erf)  }
0x224: {  	v42, v43, _ =	vpop (xrf1)  }
0x225: {  	v44 =	vpop (erf)  }
0x226: {  	v45 =	vpop (erf)  }
0x227: {  	(xrf1) =	vsort.dscd.msk.f32 $0xffff, v39, v3;
	v63, v46, _ =	vpop (xrf1)  }
0x228: {  	(xrf1) =	vsort.dscd.msk.f32 $0xffff, v35, v37;
	v35, v37, _ =	vpop (xrf1)  }
0x229: {  	(xrf1) =	vsort.dscd.msk.f32 $0xffff, v27, v28;
	v27, v28, _ =	vpop (xrf1)  }
0x22a: {  	(xrf1) =	vsort.dscd.msk.f32 $0xffff, v29, v31;
	v29, v31, _ =	vpop (xrf1)  }
0x22b: {  	v44 =	vadd.f32 v44, v12;
	v27 =	vperm.xlane v27, v5;
	v28 =	vperm.xlane v28, v5;
	v47, v48, _ =	vpop (xrf1)  }
0x22c: {  	v45 =	vadd.f32 v45, v12;
	v29 =	vperm.xlane v29, v5;
	v31 =	vperm.xlane v31, v5;
	v49, v50, _ =	vpop (xrf1)  }
0x22d: {  	(xrf1) =	vsort.dscd.msk.f32 $0xffff, v44, v0;
	v27 =	vsel vm0, v47, v27;
	v28 =	vsel vm0, v48, v28;
	v53, v54, _ =	vpop (xrf1)  }
0x22e: {  	(xrf1) =	vsort.dscd.msk.f32 $0xffff, v27, v28;
	v55 =	vsel vm0, v53, v29;
	v56 =	vsel vm0, v54, v31  }
0x22f: {  	(xrf1) =	vsort.dscd.msk.f32 $0xffff, v55, v56  }
0x230: {  	(xrf1) =	vsort.dscd.msk.f32 $0xffff, v45, v0;
	_ =	sdelay $0x5  }
0x231: {  	v27, v28, _ =	vpop (xrf1)  }
0x232: {  	v40 =	vperm.xlane v40, v5;
	v57, v58, _ =	vpop (xrf1)  }
0x233: {  	v1 =	vperm.xlane v1, v5;
	v43 =	vperm.xlane v43, v5;
	v59, v60, _ =	vpop (xrf1)  }
0x234: {  	v42 =	vperm.xlane v42, v5;
	v37 =	vsel vm0, v37, v40;
	v47, v48, _ =	vpop (xrf1)  }
0x235: {  	v1 =	vsel vm0, v35, v1;
	v31 =	vsel vm0, v58, v43;
	v35, v51, _ =	vpop (xrf1)  }
0x236: {  	v39 =	vperm.xlane v63, v5;
	v46 =	vperm.xlane v46, v5;
	v29 =	vsel vm0, v57, v42;
	v61, v62, _ =	vpop (xrf1)  }
0x237: {  	(xrf1) =	vsort.dscd.msk.f32 $0xffff, v1, v37;
	v27 =	vperm.xlane v27, v5;
	v28 =	vperm.xlane v28, v5;
	v40, v63, _ =	vpop (xrf1)  }
0x238: {  	(xrf1) =	vsort.dscd.msk.f32 $0xffff, v29, v31;
	v39 =	vsel vm0, v61, v39;
	v42 =	vsel vm0, v62, v46;
	v1, v37, _ =	vpop (xrf1)  }
0x239: {  	(xrf1) =	vsort.dscd.msk.f32 $0xffff, v39, v42;
	v29, v31, _ =	vpop (xrf1)  }
0x23a: {  	v27 =	vsel vm0, v29, v27;
	v28 =	vsel vm0, v31, v28  }
0x23b: {  	(xrf1) =	vsort.dscd.msk.f32 $0xffff, v27, v28;
	_ =	sdelay $0x5  }
0x23c: {  	v53 =	vperm.xlane v38, v5  }
0x23d: {  	v52 =	vperm.xlane v36, v5  }
0x23e: {  	v28 =	vsel vm0, v59, v53  }
0x23f: {  	v30 =	vsel vm0, v49, v30;
	v55 =	vperm.xlane v34, v5;
	v27 =	vsel vm0, v50, v52  }
0x240: {  	v54 =	vperm.xlane v63, v6;
	v57, v56, _ =	vpop (xrf1);
	(xrf1) =	vsort.dscd.msk.f32 $0xffff, v30, v27  }
0x241: {  	v58 =	vsel vm0, v60, v55;
	v59 =	vperm.xlane v57, v5;
	v36 =	vperm.xlane v56, v5;
	v60, v61, _ =	vpop (xrf1)  }
0x242: {  	v29 =	vsel vm0, v37, v54;
	v31 =	vperm.xlane v60, v5;
	(xrf1) =	vsort.dscd.msk.f32 $0xffff, v28, v58;
	v27, v28, _ =	vpop (xrf1)  }
0x243: {  	v34 =	vperm.xlane v61, v5;
	v27 =	vsel vm0, v27, v59;
	v28 =	vsel vm0, v28, v36  }
0x244: {  	(xrf1) =	vsort.dscd.msk.f32 $0xffff, v27, v28;
	v62, v63, _ =	vpop (xrf1)  }
0x245: {  	v39 =	vsel vm0, v62, v31;
	v42 =	vsel vm0, v63, v34  }
0x246: {  	(xrf1) =	vsort.dscd.msk.f32 $0xffff, v39, v42;
	_ =	sdelay $0x1  }
0x247: {  	v43 =	vld.idx.msk [tilespmem:v29+s13+$0x0], $0xffff;
	_ =	sdelay $0x1  }
0x248: {  	v44 =	vperm.xlane v40, v6;
	_ =	sdelay $0x1  }
0x249: {  	v45 =	vperm.xlane v48, v6;
	v1 =	vsel vm0, v1, v44  }
0x24a: {  	v1 =	vsub.f32 v1, v43  }
0x24b: {  	v27 =	vsel vm0, v51, v45;
	v49, v48, _ =	vpop (xrf1)  }
0x24c: {  	v46 =	vperm.xlane v1, v7;
	v31 =	vperm.xlane v48, v6  }
0x24d: {  	v34, v36, _ =	vpop (xrf1)  }
0x24e: {  	v28 =	vadd.f32 v46, v1;
	v31 =	vsel vm0, v36, v31  }
0x24f: {  	v53, v52, _ =	vpop (xrf1)  }
0x250: {  	v51 =	vld.idx.msk [tilespmem:v27+s13+$0x0], $0xffff;
	v50 =	vperm.xlane v28, v8;
	v55 =	vperm.xlane v52, v6  }
0x251: {  	v57, v56, _ =	vpop (xrf1)  }
0x252: {  	v54 =	vperm.xlane v47, v6;
	v28 =	vadd.f32 v50, v28;
	v37 =	vsel vm0, v56, v55  }
0x253: {  	v26 =	vadd.f32 v32, v26;
	v59 =	vld.idx.msk [tilespmem:v31+s13+$0x0], $0xffff  }
0x254: {  	v35 =	vsel vm0, v35, v54;
	v58 =	vperm.xlane v28, v9  }
0x255: {  	v60 =	vperm.xlane v26, v8;
	v30 =	vperm.xlane v49, v6;
	v35 =	vsub.f32 v35, v51  }
0x256: {  	v28 =	vadd.f32 v58, v28  }
0x257: {  	v26 =	vadd.f32 v60, v26;
	v30 =	vsel vm0, v34, v30;
	v61 =	vperm.xlane v35, v7;
	v63 =	vld.idx.msk [tilespmem:v37+s13+$0x0], $0xffff  }
0x258: {  	v25 =	vmul.f32 $2.500000000e+00, v25;
	v28 =	vadd.f32 $9.999999680e-21, v28;
	v45 =	vsub.f32 v30, v59  }
0x259: {  	v44 =	vperm.xlane v26, v9;
	v62 =	vadd.f32 v61, v35;
	v36 =	vperm.xlane v53, v6  }
0x25a: {  	(erf) = vrcp.f32 v28;
	v38 =	vperm.xlane v45, v7  }
0x25b: {  	v26 =	vadd.f32 v44, v26;
	v46 =	vperm.xlane v62, v8;
	v32 =	vsel vm0, v57, v36  }
0x25c: {  	s0 =	sadd.s32 $0x4, s31;
	v47 =	vadd.f32 v38, v45;
	v32 =	vsub.f32 v32, v63  }
0x25d: {  	s1 =	sadd.s32 $0x2, s0;
	v25 =	vmul.f32 v41, v25;
	v26 =	vadd.f32 $9.999999680e-21, v26;
	v30 =	vadd.f32 v46, v62  }
0x25e: {  	[tilespmem:v16+s19+$0x0] =	vst.idx.add.s32.msk $0xff, v11;
	v48 =	vmov s1;
	v51 =	vperm.xlane v47, v8;
	v52 =	vperm.xlane v32, v7  }
0x25f: {  	[tilespmem:v33+s17+$0x0] =	vst.idx.msk $0xffff, v25;
	v1 =	vmul.f32 $2.500000000e+00, v1;
	v50 =	vshll.u32 v48, $0x7;
	v49 =	vperm.xlane v30, v9  }
0x260: {  	v25 =	vor.u32 v10, v50;
	v54 =	vadd.f32 v51, v47;
	v55 =	vadd.f32 v52, v32  }
0x261: {  	[tilespmem:v16+s19+$0x0] =	vst.idx.add.s32.msk vm1, v11;
	v53 =	vpop (erf);
	(erf) = vrcp.f32 v26;
	v56 =	vor.u32 v6, v25;
	v30 =	vadd.f32 v49, v30  }
0x262: {  	[tilespmem:v33+s18+$0x0] =	vst.idx.msk $0xffff, v23;
	v58 =	vperm.xlane v54, v9;
	v59 =	vperm.xlane v55, v8  }
0x263: {  	[tilespmem:v23+s19+$0x0] =	vst.idx.add.s32.msk $0xff, v11;
	v57 =	vpop (erf);
	v30 =	vadd.f32 $9.999999680e-21, v30  }
0x264: {  	v1 =	vmul.f32 v57, v1;
	v16 =	vadd.f32 v58, v54;
	v60 =	vadd.f32 v59, v55  }
0x265: {  	[tilespmem:v23+s19+$0x0] =	vst.idx.add.s32.msk vm1, v11;
	v19 =	vmul.f32 v53, v19  }
0x266: {  	(erf) = vrcp.f32 v30;
	[tilespmem:v56+s17+$0x0] =	vst.idx.msk $0xffff, v1;
	v1 =	vadd.f32 $9.999999680e-21, v16;
	v16 =	vperm.xlane v60, v9  }
0x267: {  	[tilespmem:v17+s17+$0x0] =	vst.idx.msk $0xffff, v19  }
0x268: {  	[tilespmem:v17+s18+$0x0] =	vst.idx.msk $0xffff, v18  }
0x269: {  	[tilespmem:v18+s19+$0x0] =	vst.idx.add.s32.msk $0xff, v11  }
0x26a: {  	[tilespmem:v18+s19+$0x0] =	vst.idx.add.s32.msk vm1, v11;
	(erf) = vrcp.f32 v1;
	v1 =	vadd.f32 v16, v60;
	v16 =	vpop (erf)  }
0x26b: {  	[tilespmem:v56+s18+$0x0] =	vst.idx.msk $0xffff, v29;
	v16 =	vmul.f32 v16, v21  }
0x26c: {  	[tilespmem:v29+s19+$0x0] =	vst.idx.add.s32.msk $0xff, v11;
	v1 =	vadd.f32 $9.999999680e-21, v1  }
0x26d: {  	[tilespmem:v29+s19+$0x0] =	vst.idx.add.s32.msk vm1, v11  }
0x26e: {  	v61 =	vmul.f32 $2.500000000e+00, v35;
	v17 =	vmov s31;
	(erf) = vrcp.f32 v1;
	[tilespmem:v20+s17+$0x0] =	vst.idx.msk $0xffff, v16  }
0x26f: {  	v1 =	vshll.u32 v17, $0x7;
	[tilespmem:v20+s18+$0x0] =	vst.idx.msk $0xffff, v22;
	v16 =	vpop (erf)  }
0x270: {  	v17 =	vmov s0;
	v1 =	vor.u32 v10, v1;
	[tilespmem:v22+s19+$0x0] =	vst.idx.add.s32.msk $0xff, v11;
	v16 =	vmul.f32 v16, v61  }
0x271: {  	v1 =	vor.u32 v6, v1;
	[tilespmem:v22+s19+$0x0] =	vst.idx.add.s32.msk vm1, v11  }
0x272: {  	v62 =	vmul.f32 $2.500000000e+00, v45;
	[tilespmem:v24+s17+$0x0] =	vst.idx.msk $0xffff, v16  }
0x273: {  	v16 =	vshll.u32 v17, $0x7;
	v17 =	vpop (erf);
	[tilespmem:v24+s18+$0x0] =	vst.idx.msk $0xffff, v27  }
0x274: {  	v16 =	vor.u32 v10, v16;
	v17 =	vmul.f32 v17, v62;
	[tilespmem:v27+s19+$0x0] =	vst.idx.add.s32.msk $0xff, v11  }
0x275: {  	v16 =	vor.u32 v6, v16;
	[tilespmem:v27+s19+$0x0] =	vst.idx.add.s32.msk vm1, v11  }
0x276: {  	v63 =	vmul.f32 $2.500000000e+00, v32;
	[tilespmem:v1+s17+$0x0] =	vst.idx.msk $0xffff, v17  }
0x277: {  	[tilespmem:v1+s18+$0x0] =	vst.idx.msk $0xffff, v31;
	v1 =	vpop (erf)  }
0x278: {  	[tilespmem:v31+s19+$0x0] =	vst.idx.add.s32.msk $0xff, v11;
	v1 =	vmul.f32 v1, v63  }
0x279: {  	[tilespmem:v31+s19+$0x0] =	vst.idx.add.s32.msk vm1, v11  }
0x27a: {  	[tilespmem:v16+s17+$0x0] =	vst.idx.msk $0xffff, v1  }
0x27b: {  	p1 =	sne.s32 s29, $0x3;
	[tilespmem:v16+s18+$0x0] =	vst.idx.msk $0xffff, v37  }
.Ltmp3:
0x27c: {  	s31 =	sor.u32 s4, s30;
	[tilespmem:v37+s19+$0x0] =	vst.idx.add.s32.msk $0xff, v11;
	(pc) =	sbr.rel @p1 .LBB2_6-.Ltmp3, $4  }
0x27d: {  	s2 =	sadd.s32 s5, s31;
	[tilespmem:v37+s19+$0x0] =	vst.idx.add.s32.msk vm1, v11  }
0x27e: {  	[hbm4b:s2+s3] =	stream.linear.scatter [tilespmem:s17], [sflag:$0x3], $0x4000, $0x38;
	[tilespmem:$0x18100] =	vst v63  }
0x27f: {  	s7 =	sadd.s32 s6, s31  }
0x280: {  	[hbm4b:s7+s3] =	stream.linear.scatter [tilespmem:s18], [sflag:$0x4], $0x4000, $0x38;
	[tilespmem:$0x18100] =	vst v63  }
.Ltmp4:
0x281: {  	(pc) =	sbr.rel .LBB2_7-.Ltmp4, $4  }
0x282: {  	_ = 	snop  }
0x283: {  	_ =	swait.ge [sflag:s20], $0x4000  }
0x284: {  	[sflag:s20] =	ssyncset.done $0x0  }
0x285: {  	[sflag:s20] =	ssyncadd.s32 $0xFFFFC000  }
.LBB2_6:
.Ltmp5:
0x286: {  	s0 =	sadd.s32 s30, s9;
	(pc) =	sbr.rel @p0 .LBB2_8-.Ltmp5, $4  }
0x287: {  	[tilespmem:s3], [sflag:$0x1] =	stream.linear.gather [hbm4b:s0+s3], $0x4000, $0x38;
	[tilespmem:$0x18100] =	vst v63  }
0x288: {  	_ =	swait.ge [sflag:s20], $0x4000  }
0x289: {  	[sflag:s20] =	ssyncset.done $0x0  }
0x28a: {  	[sflag:s20] =	ssyncadd.s32 $0xFFFFC000  }
.LBB2_7:
0x28b: {  	_ =	swait.ge [sflag:s21], $0x4000  }
0x28c: {  	[sflag:s21] =	ssyncset.done $0x0  }
0x28d: {  	[sflag:s21] =	ssyncadd.s32 $0xFFFFC000  }
0x28e: {  	_ =	swait.ge [sflag:s22], $0x4000  }
0x28f: {  	[sflag:s22] =	ssyncset.done $0x0  }
0x290: {  	[sflag:s22] =	ssyncadd.s32 $0xFFFFC000  }
.LBB2_8:
0x291: {  	s0 =	simm.s32 $0x4100  }
0x292: {  	v1 =	vld [tilespmem:s0+$0x10]  }
0x293: {  	v16 =	vld [tilespmem:s0+$0x20]  }
0x294: {  	v17 =	vld [tilespmem:s0+$0x30]  }
0x295: {  	v18 =	vld [tilespmem:s0+$0x90];
	_ =	sdelay $0x1  }
0x296: {  	v19 =	vld [tilespmem:s0+$0xB0]  }
0x297: {  	v1 =	vsub.f32 $0.0e+00, v1  }
0x298: {  	v20 =	vld [tilespmem:s0+$0xA0];
	v16 =	vsub.f32 $0.0e+00, v16;
	v17 =	vsub.f32 $0.0e+00, v17  }
0x299: {  	v21 =	vld [tilespmem:s0+$0x80];
	v18 =	vsub.f32 $0.0e+00, v18;
	v1 =	vmul.f32 $1.442695020e+00, v1  }
0x29a: {  	v22 =	vld [tilespmem:s0+$0xFFFFFFB0];
	v16 =	vmul.f32 $1.442695020e+00, v16;
	v17 =	vmul.f32 $1.442695020e+00, v17  }
0x29b: {  	v19 =	vsub.f32 $0.0e+00, v19;
	(erf) = vpow2.f32 v1;
	v1 =	vmul.f32 $1.442695020e+00, v18;
	v18 =	vld [tilespmem:s0+$0x0]  }
0x29c: {  	(erf) = vpow2.f32 v16;
	v16 =	vld [tilespmem:s0+$0xFFFFFF30]  }
0x29d: {  	v19 =	vmul.f32 $1.442695020e+00, v19;
	(erf) = vpow2.f32 v17  }
0x29e: {  	v17 =	vld [tilespmem:s0+$0xFFFFFF90];
	(erf) = vpow2.f32 v1  }
0x29f: {  	v20 =	vsub.f32 $0.0e+00, v20;
	v1 =	vld [tilespmem:s0+$0xFFFFFFA0];
	(erf) = vpow2.f32 v19;
	v19 =	vsub.f32 $0.0e+00, v22  }
0x2a0: {  	v21 =	vsub.f32 $0.0e+00, v21;
	v18 =	vsub.f32 $0.0e+00, v18  }
0x2a1: {  	v20 =	vmul.f32 $1.442695020e+00, v20;
	v16 =	vsub.f32 $0.0e+00, v16;
	v19 =	vmul.f32 $1.442695020e+00, v19  }
0x2a2: {  	v21 =	vmul.f32 $1.442695020e+00, v21;
	v18 =	vmul.f32 $1.442695020e+00, v18  }
0x2a3: {  	(erf) = vpow2.f32 v20;
	v17 =	vsub.f32 $0.0e+00, v17;
	v16 =	vmul.f32 $1.442695020e+00, v16  }
0x2a4: {  	(erf) = vpow2.f32 v21;
	v1 =	vsub.f32 $0.0e+00, v1  }
0x2a5: {  	(erf) = vpow2.f32 v19;
	v17 =	vmul.f32 $1.442695020e+00, v17;
	v19 =	vpop (erf)  }
0x2a6: {  	(erf) = vpow2.f32 v18;
	v1 =	vmul.f32 $1.442695020e+00, v1;
	v18 =	vpop (erf)  }
0x2a7: {  	v20 =	vld [tilespmem:s0+$0xFFFFFF10];
	(erf) = vpow2.f32 v16;
	v16 =	vpop (erf)  }
0x2a8: {  	v16 =	vadd.f32 $1.000000000e+00, v16  }
0x2a9: {  	v19 =	vadd.f32 $1.000000000e+00, v19;
	(erf) = vpow2.f32 v17;
	v17 =	vpop (erf)  }
0x2aa: {  	(erf) = vpow2.f32 v1;
	v1 =	vpop (erf)  }
0x2ab: {  	(erf) = vrcp.f32 v19;
	v1 =	vadd.f32 $1.000000000e+00, v1  }
0x2ac: {  	v20 =	vsub.f32 $0.0e+00, v20;
	v19 =	vld [tilespmem:s0+$0xFFFFFF20];
	v17 =	vadd.f32 $1.000000000e+00, v17;
	(erf) = vrcp.f32 v16;
	v16 =	vpop (erf)  }
0x2ad: {  	(erf) = vrcp.f32 v1;
	v16 =	vadd.f32 $1.000000000e+00, v16  }
0x2ae: {  	v21 =	vld [tilespmem:s0+$0xFFFFFF80];
	v18 =	vadd.f32 $1.000000000e+00, v18;
	v22 =	vpop (erf);
	(erf) = vrcp.f32 v17  }
0x2af: {  	v17 =	vadd.f32 $1.000000000e+00, v22;
	v22 =	vpop (erf);
	(erf) = vrcp.f32 v16;
	v16 =	vmul.f32 $1.442695020e+00, v20  }
0x2b0: {  	v20 =	vpop (erf)  }
0x2b1: {  	(erf) = vrcp.f32 v18;
	v18 =	vsub.f32 $0.0e+00, v19;
	v19 =	vadd.f32 $1.000000000e+00, v20  }
0x2b2: {  	v1 =	vld [tilespmem:s0+$0xFFFFFF00];
	v20 =	vpop (erf);
	(erf) = vrcp.f32 v17  }
0x2b3: {  	v17 =	vsub.f32 $0.0e+00, v21;
	(erf) = vpow2.f32 v16;
	v16 =	vpop (erf)  }
0x2b4: {  	v18 =	vmul.f32 $1.442695020e+00, v18;
	v21 =	vpop (erf)  }
0x2b5: {  	(erf) = vrcp.f32 v19;
	v17 =	vmul.f32 $1.442695020e+00, v17;
	v19 =	vpop (erf)  }
0x2b6: {  	(erf) = vpow2.f32 v18;
	v18 =	vadd.f32 v19, v13;
	v19 =	vpop (erf)  }
0x2b7: {  	v1 =	vsub.f32 $0.0e+00, v1;
	(erf) = vpow2.f32 v17;
	v17 =	vadd.f32 v19, v15;
	_ =	sdelay $0x1  }
0x2b8: {  	v20 =	vadd.f32 $1.000000000e+00, v20;
	v1 =	vmul.f32 $1.442695020e+00, v1;
	v19 =	vpop (erf)  }
0x2b9: {  	v22 =	vadd.f32 $1.000000000e+00, v22;
	v16 =	vadd.f32 $1.000000000e+00, v16;
	(xrf1) =	vsort.dscd.msk.f32 $0xffff, v18, v2;
	v18 =	vpop (erf)  }
0x2ba: {  	(erf) = vpow2.f32 v1;
	(xrf1) =	vsort.dscd.msk.f32 $0xffff, v17, v4;
	v18 =	vadd.f32 v18, v13;
	v17 =	vpop (erf)  }
0x2bb: {  	v1 =	vadd.f32 v19, v15;
	(erf) = vrcp.f32 v22;
	v17 =	vadd.f32 v17, v14  }
0x2bc: {  	(erf) = vrcp.f32 v20;
	v20 =	vpop (erf)  }
0x2bd: {  	v19 =	vadd.f32 $1.000000000e+00, v21;
	(xrf1) =	vsort.dscd.msk.f32 $0xffff, v1, v4;
	(erf) = vrcp.f32 v16;
	v16 =	vpop (erf)  }
0x2be: {  	v1 =	vadd.f32 v20, v14;
	(xrf1) =	vsort.dscd.msk.f32 $0xffff, v18, v2;
	v16 =	vadd.f32 v16, v12;
	v18 =	vpop (erf)  }
0x2bf: {  	(erf) = vrcp.f32 v19;
	(xrf1) =	vsort.dscd.msk.f32 $0xffff, v17, v3;
	v17 =	vpop (erf)  }
0x2c0: {  	(xrf1) =	vsort.dscd.msk.f32 $0xffff, v1, v3;
	v1 =	vadd.f32 v17, v12;
	_ =	sdelay $0x1  }
0x2c1: {  	(xrf1) =	vsort.dscd.msk.f32 $0xffff, v16, v0;
	v16 =	vpop (erf)  }
0x2c2: {  	v17 =	vpop (erf)  }
0x2c3: {  	(xrf1) =	vsort.dscd.msk.f32 $0xffff, v1, v0;
	v1 =	vpop (erf)  }
0x2c4: {  	v18 =	vadd.f32 $1.000000000e+00, v18;
	v19 =	vpop (erf)  }
0x2c5: {  	v20 =	vpop (erf)  }
0x2c6: {  	v21 =	vpop (erf)  }
0x2c7: {  	v16 =	vadd.f32 $1.000000000e+00, v16;
	v19 =	vadd.f32 v19, v15;
	v22 =	vpop (erf)  }
0x2c8: {  	v20 =	vadd.f32 v20, v15;
	(erf) = vrcp.f32 v18;
	v18, v23, _ =	vpop (xrf1);
	v21 =	vadd.f32 v21, v13  }
0x2c9: {  	(xrf1) =	vsort.dscd.msk.f32 $0xffff, v19, v4;
	(erf) = vrcp.f32 v16;
	v16 =	vperm.xlane v18, v5;
	v19 =	vadd.f32 v22, v14;
	v18, v22, _ =	vpop (xrf1)  }
0x2ca: {  	(xrf1) =	vsort.dscd.msk.f32 $0xffff, v20, v4;
	v20 =	vperm.xlane v23, v5;
	v23, v24, _ =	vpop (xrf1)  }
0x2cb: {  	v24 =	vperm.xlane v24, v5;
	_ =	sdelay $0x1  }
0x2cc: {  	v17 =	vadd.f32 $1.000000000e+00, v17;
	(xrf1) =	vsort.dscd.msk.f32 $0xffff, v21, v2;
	v23 =	vperm.xlane v23, v5;
	v21, v25, _ =	vpop (xrf1)  }
0x2cd: {  	v18 =	vperm.xlane v18, v5;
	(xrf1) =	vsort.dscd.msk.f32 $0xffff, v19, v3;
	v21 =	vperm.xlane v21, v5;
	v19, v26, _ =	vpop (xrf1)  }
0x2ce: {  	v22 =	vperm.xlane v22, v5;
	v19 =	vsel vm0, v19, v23;
	v23 =	vsel vm0, v26, v24;
	v24, v26, _ =	vpop (xrf1)  }
0x2cf: {  	v25 =	vperm.xlane v25, v5;
	v18 =	vsel vm0, v24, v18  }
0x2d0: {  	(erf) = vrcp.f32 v17;
	(xrf1) =	vsort.dscd.msk.f32 $0xffff, v19, v23;
	v22 =	vsel vm0, v26, v22;
	v17, v24, _ =	vpop (xrf1)  }
0x2d1: {  	(xrf1) =	vsort.dscd.msk.f32 $0xffff, v18, v22;
	v17 =	vsel vm0, v17, v21;
	v19 =	vsel vm0, v24, v25  }
0x2d2: {  	v18, v21, _ =	vpop (xrf1);
	(xrf1) =	vsort.dscd.msk.f32 $0xffff, v17, v19  }
0x2d3: {  	v16 =	vsel vm0, v18, v16;
	v17 =	vsel vm0, v21, v20  }
0x2d4: {  	(xrf1) =	vsort.dscd.msk.f32 $0xffff, v16, v17  }
0x2d5: {  	s2 =	simm.s32 $0x4300  }
0x2d6: {  	v18 =	vld [tilespmem:s2+$0x20]  }
0x2d7: {  	v16 =	vld [tilespmem:s2+$0x10];
	v17 =	vpop (erf)  }
0x2d8: {  	v17 =	vadd.f32 v17, v13;
	v19 =	vpop (erf)  }
0x2d9: {  	v23 =	vld [tilespmem:s2+$0x30];
	v26, v24, _ =	vpop (xrf1);
	v19 =	vadd.f32 v19, v14  }
0x2da: {  	v20 =	vpop (erf);
	(xrf1) =	vsort.dscd.msk.f32 $0xffff, v17, v2  }
0x2db: {  	v1 =	vadd.f32 $1.000000000e+00, v1;
	v27, v22, _ =	vpop (xrf1);
	v18 =	vsub.f32 $0.0e+00, v18;
	(xrf1) =	vsort.dscd.msk.f32 $0xffff, v19, v3;
	v19 =	vld [tilespmem:s2+$0x90]  }
0x2dc: {  	v17 =	vadd.f32 v20, v12;
	v16 =	vsub.f32 $0.0e+00, v16;
	v21, v20, _ =	vpop (xrf1)  }
0x2dd: {  	(erf) = vrcp.f32 v1;
	v1 =	vld [tilespmem:s2+$0xB0];
	v29, v28, _ =	vpop (xrf1)  }
0x2de: {  	(xrf1) =	vsort.dscd.msk.f32 $0xffff, v17, v0;
	v16 =	vmul.f32 $1.442695020e+00, v16;
	v17 =	vmul.f32 $1.442695020e+00, v18;
	v18 =	vsub.f32 $0.0e+00, v23;
	v23, v25, _ =	vpop (xrf1)  }
0x2df: {  	v30 =	vld [tilespmem:s2+$0xA0];
	v23 =	vperm.xlane v23, v5;
	v25 =	vperm.xlane v25, v5;
	v31, v32, _ =	vpop (xrf1)  }
0x2e0: {  	v35 =	vld [tilespmem:s2+$0x80];
	(erf) = vpow2.f32 v16;
	v19 =	vsub.f32 $0.0e+00, v19;
	v31 =	vperm.xlane v31, v5;
	v33, v34, _ =	vpop (xrf1)  }
0x2e1: {  	v40 =	vld [tilespmem:s2+$0xFFFFFFB0];
	v32 =	vperm.xlane v32, v5;
	v23 =	vsel vm0, v33, v23;
	v25 =	vsel vm0, v34, v25  }
0x2e2: {  	v1 =	vsub.f32 $0.0e+00, v1;
	v18 =	vmul.f32 $1.442695020e+00, v18;
	(erf) = vpow2.f32 v17;
	v16, v41, _ =	vpop (xrf1);
	(xrf1) =	vsort.dscd.msk.f32 $0xffff, v23, v25;
	v23 =	vld [tilespmem:s2+$0x0]  }
0x2e3: {  	v19 =	vmul.f32 $1.442695020e+00, v19;
	v25 =	vld [tilespmem:s2+$0xFFFFFF30];
	v16 =	vsel vm0, v16, v31;
	v17 =	vsel vm0, v41, v32  }
0x2e4: {  	v30 =	vsub.f32 $0.0e+00, v30;
	(erf) = vpow2.f32 v18;
	(xrf1) =	vsort.dscd.msk.f32 $0xffff, v16, v17;
	v16 =	vld [tilespmem:s2+$0xFFFFFF90]  }
0x2e5: {  	v1 =	vmul.f32 $1.442695020e+00, v1;
	(erf) = vpow2.f32 v19;
	v19 =	vld [tilespmem:s2+$0xFFFFFFA0];
	v31 =	vsub.f32 $0.0e+00, v35  }
0x2e6: {  	v42 =	vsub.f32 $0.0e+00, v40;
	v30 =	vmul.f32 $1.442695020e+00, v30  }
0x2e7: {  	(erf) = vpow2.f32 v1;
	v31 =	vmul.f32 $1.442695020e+00, v31  }
0x2e8: {  	v32 =	vmul.f32 $1.442695020e+00, v42;
	(erf) = vpow2.f32 v30  }
0x2e9: {  	v1 =	vpop (erf);
	v23 =	vsub.f32 $0.0e+00, v23;
	(erf) = vpow2.f32 v31;
	v16 =	vsub.f32 $0.0e+00, v16  }
0x2ea: {  	v45 =	vpop (erf);
	v43 =	vsub.f32 $0.0e+00, v25;
	v19 =	vsub.f32 $0.0e+00, v19;
	(erf) = vpow2.f32 v32  }
0x2eb: {  	v18, v17, _ =	vpop (xrf1);
	v44 =	vmul.f32 $1.442695020e+00, v23;
	v16 =	vmul.f32 $1.442695020e+00, v16  }
0x2ec: {  	v36 =	vld [tilespmem:s2+$0xFFFFFF20];
	v46 =	vpop (erf);
	v34 =	vmul.f32 $1.442695020e+00, v43;
	v19 =	vmul.f32 $1.442695020e+00, v19  }
0x2ed: {  	v38 =	vld [tilespmem:s2+$0xFFFFFF00];
	v30, v33, _ =	vpop (xrf1);
	(erf) = vpow2.f32 v44  }
0x2ee: {  	v31 =	vld [tilespmem:s2+$0xFFFFFF10];
	v47 =	vpop (erf);
	(erf) = vpow2.f32 v34  }
0x2ef: {  	(erf) = vpow2.f32 v16;
	v16 =	vpop (erf)  }
0x2f0: {  	v32 =	vadd.f32 $1.000000000e+00, v45;
	(erf) = vpow2.f32 v19;
	v19 =	vpop (erf)  }
0x2f1: {  	v25, v23, _ =	vpop (xrf1);
	v34 =	vadd.f32 $1.000000000e+00, v47;
	v19 =	vadd.f32 $1.000000000e+00, v19  }
0x2f2: {  	v37 =	vld [tilespmem:s2+$0xFFFFFF80];
	v36 =	vsub.f32 $0.0e+00, v36;
	v53 =	vsub.f32 $0.0e+00, v38;
	(erf) = vrcp.f32 v32;
	v48, v39, _ =	vpop (xrf1)  }
0x2f3: {  	v31 =	vsub.f32 $0.0e+00, v31;
	v16 =	vadd.f32 $1.000000000e+00, v16;
	(erf) = vrcp.f32 v34;
	v49 =	vpop (erf)  }
0x2f4: {  	v39 =	vperm.xlane v39, v6;
	v34 =	vadd.f32 $1.000000000e+00, v49;
	v41 =	vpop (erf);
	(erf) = vrcp.f32 v19  }
0x2f5: {  	v35 =	vadd.f32 $1.000000000e+00, v46;
	v31 =	vmul.f32 $1.442695020e+00, v31;
	(erf) = vrcp.f32 v16;
	v19, v40, _ =	vpop (xrf1)  }
0x2f6: {  	v50 =	vadd.f32 $1.000000000e+00, v41;
	v51 =	vpop (erf);
	(erf) = vrcp.f32 v34;
	v16 =	vsel vm0, v40, v39  }
0x2f7: {  	v52 =	vsub.f32 $0.0e+00, v37;
	v55 =	vmul.f32 $1.442695020e+00, v36;
	v54 =	vpop (erf);
	(erf) = vrcp.f32 v35  }
0x2f8: {  	v37 =	vmul.f32 $1.442695020e+00, v53;
	v56 =	vadd.f32 $1.000000000e+00, v54;
	v57 =	vpop (erf);
	(erf) = vrcp.f32 v50  }
0x2f9: {  	v32 =	vperm.xlane v48, v6;
	(erf) = vpow2.f32 v31;
	v31 =	vpop (erf)  }
0x2fa: {  	v1 =	vadd.f32 v1, v12;
	v34 =	vmul.f32 $1.442695020e+00, v52;
	v58 =	vpop (erf);
	(erf) = vrcp.f32 v56  }
0x2fb: {  	v59 =	vadd.f32 $1.000000000e+00, v51;
	v38 =	vadd.f32 $1.000000000e+00, v57;
	(erf) = vpow2.f32 v55;
	v61 =	vpop (erf);
	v60 =	vld.idx.msk [tilespmem:v16+s13+$0x0], $0xffff  }
0x2fc: {  	v31 =	vadd.f32 $1.000000000e+00, v31;
	v35 =	vadd.f32 v61, v13;
	(erf) = vpow2.f32 v34;
	v62 =	vpop (erf)  }
0x2fd: {  	(xrf1) =	vsort.dscd.msk.f32 $0xffff, v1, v0;
	v1 =	vadd.f32 $1.000000000e+00, v58;
	v34 =	vadd.f32 v62, v15;
	(erf) = vpow2.f32 v37;
	v63 =	vpop (erf)  }
0x2fe: {  	v37 =	vadd.f32 v63, v15;
	(erf) = vrcp.f32 v59;
	(xrf1) =	vsort.dscd.msk.f32 $0xffff, v35, v2;
	v36 =	vpop (erf)  }
0x2ff: {  	v19 =	vsel vm0, v19, v32;
	v35 =	vadd.f32 v36, v13;
	(erf) = vrcp.f32 v38;
	(xrf1) =	vsort.dscd.msk.f32 $0xffff, v34, v4;
	v39 =	vpop (erf)  }
0x300: {  	v41 =	vadd.f32 v39, v14;
	(erf) = vrcp.f32 v31;
	v31 =	vpop (erf);
	(xrf1) =	vsort.dscd.msk.f32 $0xffff, v37, v4;
	v19 =	vsub.f32 v19, v60  }
0x301: {  	v31 =	vadd.f32 v31, v14;
	(erf) = vrcp.f32 v1;
	v1 =	vpop (erf);
	(xrf1) =	vsort.dscd.msk.f32 $0xffff, v35, v2  }
0x302: {  	v1 =	vadd.f32 v1, v12;
	v42 =	vpop (erf);
	(xrf1) =	vsort.dscd.msk.f32 $0xffff, v41, v3;
	v43 =	vperm.xlane v19, v7  }
0x303: {  	v27 =	vperm.xlane v27, v5;
	v44 =	vpop (erf);
	(xrf1) =	vsort.dscd.msk.f32 $0xffff, v31, v3  }
0x304: {  	v31 =	vadd.f32 v44, v12;
	(xrf1) =	vsort.dscd.msk.f32 $0xffff, v1, v0;
	v1 =	vadd.f32 v43, v19  }
0x305: {  	v26 =	vperm.xlane v26, v5;
	v45 =	vpop (erf)  }
0x306: {  	v27 =	vsel vm0, v30, v27;
	v30 =	vadd.f32 $1.000000000e+00, v42;
	v46 =	vpop (erf);
	(xrf1) =	vsort.dscd.msk.f32 $0xffff, v31, v0;
	v31 =	vperm.xlane v1, v8  }
0x307: {  	v24 =	vperm.xlane v24, v5;
	v47 =	vpop (erf)  }
0x308: {  	v22 =	vperm.xlane v22, v5;
	v26 =	vsel vm0, v29, v26;
	v29 =	vpop (erf)  }
0x309: {  	v24 =	vsel vm0, v28, v24;
	v28 =	vpop (erf);
	v29 =	vadd.f32 v29, v15  }
0x30a: {  	v22 =	vsel vm0, v33, v22;
	(xrf1) =	vsort.dscd.msk.f32 $0xffff, v26, v24;
	v1 =	vadd.f32 v31, v1;
	v31 =	vpop (erf)  }
0x30b: {  	(xrf1) =	vsort.dscd.msk.f32 $0xffff, v27, v22;
	(erf) = vrcp.f32 v30;
	v27, v30, _ =	vpop (xrf1)  }
0x30c: {  	v21 =	vperm.xlane v21, v5;
	v26 =	vperm.xlane v1, v9;
	v24 =	vpop (erf);
	v22 =	vadd.f32 v31, v13  }
0x30d: {  	v28 =	vadd.f32 v28, v15;
	(xrf1) =	vsort.dscd.msk.f32 $0xffff, v29, v4;
	v29, v31, _ =	vpop (xrf1);
	v24 =	vadd.f32 v24, v14  }
0x30e: {  	v1 =	vadd.f32 v26, v1;
	v26 =	vperm.xlane v29, v5;
	v29 =	vperm.xlane v31, v5;
	v31, v49, _ =	vpop (xrf1)  }
0x30f: {  	v20 =	vperm.xlane v20, v5;
	v48 =	vadd.f32 $1.000000000e+00, v45;
	(xrf1) =	vsort.dscd.msk.f32 $0xffff, v28, v4;
	v51, v50, _ =	vpop (xrf1)  }
0x310: {  	v21 =	vsel vm0, v25, v21;
	(xrf1) =	vsort.dscd.msk.f32 $0xffff, v22, v2;
	v1 =	vadd.f32 $9.999999680e-21, v1;
	v33 =	vperm.xlane v51, v5;
	v22, v52, _ =	vpop (xrf1)  }
0x311: {  	v32 =	vadd.f32 $1.000000000e+00, v46;
	(erf) = vrcp.f32 v48;
	(xrf1) =	vsort.dscd.msk.f32 $0xffff, v24, v3;
	v34 =	vperm.xlane v50, v5;
	v24, v53, _ =	vpop (xrf1)  }
0x312: {  	v28 =	vperm.xlane v31, v5;
	(erf) = vrcp.f32 v1;
	v24 =	vsel vm0, v24, v33  }
0x313: {  	v31 =	vperm.xlane v49, v5;
	v54 =	vsel vm0, v53, v34;
	(erf) = vrcp.f32 v32  }
0x314: {  	v22 =	vperm.xlane v22, v5;
	v1 =	vperm.xlane v52, v5;
	v56, v55, _ =	vpop (xrf1);
	(xrf1) =	vsort.dscd.msk.f32 $0xffff, v24, v54  }
0x315: {  	v20 =	vsel vm0, v23, v20;
	v28 =	vsel vm0, v56, v28;
	v31 =	vsel vm0, v55, v31;
	v58, v57, _ =	vpop (xrf1)  }
0x316: {  	v22 =	vsel vm0, v58, v22;
	v1 =	vsel vm0, v57, v1;
	(xrf1) =	vsort.dscd.msk.f32 $0xffff, v28, v31;
	v23, v24, _ =	vpop (xrf1)  }
0x317: {  	(xrf1) =	vsort.dscd.msk.f32 $0xffff, v22, v1;
	v1 =	vsel vm0, v23, v26  }
0x318: {  	s7 =	simm.s32 $0x4500;
	v23 =	vpop (erf)  }
0x319: {  	(xrf1) =	vsort.dscd.msk.f32 $0xffff, v21, v20;
	v22 =	vsel vm0, v24, v29;
	v21, v20, _ =	vpop (xrf1);
	v24 =	vld [tilespmem:s7+$0x10]  }
0x31a: {  	v25 =	vperm.xlane v18, v5;
	(xrf1) =	vsort.dscd.msk.f32 $0xffff, v1, v22;
	v23 =	vadd.f32 v23, v13;
	v1 =	vpop (erf)  }
0x31b: {  	v26 =	vld [tilespmem:s7+$0x20];
	v1 =	vadd.f32 v1, v14;
	v41 =	vpop (erf)  }
0x31c: {  	v17 =	vperm.xlane v17, v5;
	v25 =	vsel vm0, v27, v25;
	(xrf1) =	vsort.dscd.msk.f32 $0xffff, v23, v2;
	v23 =	vld [tilespmem:s7+$0x30];
	v27 =	vpop (erf)  }
0x31d: {  	v22, v18, _ =	vpop (xrf1);
	(xrf1) =	vsort.dscd.msk.f32 $0xffff, v1, v3;
	v1 =	vadd.f32 v27, v12;
	v27 =	vadd.f32 $1.000000000e+00, v47  }
0x31e: {  	v17 =	vsel vm0, v30, v17;
	v33, v32, _ =	vpop (xrf1);
	v24 =	vsub.f32 $0.0e+00, v24  }
0x31f: {  	v35, v31, _ =	vpop (xrf1);
	(xrf1) =	vsort.dscd.msk.f32 $0xffff, v25, v17;
	v17 =	vld [tilespmem:s7+$0x90]  }
0x320: {  	v30, v29, _ =	vpop (xrf1);
	v25 =	vsub.f32 $0.0e+00, v26;
	v26 =	vmul.f32 $1.442695020e+00, v24;
	(xrf1) =	vsort.dscd.msk.f32 $0xffff, v1, v0;
	v1 =	vld [tilespmem:s7+$0xB0]  }
0x321: {  	v38, v37, _ =	vpop (xrf1);
	(erf) = vrcp.f32 v27;
	v23 =	vsub.f32 $0.0e+00, v23  }
0x322: {  	v25 =	vmul.f32 $1.442695020e+00, v25;
	(erf) = vpow2.f32 v26;
	v24, v27, _ =	vpop (xrf1)  }
0x323: {  	v61 =	vmul.f32 $1.442695020e+00, v23;
	v24 =	vperm.xlane v24, v5  }
0x324: {  	v28 =	vld [tilespmem:s7+$0xA0];
	(erf) = vpow2.f32 v25;
	v17 =	vsub.f32 $0.0e+00, v17  }
0x325: {  	v63 =	vld [tilespmem:s7+$0xFFFFFFB0];
	v27 =	vperm.xlane v27, v5;
	v59, v60, _ =	vpop (xrf1);
	(erf) = vpow2.f32 v61;
	v1 =	vsub.f32 $0.0e+00, v1  }
0x326: {  	v42 =	vld [tilespmem:s7+$0x80];
	v34 =	vperm.xlane v59, v5;
	v17 =	vmul.f32 $1.442695020e+00, v17  }
0x327: {  	v23, v62, _ =	vpop (xrf1);
	v36 =	vperm.xlane v60, v5;
	v1 =	vmul.f32 $1.442695020e+00, v1  }
0x328: {  	v43 =	vsel vm0, v23, v24;
	v27 =	vsel vm0, v62, v27;
	(erf) = vpow2.f32 v17;
	v23, v24, _ =	vpop (xrf1)  }
0x329: {  	v48 =	vld [tilespmem:s7+$0x0];
	(xrf1) =	vsort.dscd.msk.f32 $0xffff, v43, v27;
	v27 =	vsub.f32 $0.0e+00, v28;
	(erf) = vpow2.f32 v1;
	v26, v44, _ =	vpop (xrf1)  }
0x32a: {  	v49 =	vld [tilespmem:s7+$0xFFFFFF30];
	v1 =	vsub.f32 $0.0e+00, v63;
	v25 =	vsel vm0, v26, v34;
	v26 =	vsel vm0, v44, v36  }
0x32b: {  	v50 =	vld [tilespmem:s7+$0xFFFFFF90];
	(xrf1) =	vsort.dscd.msk.f32 $0xffff, v25, v26;
	v25 =	vsub.f32 $0.0e+00, v42  }
0x32c: {  	v51 =	vld [tilespmem:s7+$0xFFFFFFA0];
	v1 =	vmul.f32 $1.442695020e+00, v1;
	v26 =	vmul.f32 $1.442695020e+00, v27  }
0x32d: {  	v17 =	vpop (erf);
	v53 =	vmul.f32 $1.442695020e+00, v25  }
0x32e: {  	v52 =	vsub.f32 $0.0e+00, v48;
	v28, v27, _ =	vpop (xrf1);
	(erf) = vpow2.f32 v26  }
0x32f: {  	v45 =	vsub.f32 $0.0e+00, v49;
	v40, v39, _ =	vpop (xrf1);
	(erf) = vpow2.f32 v53  }
0x330: {  	v46 =	vsub.f32 $0.0e+00, v50;
	v42 =	vmul.f32 $1.442695020e+00, v52;
	(erf) = vpow2.f32 v1;
	v1 =	vpop (erf)  }
0x331: {  	v54 =	vmul.f32 $1.442695020e+00, v45;
	v44 =	vsub.f32 $0.0e+00, v51;
	v56 =	vpop (erf)  }
0x332: {  	v46 =	vmul.f32 $1.442695020e+00, v46;
	(erf) = vpow2.f32 v42;
	v57 =	vpop (erf)  }
0x333: {  	s1 =	simm.s32 $0x2;
	v44 =	vmul.f32 $1.442695020e+00, v44;
	v1 =	vadd.f32 $1.000000000e+00, v1;
	(erf) = vpow2.f32 v54;
	v58 =	vpop (erf)  }
0x334: {  	v19 =	vmul.f32 $2.500000000e+00, v19;
	v55 =	vmov s1;
	(erf) = vpow2.f32 v46;
	v59 =	vpop (erf)  }
0x335: {  	v45 =	vshll.u32 v55, $0x7;
	v26, v25, _ =	vpop (xrf1);
	(erf) = vpow2.f32 v44;
	v44 =	vadd.f32 $1.000000000e+00, v59  }
0x336: {  	v45 =	vor.u32 v10, v45;
	v36, v34, _ =	vpop (xrf1);
	v43 =	vadd.f32 $1.000000000e+00, v57  }
0x337: {  	v45 =	vor.u32 v6, v45;
	v41 =	vmul.f32 v41, v19;
	v47 =	vld [tilespmem:s7+$0xFFFFFF10];
	(erf) = vrcp.f32 v1;
	v1, v49, _ =	vpop (xrf1)  }
0x338: {  	v48 =	vld [tilespmem:s7+$0xFFFFFF20];
	v19 =	vadd.f32 $1.000000000e+00, v58;
	(erf) = vrcp.f32 v43;
	v60 =	vpop (erf);
	v49 =	vperm.xlane v49, v6  }
0x339: {  	(erf) = vrcp.f32 v44;
	v44, v51, _ =	vpop (xrf1)  }
0x33a: {  	v50 =	vld [tilespmem:s7+$0xFFFFFF80];
	v52 =	vpop (erf);
	(erf) = vrcp.f32 v19;
	v19 =	vsel vm0, v51, v49  }
0x33b: {  	v61 =	vld [tilespmem:s7+$0xFFFFFF00];
	[tilespmem:$0x1FFC0] =	vst v19  }
0x33c: {  	v47 =	vsub.f32 $0.0e+00, v47;
	v43 =	vadd.f32 $1.000000000e+00, v60;
	[tilespmem:v45+s23+$0x0] =	vst.idx.msk $0xffff, v41  }
0x33d: {  	v42 =	vadd.f32 $1.000000000e+00, v56;
	v56 =	vsub.f32 $0.0e+00, v48;
	[tilespmem:v45+s24+$0x0] =	vst.idx.msk $0xffff, v16  }
0x33e: {  	v54 =	vmul.f32 $1.442695020e+00, v47;
	v62 =	vadd.f32 $1.000000000e+00, v52;
	v63 =	vpop (erf);
	(erf) = vrcp.f32 v43;
	[tilespmem:v16+s19+$0x0] =	vst.idx.add.s32.msk $0xff, v11  }
0x33f: {  	v55 =	vpop (erf);
	(erf) = vrcp.f32 v42;
	[tilespmem:v16+s19+$0x0] =	vst.idx.add.s32.msk vm1, v11;
	v16 =	vmul.f32 $1.442695020e+00, v56  }
0x340: {  	v43 =	vadd.f32 $1.000000000e+00, v55;
	v57 =	vpop (erf);
	(erf) = vrcp.f32 v62  }
0x341: {  	v58 =	vsub.f32 $0.0e+00, v50;
	(erf) = vpow2.f32 v54;
	v59 =	vpop (erf)  }
0x342: {  	v60 =	vpop (erf);
	(erf) = vrcp.f32 v43  }
0x343: {  	v46 =	vsub.f32 $0.0e+00, v61;
	v61 =	vmul.f32 $1.442695020e+00, v58;
	(erf) = vpow2.f32 v16;
	v16 =	vpop (erf)  }
0x344: {  	v16 =	vadd.f32 v16, v13  }
0x345: {  	v17 =	vadd.f32 v17, v12;
	v62 =	vld.idx.msk [tilespmem:v19+s13+$0x0], $0xffff;
	(erf) = vpow2.f32 v61  }
0x346: {  	v43 =	vpop (erf)  }
0x347: {  	v1 =	vperm.xlane v1, v6;
	v63 =	vadd.f32 $1.000000000e+00, v63;
	(xrf1) =	vsort.dscd.msk.f32 $0xffff, v17, v0;
	v43 =	vadd.f32 v43, v15;
	v50 =	vpop (erf)  }
0x348: {  	v46 =	vmul.f32 $1.442695020e+00, v46;
	v45 =	vadd.f32 $1.000000000e+00, v57;
	(xrf1) =	vsort.dscd.msk.f32 $0xffff, v16, v2;
	v17 =	vadd.f32 v50, v15;
	v16 =	vpop (erf)  }
0x349: {  	v1 =	vsel vm0, v44, v1;
	v41 =	vadd.f32 $1.000000000e+00, v59;
	(xrf1) =	vsort.dscd.msk.f32 $0xffff, v43, v4;
	v16 =	vadd.f32 v16, v13;
	v51 =	vpop (erf)  }
0x34a: {  	(erf) = vpow2.f32 v46;
	(xrf1) =	vsort.dscd.msk.f32 $0xffff, v17, v4;
	v17 =	vsub.f32 v1, v62;
	v43 =	vadd.f32 v51, v14;
	v52 =	vpop (erf)  }
0x34b: {  	v42 =	vadd.f32 $1.000000000e+00, v60;
	(erf) = vrcp.f32 v63;
	v1 =	vadd.f32 v52, v14;
	v53 =	vpop (erf);
	(xrf1) =	vsort.dscd.msk.f32 $0xffff, v16, v2  }
0x34c: {  	(erf) = vrcp.f32 v45;
	v55 =	vperm.xlane v17, v7;
	v16 =	vadd.f32 v53, v12;
	v54 =	vpop (erf);
	(xrf1) =	vsort.dscd.msk.f32 $0xffff, v43, v3  }
0x34d: {  	(erf) = vrcp.f32 v41;
	v56 =	vpop (erf);
	(xrf1) =	vsort.dscd.msk.f32 $0xffff, v1, v3  }
0x34e: {  	(erf) = vrcp.f32 v42;
	v1 =	vadd.f32 v56, v12;
	(xrf1) =	vsort.dscd.msk.f32 $0xffff, v16, v0;
	v16 =	vadd.f32 v55, v17;
	_ =	sdelay $0x1  }
0x34f: {  	(xrf1) =	vsort.dscd.msk.f32 $0xffff, v1, v0;
	v1 =	vperm.xlane v16, v8  }
0x350: {  	v31 =	vperm.xlane v31, v5;
	v57 =	vpop (erf)  }
0x351: {  	v33 =	vperm.xlane v33, v5;
	v58 =	vpop (erf);
	v1 =	vadd.f32 v1, v16  }
0x352: {  	v44 =	vpop (erf);
	v16 =	vperm.xlane v30, v5;
	v30 =	vsel vm0, v39, v31;
	v31 =	vadd.f32 $1.000000000e+00, v54  }
0x353: {  	v32 =	vperm.xlane v32, v5;
	v35 =	vperm.xlane v35, v5;
	v59 =	vpop (erf)  }
0x354: {  	v60 =	vpop (erf)  }
0x355: {  	v33 =	vsel vm0, v38, v33;
	v32 =	vsel vm0, v37, v32;
	v35 =	vsel vm0, v40, v35;
	v61 =	vpop (erf)  }
0x356: {  	v62 =	vadd.f32 $1.000000000e+00, v57;
	(xrf1) =	vsort.dscd.msk.f32 $0xffff, v33, v32;
	v38 =	vadd.f32 v59, v15;
	v63 =	vpop (erf);
	v43 =	vperm.xlane v1, v9  }
0x357: {  	v29 =	vperm.xlane v29, v5;
	v37 =	vadd.f32 v60, v15;
	(xrf1) =	vsort.dscd.msk.f32 $0xffff, v35, v30;
	(erf) = vrcp.f32 v31;
	v30, v31, _ =	vpop (xrf1)  }
0x358: {  	v45 =	vadd.f32 v61, v13;
	(xrf1) =	vsort.dscd.msk.f32 $0xffff, v38, v4;
	(erf) = vrcp.f32 v62;
	v1 =	vadd.f32 v43, v1;
	v47, v46, _ =	vpop (xrf1)  }
0x359: {  	v32 =	vadd.f32 v63, v14;
	v33 =	vperm.xlane v47, v5;
	v48 =	vperm.xlane v46, v5;
	v50, v49, _ =	vpop (xrf1)  }
0x35a: {  	(xrf1) =	vsort.dscd.msk.f32 $0xffff, v37, v4;
	v1 =	vadd.f32 $9.999999680e-21, v1;
	v51 =	vperm.xlane v50, v5;
	v52 =	vperm.xlane v49, v5;
	v54, v53, _ =	vpop (xrf1)  }
0x35b: {  	v42 =	vadd.f32 $1.000000000e+00, v58;
	(xrf1) =	vsort.dscd.msk.f32 $0xffff, v45, v2;
	v40 =	vperm.xlane v54, v5;
	v41 =	vperm.xlane v53, v5;
	v56, v55, _ =	vpop (xrf1)  }
0x35c: {  	v16 =	vsel vm0, v36, v16;
	(xrf1) =	vsort.dscd.msk.f32 $0xffff, v32, v3;
	(erf) = vrcp.f32 v1;
	v35 =	vperm.xlane v56, v5;
	v58, v57, _ =	vpop (xrf1)  }
0x35d: {  	v1 =	vperm.xlane v55, v5;
	v32 =	vsel vm0, v58, v40;
	v59 =	vsel vm0, v57, v41;
	v61, v60, _ =	vpop (xrf1)  }
0x35e: {  	v37 =	vsel vm0, v61, v51;
	v39 =	vsel vm0, v60, v52;
	v62, v63, _ =	vpop (xrf1);
	(xrf1) =	vsort.dscd.msk.f32 $0xffff, v32, v59  }
0x35f: {  	(erf) = vrcp.f32 v42;
	v45 =	vsel vm0, v62, v35;
	v1 =	vsel vm0, v63, v1;
	(xrf1) =	vsort.dscd.msk.f32 $0xffff, v37, v39  }
0x360: {  	v29 =	vsel vm0, v34, v29;
	v47, v46, _ =	vpop (xrf1);
	(xrf1) =	vsort.dscd.msk.f32 $0xffff, v45, v1  }
0x361: {  	v1 =	vsel vm0, v47, v33;
	v48 =	vsel vm0, v46, v48;
	(xrf1) =	vsort.dscd.msk.f32 $0xffff, v16, v29;
	v16 =	vpop (erf)  }
0x362: {  	(xrf1) =	vsort.dscd.msk.f32 $0xffff, v1, v48;
	v1 =	vperm.xlane v20, v5;
	v20 =	vadd.f32 v16, v13  }
0x363: {  	v21 =	vperm.xlane v21, v5;
	v27 =	vperm.xlane v27, v5  }
0x364: {  	v22 =	vperm.xlane v22, v5;
	v28 =	vperm.xlane v28, v5;
	v16 =	vpop (erf)  }
0x365: {  	s2 =	simm.s32 $0x4700;
	v27 =	vsel vm0, v31, v27;
	v50 =	vperm.xlane v18, v5;
	v29 =	vadd.f32 v16, v14;
	v18 =	vpop (erf)  }
0x366: {  	v22 =	vsel vm0, v26, v22;
	v26 =	vld [tilespmem:s2+$0x30];
	v34, v16, _ =	vpop (xrf1);
	(xrf1) =	vsort.dscd.msk.f32 $0xffff, v20, v2  }
0x367: {  	v21 =	vsel vm0, v23, v21;
	v28 =	vsel vm0, v30, v28;
	v49 =	vld [tilespmem:s2+$0x10];
	(xrf1) =	vsort.dscd.msk.f32 $0xffff, v29, v3;
	v23, v20, _ =	vpop (xrf1)  }
0x368: {  	v51 =	vld [tilespmem:s2+$0x20];
	(xrf1) =	vsort.dscd.msk.f32 $0xffff, v28, v27;
	v27 =	vpop (erf)  }
0x369: {  	v40, v39, _ =	vpop (xrf1)  }
0x36a: {  	v1 =	vsel vm0, v24, v1;
	v41, v38, _ =	vpop (xrf1)  }
0x36b: {  	v25 =	vsel vm0, v25, v50;
	v24 =	vadd.f32 $1.000000000e+00, v44;
	(xrf1) =	vsort.dscd.msk.f32 $0xffff, v21, v1;
	v36, v35, _ =	vpop (xrf1)  }
0x36c: {  	v1 =	vadd.f32 v27, v12;
	v21 =	vld [tilespmem:s2+$0x90];
	(xrf1) =	vsort.dscd.msk.f32 $0xffff, v22, v25;
	v25 =	vsub.f32 $0.0e+00, v26;
	v44, v43, _ =	vpop (xrf1)  }
0x36d: {  	(erf) = vrcp.f32 v24;
	v24 =	vsub.f32 $0.0e+00, v51;
	v22 =	vsub.f32 $0.0e+00, v49;
	v26, v27, _ =	vpop (xrf1)  }
0x36e: {  	(xrf1) =	vsort.dscd.msk.f32 $0xffff, v1, v0;
	v1 =	vld [tilespmem:s2+$0xB0];
	v27 =	vperm.xlane v27, v5  }
0x36f: {  	v24 =	vmul.f32 $1.442695020e+00, v24;
	v22 =	vmul.f32 $1.442695020e+00, v22;
	v29, v30, _ =	vpop (xrf1)  }
0x370: {  	v53 =	vld [tilespmem:s2+$0x80];
	v31 =	vmul.f32 $1.442695020e+00, v25;
	v26 =	vperm.xlane v26, v5;
	v25, v52, _ =	vpop (xrf1)  }
0x371: {  	v28 =	vld [tilespmem:s2+$0xA0];
	v21 =	vsub.f32 $0.0e+00, v21;
	(erf) = vpow2.f32 v22;
	v29 =	vperm.xlane v29, v5  }
0x372: {  	v54 =	vld [tilespmem:s2+$0xFFFFFFB0];
	v30 =	vperm.xlane v30, v5;
	v26 =	vsel vm0, v25, v26;
	v32 =	vsel vm0, v52, v27;
	v27, v25, _ =	vpop (xrf1)  }
0x373: {  	v56 =	vld [tilespmem:s2+$0xFFFFFF30];
	(erf) = vpow2.f32 v24;
	v1 =	vsub.f32 $0.0e+00, v1;
	v22, v55, _ =	vpop (xrf1)  }
0x374: {  	v21 =	vmul.f32 $1.442695020e+00, v21;
	(xrf1) =	vsort.dscd.msk.f32 $0xffff, v26, v32;
	v26 =	vld [tilespmem:s2+$0x0];
	v22 =	vsel vm0, v22, v29;
	v24 =	vsel vm0, v55, v30  }
0x375: {  	(erf) = vpow2.f32 v31;
	v1 =	vmul.f32 $1.442695020e+00, v1;
	(xrf1) =	vsort.dscd.msk.f32 $0xffff, v22, v24;
	v22 =	vld [tilespmem:s2+$0xFFFFFF90]  }
0x376: {  	v28 =	vsub.f32 $0.0e+00, v28;
	(erf) = vpow2.f32 v21;
	v21 =	vld [tilespmem:s2+$0xFFFFFFA0]  }
0x377: {  	v33 =	vsub.f32 $0.0e+00, v53;
	v48 =	vpop (erf);
	(erf) = vpow2.f32 v1;
	v1 =	vsub.f32 $0.0e+00, v54  }
0x378: {  	v57 =	vmul.f32 $1.442695020e+00, v28;
	v32, v31, _ =	vpop (xrf1)  }
0x379: {  	v60 =	vsub.f32 $0.0e+00, v56;
	v59 =	vmul.f32 $1.442695020e+00, v33;
	v46, v45, _ =	vpop (xrf1);
	v1 =	vmul.f32 $1.442695020e+00, v1  }
0x37a: {  	(erf) = vpow2.f32 v57;
	v30, v29, _ =	vpop (xrf1);
	v58 =	vsub.f32 $0.0e+00, v26;
	v22 =	vsub.f32 $0.0e+00, v22  }
0x37b: {  	v50 =	vmul.f32 $1.442695020e+00, v60;
	(erf) = vpow2.f32 v59;
	v21 =	vsub.f32 $0.0e+00, v21;
	v28, v24, _ =	vpop (xrf1)  }
0x37c: {  	v26, v33, _ =	vpop (xrf1);
	v37 =	vmul.f32 $1.442695020e+00, v58;
	v22 =	vmul.f32 $1.442695020e+00, v22  }
0x37d: {  	(erf) = vpow2.f32 v1;
	v21 =	vmul.f32 $1.442695020e+00, v21;
	v1 =	vpop (erf)  }
0x37e: {  	(erf) = vpow2.f32 v37;
	v63 =	vpop (erf)  }
0x37f: {  	v61 =	vld [tilespmem:s2+$0xFFFFFF10];
	v1 =	vadd.f32 $1.000000000e+00, v1;
	(erf) = vpow2.f32 v50;
	v60 =	vpop (erf)  }
0x380: {  	v62 =	vld [tilespmem:s2+$0xFFFFFF20];
	(erf) = vpow2.f32 v22;
	v22 =	vpop (erf)  }
0x381: {  	(erf) = vpow2.f32 v21;
	v21 =	vpop (erf)  }
0x382: {  	v47, v42, _ =	vpop (xrf1);
	v50 =	vadd.f32 $1.000000000e+00, v60;
	v21 =	vadd.f32 $1.000000000e+00, v21  }
0x383: {  	(erf) = vrcp.f32 v1;
	v1, v55, _ =	vpop (xrf1)  }
0x384: {  	v49 =	vsub.f32 $0.0e+00, v61;
	(erf) = vrcp.f32 v50;
	v61 =	vpop (erf)  }
0x385: {  	v53 =	vld [tilespmem:s2+$0xFFFFFF80];
	v51 =	vsub.f32 $0.0e+00, v62;
	v22 =	vadd.f32 $1.000000000e+00, v22;
	v55 =	vperm.xlane v55, v6;
	v57 =	vpop (erf)  }
0x386: {  	v54 =	vld [tilespmem:s2+$0xFFFFFF00];
	v37 =	vadd.f32 $1.000000000e+00, v63;
	v50 =	vadd.f32 $1.000000000e+00, v61;
	(erf) = vrcp.f32 v21;
	v21, v56, _ =	vpop (xrf1)  }
0x387: {  	v62 =	vadd.f32 $1.000000000e+00, v57;
	(erf) = vrcp.f32 v22;
	v22 =	vsel vm0, v56, v55;
	v56 =	vpop (erf)  }
0x388: {  	(erf) = vrcp.f32 v50;
	v58 =	vpop (erf)  }
0x389: {  	v49 =	vmul.f32 $1.442695020e+00, v49;
	(erf) = vrcp.f32 v37;
	v59 =	vadd.f32 $1.000000000e+00, v58;
	v60 =	vpop (erf)  }
0x38a: {  	v34 =	vperm.xlane v34, v5;
	v63 =	vsub.f32 $0.0e+00, v53;
	(erf) = vrcp.f32 v62;
	v61 =	vpop (erf)  }
0x38b: {  	v57 =	vsub.f32 $0.0e+00, v54;
	v37 =	vmul.f32 $1.442695020e+00, v51;
	(erf) = vpow2.f32 v49;
	v62 =	vpop (erf)  }
0x38c: {  	v48 =	vadd.f32 v48, v12;
	v50 =	vmul.f32 $1.442695020e+00, v63;
	(erf) = vrcp.f32 v59;
	v58 =	vpop (erf)  }
0x38d: {  	v53 =	vmul.f32 $1.442695020e+00, v57;
	(erf) = vpow2.f32 v37;
	v59 =	vpop (erf)  }
0x38e: {  	(xrf1) =	vsort.dscd.msk.f32 $0xffff, v48, v0;
	v63 =	vadd.f32 $1.000000000e+00, v56;
	(erf) = vpow2.f32 v50;
	v50 =	vadd.f32 v59, v15  }
0x38f: {  	v23 =	vperm.xlane v23, v5;
	v54 =	vadd.f32 $1.000000000e+00, v60;
	v56 =	vld.idx.msk [tilespmem:v22+s13+$0x0], $0xffff;
	v37 =	vadd.f32 v58, v13  }
0x390: {  	v1 =	vperm.xlane v1, v6;
	v49 =	vadd.f32 $1.000000000e+00, v61;
	(erf) = vpow2.f32 v53;
	v60 =	vpop (erf)  }
0x391: {  	v61 =	vadd.f32 $1.000000000e+00, v62;
	v53 =	vadd.f32 v60, v15;
	(erf) = vrcp.f32 v63;
	(xrf1) =	vsort.dscd.msk.f32 $0xffff, v37, v2;
	v62 =	vpop (erf)  }
0x392: {  	v40 =	vperm.xlane v40, v5;
	v63 =	vadd.f32 v62, v13;
	(erf) = vrcp.f32 v54;
	(xrf1) =	vsort.dscd.msk.f32 $0xffff, v50, v4;
	v50 =	vpop (erf)  }
0x393: {  	v39 =	vperm.xlane v39, v5;
	v1 =	vsel vm0, v21, v1;
	(xrf1) =	vsort.dscd.msk.f32 $0xffff, v53, v4;
	v54 =	vpop (erf)  }
0x394: {  	v37 =	vsub.f32 v1, v56;
	(erf) = vrcp.f32 v49;
	(xrf1) =	vsort.dscd.msk.f32 $0xffff, v63, v2;
	v21 =	vadd.f32 v50, v14;
	v55 =	vpop (erf)  }
0x395: {  	v41 =	vperm.xlane v41, v5;
	(erf) = vrcp.f32 v61;
	v49 =	vadd.f32 v54, v14;
	v50 =	vpop (erf)  }
0x396: {  	v56 =	vperm.xlane v37, v7;
	v48 =	vadd.f32 v55, v12;
	(xrf1) =	vsort.dscd.msk.f32 $0xffff, v21, v3;
	v57 =	vpop (erf)  }
0x397: {  	v38 =	vperm.xlane v38, v5;
	v41 =	vsel vm0, v46, v41;
	(xrf1) =	vsort.dscd.msk.f32 $0xffff, v49, v3;
	v59 =	vpop (erf)  }
0x398: {  	v60 =	vadd.f32 v56, v37;
	v58 =	vadd.f32 v57, v12;
	(xrf1) =	vsort.dscd.msk.f32 $0xffff, v48, v0;
	v51 =	vpop (erf)  }
0x399: {  	s7 =	simm.s32 $0x0;
	v36 =	vperm.xlane v36, v5;
	v40 =	vsel vm0, v44, v40;
	v38 =	vsel vm0, v45, v38;
	v53 =	vpop (erf)  }
0x39a: {  	v39 =	vsel vm0, v43, v39;
	v52 =	vmov s7;
	v61 =	vperm.xlane v60, v8;
	(xrf1) =	vsort.dscd.msk.f32 $0xffff, v58, v0;
	v62 =	vpop (erf)  }
0x39b: {  	v35 =	vperm.xlane v35, v5;
	v52 =	vshll.u32 v52, $0x7;
	v32 =	vperm.xlane v32, v5;
	(xrf1) =	vsort.dscd.msk.f32 $0xffff, v40, v39;
	v63 =	vpop (erf)  }
0x39c: {  	v31 =	vperm.xlane v31, v5;
	v55 =	vadd.f32 $1.000000000e+00, v50;
	v54 =	vadd.f32 v61, v60;
	(xrf1) =	vsort.dscd.msk.f32 $0xffff, v41, v38;
	v38, v41, _ =	vpop (xrf1)  }
0x39d: {  	v36 =	vsel vm0, v47, v36;
	v1 =	vor.u32 v10, v52;
	v57 =	vadd.f32 $1.000000000e+00, v59;
	v56 =	vpop (erf)  }
0x39e: {  	(erf) = vrcp.f32 v55;
	v43 =	vadd.f32 v62, v15;
	v59 =	vperm.xlane v54, v9;
	v58 =	vpop (erf)  }
0x39f: {  	v35 =	vsel vm0, v42, v35;
	v1 =	vor.u32 v6, v1;
	v44 =	vadd.f32 v63, v15;
	v62, v61, _ =	vpop (xrf1)  }
0x3a0: {  	(erf) = vrcp.f32 v57;
	v60 =	vadd.f32 v56, v13;
	(xrf1) =	vsort.dscd.msk.f32 $0xffff, v43, v4;
	v40 =	vadd.f32 v59, v54;
	v52, v63, _ =	vpop (xrf1)  }
0x3a1: {  	s1 =	simm.s32 $0x6;
	[tilespmem:$0x1FFD0] =	vst v1;
	v39 =	vadd.f32 v58, v14;
	v43 =	vperm.xlane v62, v5;
	v46 =	vperm.xlane v61, v5;
	v55, v54, _ =	vpop (xrf1)  }
0x3a2: {  	v1 =	vmov s1;
	(xrf1) =	vsort.dscd.msk.f32 $0xffff, v44, v4;
	v44 =	vperm.xlane v52, v5;
	v48 =	vperm.xlane v55, v5;
	v57, v56, _ =	vpop (xrf1)  }
0x3a3: {  	v40 =	vadd.f32 $9.999999680e-21, v40;
	(xrf1) =	vsort.dscd.msk.f32 $0xffff, v60, v2;
	v49 =	vperm.xlane v54, v5;
	v60 =	vperm.xlane v56, v5  }
0x3a4: {  	v51 =	vadd.f32 $1.000000000e+00, v51;
	v47 =	vperm.xlane v63, v5;
	v45 =	vperm.xlane v57, v5;
	v59, v58, _ =	vpop (xrf1)  }
0x3a5: {  	(xrf1) =	vsort.dscd.msk.f32 $0xffff, v39, v3;
	(erf) = vrcp.f32 v40;
	v39 =	vsel vm0, v59, v48;
	v61 =	vsel vm0, v58, v49;
	v63, v62, _ =	vpop (xrf1)  }
0x3a6: {  	(erf) = vrcp.f32 v51;
	v44 =	vsel vm0, v63, v44;
	v47 =	vsel vm0, v62, v47;
	v52, v54, _ =	vpop (xrf1);
	(xrf1) =	vsort.dscd.msk.f32 $0xffff, v39, v61  }
0x3a7: {  	v1 =	vshll.u32 v1, $0x7;
	v55 =	vsel vm0, v52, v45;
	v40 =	vsel vm0, v54, v60;
	(xrf1) =	vsort.dscd.msk.f32 $0xffff, v44, v47;
	v60 =	vpop (erf)  }
0x3a8: {  	v1 =	vor.u32 v10, v1;
	v56 =	vperm.xlane v24, v6;
	v24, v57, _ =	vpop (xrf1);
	(xrf1) =	vsort.dscd.msk.f32 $0xffff, v55, v40  }
0x3a9: {  	v61 =	vadd.f32 v60, v13;
	v58 =	vsel vm0, v24, v43;
	v59 =	vsel vm0, v57, v46  }
0x3aa: {  	v62 =	vpop (erf);
	(xrf1) =	vsort.dscd.msk.f32 $0xffff, v36, v35;
	v24 =	vor.u32 v6, v1;
	v1 =	vperm.xlane v16, v5  }
0x3ab: {  	s0 =	simm.s32 $0x4900;
	v16 =	vsel vm0, v33, v56;
	v35 =	vadd.f32 v62, v14;
	(xrf1) =	vsort.dscd.msk.f32 $0xffff, v58, v59  }
0x3ac: {  	v20 =	vperm.xlane v20, v5;
	v34 =	vsel vm0, v27, v34;
	v63 =	vld [tilespmem:s0+$0x10];
	(xrf1) =	vsort.dscd.msk.f32 $0xffff, v61, v2  }
0x3ad: {  	v32 =	vsel vm0, v38, v32;
	v31 =	vsel vm0, v41, v31;
	v42, v45, _ =	vpop (xrf1);
	v46 =	vld [tilespmem:s0+$0x20];
	(xrf1) =	vsort.dscd.msk.f32 $0xffff, v35, v3  }
0x3ae: {  	s2 =	simm.s32 $0x4;
	v23 =	vsel vm0, v30, v23;
	v20 =	vsel vm0, v29, v20;
	v27 =	vpop (erf);
	(xrf1) =	vsort.dscd.msk.f32 $0xffff, v32, v31;
	v31 =	vld [tilespmem:s0+$0x30]  }
0x3af: {  	v47 =	vmov s2;
	v1 =	vsel vm0, v25, v1;
	v25 =	vadd.f32 $1.000000000e+00, v53;
	v30 =	vpop (erf)  }
0x3b0: {  	v17 =	vmul.f32 $2.500000000e+00, v17;
	v50, v36, _ =	vpop (xrf1);
	v29 =	vld.idx.msk [tilespmem:v16+s13+$0x0], $0xffff;
	(xrf1) =	vsort.dscd.msk.f32 $0xffff, v34, v1;
	v1 =	vadd.f32 v30, v12;
	v30 =	vshll.u32 v47, $0x7  }
0x3b1: {  	v53 =	vperm.xlane v28, v6;
	v54 =	vsub.f32 $0.0e+00, v63;
	v51, v52, _ =	vpop (xrf1);
	(erf) = vrcp.f32 v25  }
0x3b2: {  	v43, v28, _ =	vpop (xrf1);
	v25 =	vmul.f32 v18, v17;
	v33 =	vsub.f32 $0.0e+00, v46;
	(xrf1) =	vsort.dscd.msk.f32 $0xffff, v23, v20;
	v20 =	vld [tilespmem:s0+$0x90];
	v23 =	vor.u32 v10, v30  }
0x3b3: {  	v55 =	vmul.f32 $1.442695020e+00, v54;
	v17 =	vor.u32 v6, v23;
	v23 =	vsub.f32 $0.0e+00, v31  }
0x3b4: {  	v33 =	vmul.f32 $1.442695020e+00, v33;
	v39, v30, _ =	vpop (xrf1);
	(xrf1) =	vsort.dscd.msk.f32 $0xffff, v1, v0;
	v1 =	vsel vm0, v26, v53;
	v26 =	vld [tilespmem:s0+$0xB0]  }
0x3b5: {  	(erf) = vpow2.f32 v55;
	v44, v40, _ =	vpop (xrf1);
	v18 =	vsub.f32 v1, v29;
	v1 =	vld [tilespmem:s0+$0xA0]  }
0x3b6: {  	(erf) = vpow2.f32 v33;
	v31, v56, _ =	vpop (xrf1)  }
0x3b7: {  	v48 =	vld [tilespmem:s0+$0x80];
	v59 =	vmul.f32 $1.442695020e+00, v23;
	v60 =	vsub.f32 $0.0e+00, v20;
	v29 =	vperm.xlane v31, v5;
	v58, v57, _ =	vpop (xrf1)  }
0x3b8: {  	v49 =	vld [tilespmem:s0+$0xFFFFFFB0];
	v31 =	vperm.xlane v56, v5;
	v34 =	vperm.xlane v58, v5;
	v20, v23, _ =	vpop (xrf1)  }
0x3b9: {  	v63 =	vld [tilespmem:s0+$0x0];
	v35 =	vperm.xlane v57, v5;
	v41 =	vmul.f32 $1.442695020e+00, v60;
	v26 =	vsub.f32 $0.0e+00, v26  }
0x3ba: {  	v60 =	vld [tilespmem:s0+$0xFFFFFF30];
	v29 =	vsel vm0, v20, v29;
	v31 =	vsel vm0, v23, v31;
	v1 =	vsub.f32 $0.0e+00, v1;
	v23, v20, _ =	vpop (xrf1)  }
0x3bb: {  	(erf) = vpow2.f32 v59;
	v58 =	vld [tilespmem:s0+$0xFFFFFF90];
	v26 =	vmul.f32 $1.442695020e+00, v26;
	v62, v61, _ =	vpop (xrf1)  }
0x3bc: {  	(erf) = vpow2.f32 v41;
	(xrf1) =	vsort.dscd.msk.f32 $0xffff, v29, v31;
	v1 =	vmul.f32 $1.442695020e+00, v1;
	v29 =	vsel vm0, v62, v34  }
0x3bd: {  	v54 =	vpop (erf);
	v31 =	vsel vm0, v61, v35;
	(erf) = vpow2.f32 v26;
	v26 =	vsub.f32 $0.0e+00, v49  }
0x3be: {  	v19 =	vmul.f32 $2.500000000e+00, v37;
	v59 =	vld [tilespmem:s0+$0xFFFFFFA0];
	v33, v32, _ =	vpop (xrf1);
	v61 =	vsub.f32 $0.0e+00, v48;
	v62 =	vsub.f32 $0.0e+00, v63;
	(xrf1) =	vsort.dscd.msk.f32 $0xffff, v29, v31  }
0x3bf: {  	v63 =	vsub.f32 $0.0e+00, v60;
	v47, v46, _ =	vpop (xrf1);
	(erf) = vpow2.f32 v1;
	v26 =	vmul.f32 $1.442695020e+00, v26  }
0x3c0: {  	v60 =	vsub.f32 $0.0e+00, v58;
	v31 =	vperm.xlane v45, v5;
	v41 =	vmul.f32 $1.442695020e+00, v61;
	v34, v29, _ =	vpop (xrf1)  }
0x3c1: {  	v61 =	vmul.f32 $1.442695020e+00, v62;
	v45 =	vmul.f32 $1.442695020e+00, v63;
	v38, v49, _ =	vpop (xrf1)  }
0x3c2: {  	v53 =	vmul.f32 $1.442695020e+00, v60;
	(erf) = vpow2.f32 v41;
	v37, v48, _ =	vpop (xrf1)  }
0x3c3: {  	v62 =	vsub.f32 $0.0e+00, v59;
	(erf) = vpow2.f32 v26;
	v26 =	vpop (erf)  }
0x3c4: {  	(erf) = vpow2.f32 v61;
	v55 =	vpop (erf)  }
0x3c5: {  	v59 =	vld [tilespmem:s0+$0xFFFFFF10];
	v58 =	vmul.f32 $1.442695020e+00, v62;
	(erf) = vpow2.f32 v45;
	v26 =	vadd.f32 $1.000000000e+00, v26;
	v45 =	vpop (erf)  }
0x3c6: {  	v60 =	vld [tilespmem:s0+$0xFFFFFF20];
	(erf) = vpow2.f32 v53;
	v53 =	vpop (erf);
	v61 =	vadd.f32 $1.000000000e+00, v45  }
0x3c7: {  	(erf) = vpow2.f32 v58;
	v45 =	vperm.xlane v50, v5;
	v63 =	vpop (erf);
	v50 =	vadd.f32 $1.000000000e+00, v53  }
0x3c8: {  	v27 =	vmul.f32 v27, v19;
	(erf) = vrcp.f32 v26;
	v62 =	vadd.f32 $1.000000000e+00, v63;
	v53 =	vpop (erf)  }
0x3c9: {  	v35 =	vperm.xlane v42, v5;
	v42, v41, _ =	vpop (xrf1);
	v58 =	vld [tilespmem:s0+$0xFFFFFF80];
	(erf) = vrcp.f32 v61;
	v53 =	vadd.f32 $1.000000000e+00, v53  }
0x3ca: {  	v59 =	vsub.f32 $0.0e+00, v59;
	v55 =	vadd.f32 $1.000000000e+00, v55;
	v61 =	vld [tilespmem:s0+$0xFFFFFF00];
	v63, v26, _ =	vpop (xrf1);
	(erf) = vrcp.f32 v62  }
0x3cb: {  	v51 =	vperm.xlane v51, v5;
	v60 =	vsub.f32 $0.0e+00, v60;
	(erf) = vrcp.f32 v50;
	v50 =	vpop (erf)  }
0x3cc: {  	v59 =	vmul.f32 $1.442695020e+00, v59;
	v26 =	vperm.xlane v26, v6;
	v62, v1, _ =	vpop (xrf1)  }
0x3cd: {  	v60 =	vmul.f32 $1.442695020e+00, v60;
	v50 =	vadd.f32 $1.000000000e+00, v50;
	(erf) = vrcp.f32 v53;
	v53 =	vpop (erf)  }
0x3ce: {  	v58 =	vsub.f32 $0.0e+00, v58;
	(erf) = vrcp.f32 v55;
	v26 =	vsel vm0, v1, v26;
	v55 =	vpop (erf)  }
0x3cf: {  	(erf) = vrcp.f32 v50;
	v50 =	vsub.f32 $0.0e+00, v61;
	v1 =	vadd.f32 $1.000000000e+00, v55  }
0x3d0: {  	v58 =	vmul.f32 $1.442695020e+00, v58;
	v55 =	vpop (erf);
	(erf) = vpow2.f32 v59  }
0x3d1: {  	s7 =	simm.s32 $0xA;
	v54 =	vadd.f32 v54, v12;
	v59 =	vpop (erf);
	(erf) = vrcp.f32 v1;
	v1 =	vmul.f32 $1.442695020e+00, v50  }
0x3d2: {  	v52 =	vperm.xlane v52, v5;
	v44 =	vsel vm0, v44, v51;
	v56 =	vmov s7;
	v61 =	vpop (erf)  }
0x3d3: {  	v57 =	vperm.xlane v18, v7;
	v56 =	vshll.u32 v56, $0x7;
	(xrf1) =	vsort.dscd.msk.f32 $0xffff, v54, v0;
	(erf) = vpow2.f32 v60;
	v60 =	vpop (erf)  }
0x3d4: {  	v50 =	vadd.f32 $1.000000000e+00, v53;
	v53 =	vadd.f32 v60, v13;
	(erf) = vpow2.f32 v58;
	v58 =	vpop (erf)  }
0x3d5: {  	v55 =	vadd.f32 $1.000000000e+00, v55;
	v59 =	vadd.f32 $1.000000000e+00, v59;
	v60 =	vld.idx.msk [tilespmem:v26+s13+$0x0], $0xffff;
	(erf) = vpow2.f32 v1;
	v1 =	vpop (erf)  }
0x3d6: {  	v54 =	vadd.f32 $1.000000000e+00, v61;
	v58 =	vadd.f32 v58, v15;
	(erf) = vrcp.f32 v50;
	(xrf1) =	vsort.dscd.msk.f32 $0xffff, v53, v2;
	v61 =	vpop (erf)  }
0x3d7: {  	v53 =	vperm.xlane v63, v6;
	v1 =	vadd.f32 v1, v15;
	v50 =	vadd.f32 v61, v13;
	v61 =	vpop (erf)  }
0x3d8: {  	v56 =	vor.u32 v10, v56;
	(erf) = vrcp.f32 v55;
	(xrf1) =	vsort.dscd.msk.f32 $0xffff, v58, v4;
	v19 =	vadd.f32 v61, v14;
	v63 =	vpop (erf)  }
0x3d9: {  	(erf) = vrcp.f32 v59;
	(xrf1) =	vsort.dscd.msk.f32 $0xffff, v1, v4;
	v1 =	vsel vm0, v62, v53;
	v58 =	vadd.f32 v63, v14;
	v59 =	vpop (erf)  }
0x3da: {  	(erf) = vrcp.f32 v54;
	(xrf1) =	vsort.dscd.msk.f32 $0xffff, v50, v2;
	v50 =	vsub.f32 v1, v60;
	v1 =	vadd.f32 v59, v12  }
0x3db: {  	v54 =	vpop (erf);
	(xrf1) =	vsort.dscd.msk.f32 $0xffff, v19, v3;
	v19 =	vperm.xlane v43, v5;
	v43 =	vperm.xlane v28, v5  }
0x3dc: {  	v57 =	vadd.f32 v57, v18;
	v28 =	vpop (erf);
	(xrf1) =	vsort.dscd.msk.f32 $0xffff, v58, v3;
	v61 =	vperm.xlane v50, v7  }
0x3dd: {  	v62 =	vadd.f32 v28, v12;
	(xrf1) =	vsort.dscd.msk.f32 $0xffff, v1, v0;
	v43 =	vsel vm0, v46, v43;
	v58 =	vpop (erf)  }
0x3de: {  	v28 =	vor.u32 v6, v56;
	v19 =	vsel vm0, v47, v19;
	v51 =	vadd.f32 v61, v50;
	v56 =	vpop (erf)  }
0x3df: {  	v40 =	vsel vm0, v40, v52;
	v63 =	vperm.xlane v57, v8;
	(xrf1) =	vsort.dscd.msk.f32 $0xffff, v62, v0;
	v53 =	vpop (erf)  }
0x3e0: {  	v1 =	vperm.xlane v36, v5;
	v61 =	vperm.xlane v51, v8;
	(xrf1) =	vsort.dscd.msk.f32 $0xffff, v44, v40;
	v60 =	vpop (erf)  }
0x3e1: {  	v36 =	vadd.f32 v63, v57;
	(xrf1) =	vsort.dscd.msk.f32 $0xffff, v19, v43;
	v19, v43, _ =	vpop (xrf1);
	v52 =	vadd.f32 v60, v15  }
0x3e2: {  	v63 =	vperm.xlane v49, v6;
	v62 =	vpop (erf);
	v51 =	vadd.f32 v61, v51;
	v61 =	vadd.f32 $1.000000000e+00, v58  }
0x3e3: {  	v47 =	vperm.xlane v30, v5;
	v49 =	vadd.f32 $1.000000000e+00, v54;
	v59 =	vpop (erf);
	v62 =	vadd.f32 v62, v15  }
0x3e4: {  	v30 =	vmul.f32 $2.500000000e+00, v18;
	v18 =	vsel vm0, v48, v63;
	v60 =	vpop (erf);
	v63 =	vadd.f32 v59, v13  }
0x3e5: {  	v39 =	vperm.xlane v39, v5;
	v59, v58, _ =	vpop (xrf1)  }
0x3e6: {  	v33 =	vperm.xlane v33, v5;
	(erf) = vrcp.f32 v49;
	(xrf1) =	vsort.dscd.msk.f32 $0xffff, v52, v4;
	v40 =	vadd.f32 v60, v14;
	v60, v52, _ =	vpop (xrf1)  }
0x3e7: {  	v32 =	vperm.xlane v32, v5;
	(erf) = vrcp.f32 v61;
	(xrf1) =	vsort.dscd.msk.f32 $0xffff, v62, v4;
	v62, v61, _ =	vpop (xrf1)  }
0x3e8: {  	v35 =	vsel vm0, v23, v35;
	v57 =	vperm.xlane v51, v9;
	v55 =	vperm.xlane v61, v5  }
0x3e9: {  	(xrf1) =	vsort.dscd.msk.f32 $0xffff, v63, v2;
	v46 =	vperm.xlane v60, v5;
	v54 =	vperm.xlane v62, v5;
	v60, v63, _ =	vpop (xrf1)  }
0x3ea: {  	v38 =	vperm.xlane v38, v6;
	v49 =	vadd.f32 v57, v51;
	(xrf1) =	vsort.dscd.msk.f32 $0xffff, v40, v3;
	v62, v61, _ =	vpop (xrf1)  }
0x3eb: {  	v57 =	vperm.xlane v63, v5;
	v40 =	vsel vm0, v62, v54;
	v63 =	vsel vm0, v61, v55  }
0x3ec: {  	v51 =	vperm.xlane v58, v5;
	v52 =	vperm.xlane v52, v5;
	v55, v58, _ =	vpop (xrf1);
	(xrf1) =	vsort.dscd.msk.f32 $0xffff, v40, v63  }
0x3ed: {  	v39 =	vsel vm0, v42, v39;
	v44 =	vperm.xlane v59, v5;
	v48 =	vperm.xlane v60, v5  }
0x3ee: {  	s1 =	simm.s32 $0x8;
	v49 =	vadd.f32 $9.999999680e-21, v49;
	v46 =	vsel vm0, v55, v46;
	v59 =	vsel vm0, v58, v52;
	v61, v60, _ =	vpop (xrf1)  }
0x3ef: {  	v62 =	vmov s1;
	v48 =	vsel vm0, v61, v48;
	v63 =	vsel vm0, v60, v57;
	(xrf1) =	vsort.dscd.msk.f32 $0xffff, v46, v59  }
0x3f0: {  	v37 =	vsel vm0, v37, v38;
	v41 =	vsel vm0, v41, v47;
	v56 =	vadd.f32 $1.000000000e+00, v56;
	v58, v57, _ =	vpop (xrf1);
	(xrf1) =	vsort.dscd.msk.f32 $0xffff, v48, v63  }
0x3f1: {  	s2 =	simm.s32 $0x4B00;
	(erf) = vrcp.f32 v49;
	v40 =	vshll.u32 v62, $0x7;
	v60 =	vpop (erf);
	v42 =	vsel vm0, v58, v44;
	(xrf1) =	vsort.dscd.msk.f32 $0xffff, v39, v41;
	v39 =	vld.idx.msk [tilespmem:v18+s13+$0x0], $0xffff  }
0x3f2: {  	v54 =	vld [tilespmem:s2+$0x10];
	v59 =	vsel vm0, v57, v51;
	v62 =	vpop (erf);
	v63 =	vsel vm0, v20, v31;
	v20 =	vadd.f32 v60, v13  }
0x3f3: {  	v45 =	vsel vm0, v34, v45;
	(erf) = vrcp.f32 v56;
	v57, v23, _ =	vpop (xrf1);
	v52 =	vadd.f32 v62, v14;
	(xrf1) =	vsort.dscd.msk.f32 $0xffff, v42, v59  }
0x3f4: {  	v19 =	vsel vm0, v19, v33;
	v61 =	vperm.xlane v36, v9;
	v60 =	vld [tilespmem:s2+$0x30];
	v34, v31, _ =	vpop (xrf1);
	(xrf1) =	vsort.dscd.msk.f32 $0xffff, v20, v2  }
0x3f5: {  	v1 =	vsel vm0, v29, v1;
	v43 =	vsel vm0, v43, v32;
	v55 =	vadd.f32 $1.000000000e+00, v53;
	v58, v56, _ =	vpop (xrf1);
	v59 =	vld [tilespmem:s2+$0x20];
	(xrf1) =	vsort.dscd.msk.f32 $0xffff, v52, v3  }
0x3f6: {  	v33 =	vld [tilespmem:s2+$0xB0];
	v36 =	vadd.f32 v61, v36;
	(xrf1) =	vsort.dscd.msk.f32 $0xffff, v19, v43;
	v32 =	vsub.f32 v37, v39  }
0x3f7: {  	v46 =	vmul.f32 $2.500000000e+00, v50;
	v29 =	vperm.xlane v57, v5;
	v57 =	vsub.f32 $0.0e+00, v54;
	v19, v39, _ =	vpop (xrf1);
	(xrf1) =	vsort.dscd.msk.f32 $0xffff, v35, v63  }
0x3f8: {  	(erf) = vrcp.f32 v55;
	v36 =	vadd.f32 $9.999999680e-21, v36;
	(xrf1) =	vsort.dscd.msk.f32 $0xffff, v45, v1;
	v21, v45, _ =	vpop (xrf1);
	v61 =	vperm.xlane v32, v7  }
0x3f9: {  	v50 =	vperm.xlane v58, v5;
	v42 =	vmul.f32 $1.442695020e+00, v57;
	v48, v51, _ =	vpop (xrf1)  }
0x3fa: {  	(erf) = vrcp.f32 v36;
	v38 =	vsub.f32 $0.0e+00, v60;
	v63 =	vld [tilespmem:s2+$0x90];
	v58 =	vsub.f32 $0.0e+00, v59;
	v60, v59, _ =	vpop (xrf1)  }
0x3fb: {  	v33 =	vsub.f32 $0.0e+00, v33;
	v47 =	vperm.xlane v56, v5;
	v37 =	vpop (erf);
	v41 =	vperm.xlane v60, v5  }
0x3fc: {  	v40 =	vor.u32 v10, v40;
	v54 =	vld [tilespmem:s2+$0xA0];
	(erf) = vpow2.f32 v42;
	v62 =	vpop (erf);
	v38 =	vmul.f32 $1.442695020e+00, v38  }
0x3fd: {  	v35 =	vadd.f32 v62, v12;
	v49 =	vadd.f32 v61, v32;
	v62 =	vperm.xlane v59, v5;
	v59 =	vld [tilespmem:s2+$0xFFFFFFB0];
	v52, v61, _ =	vpop (xrf1)  }
0x3fe: {  	v20 =	vor.u32 v6, v40;
	v57 =	vld [tilespmem:s2+$0x80];
	v40 =	vmul.f32 $1.442695020e+00, v58;
	v52 =	vperm.xlane v52, v5  }
0x3ff: {  	v46 =	vmul.f32 v37, v46;
	v55 =	vperm.xlane v39, v5;
	v36 =	vsub.f32 $0.0e+00, v63;
	(xrf1) =	vsort.dscd.msk.f32 $0xffff, v35, v0;
	v35 =	vld [tilespmem:s2+$0x0];
	v60, v63, _ =	vpop (xrf1)  }
0x400: {  	(erf) = vpow2.f32 v40;
	v53 =	vperm.xlane v61, v5;
	v61 =	vsel vm0, v60, v41;
	v44, v41, _ =	vpop (xrf1)  }
0x401: {  	(erf) = vpow2.f32 v38;
	v36 =	vmul.f32 $1.442695020e+00, v36;
	v62 =	vsel vm0, v63, v62;
	v60, v63, _ =	vpop (xrf1)  }
0x402: {  	v42 =	vld [tilespmem:s2+$0xFFFFFF30];
	(xrf1) =	vsort.dscd.msk.f32 $0xffff, v61, v62;
	v62 =	vmul.f32 $1.442695020e+00, v33;
	v39 =	vsub.f32 $0.0e+00, v59;
	v61 =	vsel vm0, v60, v52;
	v52 =	vpop (erf)  }
0x403: {  	v53 =	vsel vm0, v63, v53;
	v63 =	vsub.f32 $0.0e+00, v54;
	v33 =	vpop (erf);
	(erf) = vpow2.f32 v36;
	v36 =	vld [tilespmem:s2+$0xFFFFFFA0]  }
0x404: {  	s7 =	simm.s32 $0xE;
	v37 =	vld [tilespmem:s2+$0xFFFFFF90];
	v40 =	vsub.f32 $0.0e+00, v57;
	v39 =	vmul.f32 $1.442695020e+00, v39;
	(xrf1) =	vsort.dscd.msk.f32 $0xffff, v61, v53;
	v61 =	vsub.f32 $0.0e+00, v35  }
0x405: {  	v43 =	vmov s7;
	(erf) = vpow2.f32 v62;
	v38 =	vmul.f32 $1.442695020e+00, v63  }
0x406: {  	v43 =	vshll.u32 v43, $0x7;
	v62 =	vmul.f32 $1.442695020e+00, v40;
	v53, v54, _ =	vpop (xrf1);
	v61 =	vmul.f32 $1.442695020e+00, v61  }
0x407: {  	v48 =	vsel vm0, v48, v50;
	v63 =	vsub.f32 $0.0e+00, v42;
	v56, v57, _ =	vpop (xrf1);
	(erf) = vpow2.f32 v38  }
0x408: {  	v58 =	vperm.xlane v49, v8;
	v59, v60, _ =	vpop (xrf1);
	(erf) = vpow2.f32 v62;
	v36 =	vsub.f32 $0.0e+00, v36  }
0x409: {  	v37 =	vsub.f32 $0.0e+00, v37;
	v62 =	vmul.f32 $1.442695020e+00, v63;
	(erf) = vpow2.f32 v39;
	v39 =	vpop (erf)  }
0x40a: {  	v49 =	vadd.f32 v58, v49;
	(erf) = vpow2.f32 v61;
	v61 =	vpop (erf);
	v36 =	vmul.f32 $1.442695020e+00, v36  }
0x40b: {  	v58 =	vld [tilespmem:s2+$0xFFFFFF20];
	v63 =	vmul.f32 $1.442695020e+00, v37;
	v37 =	vor.u32 v10, v43;
	v50 =	vadd.f32 $1.000000000e+00, v39;
	v43 =	vpop (erf)  }
0x40c: {  	v40, v42, _ =	vpop (xrf1);
	v39 =	vsel vm0, v51, v47;
	(erf) = vpow2.f32 v62;
	v51 =	vadd.f32 $1.000000000e+00, v43  }
0x40d: {  	v19 =	vperm.xlane v19, v5;
	v47 =	vld [tilespmem:s2+$0xFFFFFF10];
	(erf) = vpow2.f32 v63;
	v62 =	vpop (erf)  }
0x40e: {  	(erf) = vpow2.f32 v36;
	v36 =	vpop (erf)  }
0x40f: {  	[tilespmem:v24+s23+$0x0] =	vst.idx.msk $0xffff, v25;
	v1 =	vperm.xlane v23, v5;
	v35, v38, _ =	vpop (xrf1);
	(erf) = vrcp.f32 v50;
	v50 =	vld [tilespmem:s2+$0xFFFFFF80];
	v36 =	vadd.f32 $1.000000000e+00, v36  }
0x410: {  	v25 =	vsub.f32 $0.0e+00, v58;
	v58 =	vld [tilespmem:$0x1FFC0];
	v63, v43, _ =	vpop (xrf1);
	v62 =	vadd.f32 $1.000000000e+00, v62;
	(erf) = vrcp.f32 v51  }
0x411: {  	v21 =	vperm.xlane v21, v5;
	v56 =	vsel vm0, v56, v19;
	v19, v51, _ =	vpop (xrf1);
	(erf) = vrcp.f32 v36;
	v36 =	vld [tilespmem:s2+$0xFFFFFF00]  }
0x412: {  	(erf) = vrcp.f32 v62;
	v62 =	vperm.xlane v34, v5;
	v34 =	vsub.f32 $0.0e+00, v47;
	v47 =	vpop (erf)  }
0x413: {  	v45 =	vperm.xlane v45, v5;
	v51 =	vperm.xlane v51, v6;
	v47 =	vadd.f32 $1.000000000e+00, v47  }
0x414: {  	v55 =	vsel vm0, v57, v55;
	v37 =	vor.u32 v6, v37;
	v57, v23, _ =	vpop (xrf1);
	v50 =	vsub.f32 $0.0e+00, v50  }
0x415: {  	[tilespmem:v28+s23+$0x0] =	vst.idx.msk $0xffff, v27;
	v23 =	vsel vm0, v23, v51;
	v51 =	vadd.f32 v52, v12;
	(erf) = vrcp.f32 v47  }
0x416: {  	[tilespmem:v24+s24+$0x0] =	vst.idx.msk $0xffff, v58;
	v47 =	vmul.f32 $1.442695020e+00, v50;
	v50 =	vadd.f32 $1.000000000e+00, v61;
	v24 =	vsub.f32 $0.0e+00, v36;
	v36 =	vpop (erf)  }
0x417: {  	[tilespmem:v28+s24+$0x0] =	vst.idx.msk $0xffff, v22;
	v52 =	vmul.f32 $1.442695020e+00, v34;
	v34 =	vsel vm0, v63, v21;
	v61 =	vadd.f32 $1.000000000e+00, v36;
	v21 =	vpop (erf)  }
0x418: {  	v25 =	vmul.f32 $1.442695020e+00, v25;
	[tilespmem:v22+s19+$0x0] =	vst.idx.add.s32.msk $0xff, v11;
	(erf) = vrcp.f32 v50;
	v27 =	vpop (erf)  }
0x419: {  	[tilespmem:v22+s19+$0x0] =	vst.idx.add.s32.msk vm1, v11;
	v36 =	vsel vm0, v43, v45;
	v27 =	vadd.f32 $1.000000000e+00, v27;
	v28 =	vpop (erf);
	(erf) = vrcp.f32 v61  }
0x41a: {  	[tilespmem:v58+s19+$0x0] =	vst.idx.add.s32.msk $0xff, v11;
	v43 =	vperm.xlane v53, v5;
	v53 =	vadd.f32 $1.000000000e+00, v28;
	(erf) = vpow2.f32 v52;
	v28 =	vpop (erf)  }
0x41b: {  	[tilespmem:v58+s19+$0x0] =	vst.idx.add.s32.msk vm1, v11;
	v22 =	vadd.f32 $1.000000000e+00, v28;
	v28 =	vpop (erf);
	(erf) = vrcp.f32 v27  }
0x41c: {  	[tilespmem:v37+s23+$0x0] =	vst.idx.msk $0xffff, v46;
	v24 =	vmul.f32 $1.442695020e+00, v24;
	(erf) = vpow2.f32 v25;
	v25 =	vpop (erf)  }
0x41d: {  	[tilespmem:v37+s24+$0x0] =	vst.idx.msk $0xffff, v26;
	v58 =	vadd.f32 $1.000000000e+00, v28;
	v28 =	vsel vm0, v41, v1;
	v1 =	vadd.f32 v25, v13  }
0x41e: {  	[tilespmem:v26+s19+$0x0] =	vst.idx.add.s32.msk $0xff, v11;
	v19 =	vperm.xlane v19, v6;
	(xrf1) =	vsort.dscd.msk.f32 $0xffff, v51, v0;
	v21 =	vadd.f32 $1.000000000e+00, v21  }
0x41f: {  	v50 =	vperm.xlane v54, v5;
	v54 =	vld.idx.msk [tilespmem:v23+s13+$0x0], $0xffff;
	(erf) = vpow2.f32 v47;
	v25 =	vpop (erf)  }
0x420: {  	[tilespmem:v26+s19+$0x0] =	vst.idx.add.s32.msk vm1, v11;
	v25 =	vadd.f32 v25, v15;
	(erf) = vpow2.f32 v24;
	v24 =	vpop (erf)  }
0x421: {  	v19 =	vsel vm0, v57, v19;
	v57 =	vld [tilespmem:$0x1FFD0];
	v24 =	vadd.f32 v24, v15;
	(erf) = vrcp.f32 v21;
	(xrf1) =	vsort.dscd.msk.f32 $0xffff, v1, v2;
	v1 =	vpop (erf)  }
0x422: {  	(xrf1) =	vsort.dscd.msk.f32 $0xffff, v25, v4;
	(erf) = vrcp.f32 v53;
	v1 =	vadd.f32 v1, v13;
	v21 =	vpop (erf)  }
0x423: {  	v31 =	vperm.xlane v31, v5;
	(xrf1) =	vsort.dscd.msk.f32 $0xffff, v24, v4;
	(erf) = vrcp.f32 v22;
	v21 =	vadd.f32 v21, v14;
	v22 =	vpop (erf)  }
0x424: {  	v25 =	vsub.f32 v19, v54;
	v19 =	vadd.f32 v22, v14;
	v22 =	vpop (erf);
	(xrf1) =	vsort.dscd.msk.f32 $0xffff, v1, v2  }
0x425: {  	v30 =	vmul.f32 v33, v30;
	v31 =	vsel vm0, v60, v31;
	(erf) = vrcp.f32 v58;
	v24 =	vpop (erf);
	(xrf1) =	vsort.dscd.msk.f32 $0xffff, v21, v3  }
0x426: {  	v22 =	vadd.f32 v22, v12;
	v21 =	vperm.xlane v25, v7;
	v60 =	vadd.f32 $1.000000000e+00, v24;
	v24 =	vpop (erf);
	(xrf1) =	vsort.dscd.msk.f32 $0xffff, v19, v3  }
0x427: {  	v27 =	vsel vm0, v44, v29;
	v29 =	vsel vm0, v59, v62;
	v24 =	vadd.f32 v24, v12;
	v61 =	vpop (erf)  }
0x428: {  	s2 =	simm.s32 $0xC;
	v59 =	vperm.xlane v42, v6;
	(xrf1) =	vsort.dscd.msk.f32 $0xffff, v22, v0;
	v21 =	vadd.f32 v21, v25;
	v63 =	vpop (erf)  }
0x429: {  	v45 =	vperm.xlane v49, v9;
	[tilespmem:v57+s23+$0x0] =	vst.idx.msk $0xffff, v30;
	v1 =	vmov s2;
	v46 =	vpop (erf);
	(xrf1) =	vsort.dscd.msk.f32 $0xffff, v24, v0  }
0x42a: {  	[tilespmem:v57+s24+$0x0] =	vst.idx.msk $0xffff, v16;
	v1 =	vshll.u32 v1, $0x7;
	v22 =	vsel vm0, v38, v59;
	v24 =	vperm.xlane v21, v8;
	v47 =	vpop (erf)  }
0x42b: {  	v19 =	vperm.xlane v40, v6;
	v1 =	vor.u32 v10, v1;
	(xrf1) =	vsort.dscd.msk.f32 $0xffff, v48, v39;
	v51 =	vpop (erf)  }
0x42c: {  	v62 =	vadd.f32 $1.000000000e+00, v61;
	v21 =	vadd.f32 v24, v21;
	(xrf1) =	vsort.dscd.msk.f32 $0xffff, v56, v55;
	(erf) = vrcp.f32 v60;
	v56, v55, _ =	vpop (xrf1)  }
0x42d: {  	v40 =	vadd.f32 v45, v49;
	v42 =	vsel vm0, v35, v19;
	v49 =	vadd.f32 v47, v15;
	v52 =	vpop (erf)  }
0x42e: {  	v24 =	vor.u32 v6, v1;
	v1 =	vadd.f32 v52, v13;
	v26 =	vpop (erf);
	v53 =	vperm.xlane v21, v9  }
0x42f: {  	v19 =	vmul.f32 $2.500000000e+00, v32;
	v33 =	vadd.f32 v51, v15;
	v54 =	vld.idx.msk [tilespmem:v22+s13+$0x0], $0xffff;
	(erf) = vrcp.f32 v62;
	(xrf1) =	vsort.dscd.msk.f32 $0xffff, v49, v4;
	v30, v58, _ =	vpop (xrf1)  }
0x430: {  	v35 =	vsel vm0, v56, v43;
	v26 =	vadd.f32 v26, v14;
	v59, v60, _ =	vpop (xrf1);
	v21 =	vadd.f32 v53, v21  }
0x431: {  	v38 =	vadd.f32 $1.000000000e+00, v63;
	(xrf1) =	vsort.dscd.msk.f32 $0xffff, v33, v4;
	v30 =	vperm.xlane v30, v5;
	v33 =	vperm.xlane v58, v5;
	v61, v62, _ =	vpop (xrf1)  }
0x432: {  	v32 =	vperm.xlane v59, v5;
	v41 =	vperm.xlane v60, v5;
	(xrf1) =	vsort.dscd.msk.f32 $0xffff, v1, v2;
	v21 =	vadd.f32 $9.999999680e-21, v21;
	v1, v63, _ =	vpop (xrf1)  }
0x433: {  	v37 =	vsel vm0, v55, v50;
	v43 =	vperm.xlane v61, v5;
	v45 =	vperm.xlane v62, v5;
	v52, v53, _ =	vpop (xrf1)  }
0x434: {  	(xrf1) =	vsort.dscd.msk.f32 $0xffff, v26, v3;
	v26 =	vsub.f32 v42, v54;
	v1 =	vperm.xlane v1, v5;
	(erf) = vrcp.f32 v21;
	v56, v57, _ =	vpop (xrf1)  }
0x435: {  	v21 =	vperm.xlane v63, v5;
	v54 =	vsel vm0, v52, v43;
	v55 =	vsel vm0, v53, v45;
	v60 =	vpop (erf)  }
0x436: {  	v39 =	vadd.f32 $1.000000000e+00, v46;
	v32 =	vsel vm0, v56, v32;
	v41 =	vsel vm0, v57, v41;
	v59, v58, _ =	vpop (xrf1);
	(xrf1) =	vsort.dscd.msk.f32 $0xffff, v54, v55  }
0x437: {  	(erf) = vrcp.f32 v38;
	v1 =	vsel vm0, v59, v1;
	v21 =	vsel vm0, v58, v21;
	(xrf1) =	vsort.dscd.msk.f32 $0xffff, v32, v41;
	v61, v62, _ =	vpop (xrf1)  }
0x438: {  	s7 =	simm.s32 $0x12;
	(erf) = vrcp.f32 v39;
	v38 =	vadd.f32 v60, v13;
	(xrf1) =	vsort.dscd.msk.f32 $0xffff, v1, v21;
	v21 =	vsel vm0, v61, v30  }
0x439: {  	v40 =	vadd.f32 $9.999999680e-21, v40;
	v1 =	vmov s7  }
0x43a: {  	v63 =	vpop (erf);
	v32 =	vperm.xlane v26, v7;
	v30 =	vsel vm0, v62, v33;
	v1 =	vshll.u32 v1, $0x7;
	(xrf1) =	vsort.dscd.msk.f32 $0xffff, v34, v36  }
0x43b: {  	v39 =	vadd.f32 v63, v14;
	(erf) = vrcp.f32 v40;
	(xrf1) =	vsort.dscd.msk.f32 $0xffff, v21, v30;
	v1 =	vor.u32 v10, v1;
	v21, v36, _ =	vpop (xrf1)  }
0x43c: {  	s0 =	simm.s32 $0x10;
	s1 =	simm.s32 $0x4D00;
	s2 =	simm.s32 $0xA;
	(xrf1) =	vsort.dscd.msk.f32 $0xffff, v38, v2;
	v33 =	vor.u32 v6, v1;
	v30 =	vperm.xlane v21, v5;
	v38, v34, _ =	vpop (xrf1);
	v21 =	vmul.f32 $2.500000000e+00, v26  }
.LBB2_9:
0x43d: {  	v1 =	vld [tilespmem:s1+$0x10];
	(xrf1) =	vsort.dscd.msk.f32 $0xffff, v39, v3;
	v39, v40, _ =	vpop (xrf1);
	v36 =	vperm.xlane v36, v5;
	v41 =	vmul.f32 $2.500000000e+00, v25;
	v42 =	vadd.f32 v32, v26  }
0x43e: {  	v46 =	vmov s0;
	v43 =	vld [tilespmem:s1+$0x20];
	v39 =	vperm.xlane v39, v5;
	v40 =	vperm.xlane v40, v5;
	(xrf1) =	vsort.dscd.msk.f32 $0xffff, v35, v37;
	v35 =	vpop (erf)  }
0x43f: {  	v25 =	vperm.xlane v38, v5;
	v32 =	vshll.u32 v46, $0x7;
	v44 =	vld [tilespmem:s1+$0xFFFFFFB0];
	v37, v45, _ =	vpop (xrf1);
	v35 =	vmul.f32 v35, v41;
	(xrf1) =	vsort.dscd.msk.f32 $0xffff, v27, v28  }
0x440: {  	v26 =	vmov v20;
	v28 =	vld [tilespmem:s1+$0x30];
	v38 =	vperm.xlane v37, v5;
	v27 =	vperm.xlane v45, v5;
	v37 =	vpop (erf);
	(xrf1) =	vsort.dscd.msk.f32 $0xffff, v29, v31  }
0x441: {  	v20 =	vmov v24;
	v31 =	vperm.xlane v34, v5;
	v29 =	vld [tilespmem:s1+$0x90];
	v41 =	vadd.f32 v37, v12;
	v37 =	vpop (erf);
	[tilespmem:v33+s23+$0x0] =	vst.idx.msk $0xffff, v35  }
0x442: {  	v35 =	vperm.xlane v42, v8;
	v45 =	vld [tilespmem:s1+$0xB0];
	v37 =	vadd.f32 v37, v12;
	v46, v47, _ =	vpop (xrf1);
	[tilespmem:v33+s24+$0x0] =	vst.idx.msk $0xffff, v23  }
0x443: {  	v1 =	vsub.f32 $0.0e+00, v1;
	v50 =	vsub.f32 $0.0e+00, v43;
	(xrf1) =	vsort.dscd.msk.f32 $0xffff, v41, v0;
	v24, v33, _ =	vpop (xrf1);
	[tilespmem:v23+s19+$0x0] =	vst.idx.add.s32.msk $0xff, v11  }
0x444: {  	v41 =	vsub.f32 $0.0e+00, v44;
	v24 =	vsel vm0, v24, v39;
	v33 =	vsel vm0, v33, v40;
	[tilespmem:v23+s19+$0x0] =	vst.idx.add.s32.msk vm1, v11;
	v34 =	vpop (erf)  }
0x445: {  	v1 =	vmul.f32 $1.442695020e+00, v1;
	v23 =	vld [tilespmem:s1+$0xFFFFFF30];
	v39 =	vmul.f32 $1.442695020e+00, v50;
	v50 =	vsub.f32 $0.0e+00, v28;
	v40, v43, _ =	vpop (xrf1)  }
0x446: {  	v35 =	vadd.f32 v35, v42;
	v44 =	vld [tilespmem:s1+$0xA0];
	v40 =	vperm.xlane v40, v5;
	v43 =	vperm.xlane v43, v5;
	v48, v49, _ =	vpop (xrf1)  }
0x447: {  	s2 =	sadd.s32 $0x2, s2;
	v29 =	vsub.f32 $0.0e+00, v29;
	v42 =	vld [tilespmem:s1+$0xFFFFFF90];
	v59 =	vmul.f32 $1.442695020e+00, v50;
	v58 =	vperm.xlane v48, v5;
	v53, v51, _ =	vpop (xrf1)  }
0x448: {  	p0 =	slt.u32 s2, $0x3E;
	v61 =	vperm.xlane v49, v5;
	v52 =	vld [tilespmem:s1+$0x80];
	v40 =	vsel vm0, v53, v40;
	v43 =	vsel vm0, v51, v43;
	v51, v28, _ =	vpop (xrf1)  }
0x449: {  	v56 =	vsub.f32 $0.0e+00, v45;
	v57 =	vmul.f32 $1.442695020e+00, v29;
	v53 =	vld [tilespmem:s1+$0xFFFFFFA0];
	(erf) = vpow2.f32 v1;
	v1, v54, _ =	vpop (xrf1);
	(xrf1) =	vsort.dscd.msk.f32 $0xffff, v40, v43  }
0x44a: {  	v43 =	vld [tilespmem:s1+$0x0];
	(erf) = vpow2.f32 v39;
	v1 =	vsel vm0, v1, v58;
	v39 =	vsel vm0, v54, v61;
	v48, v49, _ =	vpop (xrf1)  }
0x44b: {  	v58 =	vmul.f32 $1.442695020e+00, v56;
	v54 =	vld [tilespmem:s1+$0xFFFFFF10];
	v60 =	vsub.f32 $0.0e+00, v44;
	(erf) = vpow2.f32 v59;
	v45, v50, _ =	vpop (xrf1);
	(xrf1) =	vsort.dscd.msk.f32 $0xffff, v1, v39  }
0x44c: {  	v23 =	vsub.f32 $0.0e+00, v23;
	v39 =	vmul.f32 $1.442695020e+00, v41;
	v1 =	vld [tilespmem:s1+$0xFFFFFF20];
	(erf) = vpow2.f32 v57;
	v29, v55, _ =	vpop (xrf1)  }
0x44d: {  	v56 =	vld [tilespmem:s1+$0xFFFFFF80];
	v52 =	vsub.f32 $0.0e+00, v52;
	v57 =	vmul.f32 $1.442695020e+00, v60;
	(erf) = vpow2.f32 v58;
	v41, v44, _ =	vpop (xrf1)  }
0x44e: {  	v23 =	vmul.f32 $1.442695020e+00, v23;
	v62 =	vsub.f32 $0.0e+00, v42;
	v58 =	vld [tilespmem:s1+$0xFFFFFF00];
	v53 =	vsub.f32 $0.0e+00, v53;
	v40, v42, _ =	vpop (xrf1)  }
0x44f: {  	v43 =	vsub.f32 $0.0e+00, v43;
	v60 =	vmul.f32 $1.442695020e+00, v52;
	(erf) = vpow2.f32 v57;
	[tilespmem:v16+s19+$0x0] =	vst.idx.add.s32.msk $0xff, v11  }
0x450: {  	v57 =	vmul.f32 $1.442695020e+00, v62;
	v54 =	vsub.f32 $0.0e+00, v54;
	v53 =	vmul.f32 $1.442695020e+00, v53;
	[tilespmem:v16+s19+$0x0] =	vst.idx.add.s32.msk vm1, v11;
	v16 =	vmovc v18;
	v18 =	vmovc v22  }
0x451: {  	v1 =	vsub.f32 $0.0e+00, v1;
	v61 =	vmul.f32 $1.442695020e+00, v43;
	(erf) = vpow2.f32 v60;
	v52, v59, _ =	vpop (xrf1)  }
0x452: {  	v54 =	vmul.f32 $1.442695020e+00, v54;
	v43 =	vsub.f32 $0.0e+00, v56;
	(erf) = vpow2.f32 v39;
	v39 =	vpop (erf)  }
0x453: {  	v56 =	vsub.f32 $0.0e+00, v58;
	v1 =	vmul.f32 $1.442695020e+00, v1;
	(erf) = vpow2.f32 v61;
	v22 =	vpop (erf)  }
0x454: {  	(erf) = vpow2.f32 v23;
	v23 =	vpop (erf)  }
0x455: {  	v58 =	vmul.f32 $1.442695020e+00, v43;
	v43 =	vsel vm0, v45, v38;
	v23 =	vadd.f32 $1.000000000e+00, v23  }
0x456: {  	v62 =	vadd.f32 $1.000000000e+00, v39;
	v45 =	vmul.f32 $1.442695020e+00, v56;
	(erf) = vpow2.f32 v57;
	v39 =	vpop (erf)  }
0x457: {  	v46 =	vperm.xlane v46, v5;
	(erf) = vpow2.f32 v53;
	v53 =	vpop (erf)  }
0x458: {  	v47 =	vperm.xlane v47, v5;
	v63 =	vadd.f32 $1.000000000e+00, v53;
	(erf) = vrcp.f32 v62;
	v56, v38, _ =	vpop (xrf1)  }
0x459: {  	v61 =	vadd.f32 $1.000000000e+00, v39;
	(erf) = vrcp.f32 v23;
	v60 =	vpop (erf);
	v38 =	vperm.xlane v38, v6  }
0x45a: {  	v50 =	vsel vm0, v50, v27;
	v57 =	vadd.f32 $1.000000000e+00, v60;
	(erf) = vrcp.f32 v63;
	v53, v23, _ =	vpop (xrf1)  }
0x45b: {  	v22 =	vadd.f32 $1.000000000e+00, v22;
	v27 =	vpop (erf);
	(erf) = vrcp.f32 v61;
	v23 =	vsel vm0, v23, v38  }
0x45c: {  	v38 =	vsel vm0, v52, v46;
	v60 =	vadd.f32 $1.000000000e+00, v27;
	v39 =	vpop (erf);
	(erf) = vrcp.f32 v57  }
0x45d: {  	v46 =	vadd.f32 $1.000000000e+00, v39;
	v52 =	vpop (erf);
	(erf) = vrcp.f32 v22;
	v39 =	vsel vm0, v59, v47  }
0x45e: {  	v48 =	vperm.xlane v48, v5;
	v22 =	vadd.f32 $1.000000000e+00, v52;
	v47 =	vpop (erf);
	(erf) = vrcp.f32 v60  }
0x45f: {  	v49 =	vperm.xlane v49, v5;
	v47 =	vadd.f32 $1.000000000e+00, v47;
	(erf) = vpow2.f32 v54;
	v27 =	vpop (erf)  }
0x460: {  	v52 =	vadd.f32 $1.000000000e+00, v27;
	v54 =	vpop (erf);
	(erf) = vrcp.f32 v22;
	v22 =	vld.idx.msk [tilespmem:v23+s13+$0x0], $0xffff;
	v27 =	vsel vm0, v51, v30  }
0x461: {  	v28 =	vsel vm0, v28, v36;
	v30 =	vadd.f32 $1.000000000e+00, v54;
	(erf) = vpow2.f32 v1;
	v1 =	vpop (erf)  }
0x462: {  	v29 =	vsel vm0, v29, v25;
	v51 =	vadd.f32 v1, v13;
	(erf) = vpow2.f32 v58;
	v36 =	vpop (erf)  }
0x463: {  	v54 =	vadd.f32 v36, v15;
	(erf) = vpow2.f32 v45;
	v36 =	vpop (erf);
	v45 =	vperm.xlane v56, v6;
	(xrf1) =	vsort.dscd.msk.f32 $0xffff, v37, v0  }
0x464: {  	v31 =	vsel vm0, v55, v31;
	v36 =	vadd.f32 v36, v15;
	(erf) = vrcp.f32 v46;
	(xrf1) =	vsort.dscd.msk.f32 $0xffff, v51, v2;
	v1 =	vpop (erf)  }
0x465: {  	v1 =	vadd.f32 v1, v13;
	(erf) = vrcp.f32 v47;
	(xrf1) =	vsort.dscd.msk.f32 $0xffff, v54, v4;
	v25 =	vpop (erf);
	v37 =	vsel vm0, v53, v45  }
0x466: {  	v45 =	vadd.f32 v25, v14;
	(erf) = vrcp.f32 v52;
	v46 =	vpop (erf);
	(xrf1) =	vsort.dscd.msk.f32 $0xffff, v36, v4;
	v25 =	vsub.f32 v37, v22  }
0x467: {  	v22 =	vadd.f32 v46, v14;
	(erf) = vrcp.f32 v30;
	v30 =	vpop (erf);
	(xrf1) =	vsort.dscd.msk.f32 $0xffff, v1, v2;
	v1 =	vperm.xlane v44, v6  }
0x468: {  	v30 =	vadd.f32 v30, v12;
	v36 =	vpop (erf);
	(xrf1) =	vsort.dscd.msk.f32 $0xffff, v45, v3;
	v37 =	vperm.xlane v25, v7  }
0x469: {  	v41 =	vperm.xlane v41, v6;
	v36 =	vadd.f32 $1.000000000e+00, v36;
	v44 =	vpop (erf);
	(xrf1) =	vsort.dscd.msk.f32 $0xffff, v22, v3;
	v22 =	vsel vm0, v42, v1  }
0x46a: {  	v1 =	vadd.f32 v44, v12;
	v42 =	vpop (erf);
	(xrf1) =	vsort.dscd.msk.f32 $0xffff, v30, v0;
	v30 =	vadd.f32 v37, v25  }
0x46b: {  	v40 =	vsel vm0, v40, v41;
	v41 =	vperm.xlane v35, v9;
	v37 =	vadd.f32 $1.000000000e+00, v42;
	v42 =	vpop (erf)  }
0x46c: {  	v19 =	vmul.f32 v34, v19;
	v42 =	vadd.f32 $1.000000000e+00, v42;
	v44 =	vpop (erf);
	(xrf1) =	vsort.dscd.msk.f32 $0xffff, v1, v0;
	v1 =	vperm.xlane v30, v8  }
0x46d: {  	v32 =	vor.u32 v10, v32;
	v45 =	vadd.f32 v41, v35;
	v34 =	vadd.f32 $1.000000000e+00, v44;
	v44 =	vpop (erf)  }
0x46e: {  	v41 =	vadd.f32 v44, v15;
	v44 =	vpop (erf);
	v1 =	vadd.f32 v1, v30;
	(xrf1) =	vsort.dscd.msk.f32 $0xffff, v24, v33;
	v30 =	vld.idx.msk [tilespmem:v22+s13+$0x0], $0xffff  }
0x46f: {  	v24 =	vor.u32 v6, v32;
	v46 =	vadd.f32 v44, v15;
	v44 =	vpop (erf);
	(xrf1) =	vsort.dscd.msk.f32 $0xffff, v43, v50;
	v43 =	vadd.f32 $9.999999680e-21, v45  }
0x470: {  	v32 =	vadd.f32 v44, v13;
	(erf) = vrcp.f32 v36;
	v35 =	vpop (erf);
	(xrf1) =	vsort.dscd.msk.f32 $0xffff, v41, v4;
	v47 =	vperm.xlane v1, v9  }
0x471: {  	v41 =	vadd.f32 v35, v14;
	v35, v44, _ =	vpop (xrf1);
	[tilespmem:v17+s23+$0x0] =	vst.idx.msk $0xffff, v19;
	v19 =	vmov v21  }
0x472: {  	(erf) = vrcp.f32 v37;
	(xrf1) =	vsort.dscd.msk.f32 $0xffff, v46, v4;
	v21, v33, _ =	vpop (xrf1);
	v35 =	vsel vm0, v35, v48;
	v1 =	vadd.f32 v47, v1  }
0x473: {  	v37 =	vsel vm0, v44, v49;
	v21 =	vperm.xlane v21, v5;
	v33 =	vperm.xlane v33, v5;
	v36, v45, _ =	vpop (xrf1)  }
0x474: {  	v36 =	vperm.xlane v36, v5;
	v50 =	vperm.xlane v45, v5;
	v45, v46, _ =	vpop (xrf1);
	v1 =	vadd.f32 $9.999999680e-21, v1;
	[tilespmem:v17+s24+$0x0] =	vst.idx.msk $0xffff, v16  }
0x475: {  	v17 =	vmov v26;
	v49 =	vperm.xlane v45, v5;
	v46 =	vperm.xlane v46, v5;
	(xrf1) =	vsort.dscd.msk.f32 $0xffff, v32, v2;
	v32, v47, _ =	vpop (xrf1)  }
0x476: {  	v26 =	vsub.f32 v40, v30;
	v51 =	vperm.xlane v32, v5;
	(xrf1) =	vsort.dscd.msk.f32 $0xffff, v41, v3;
	v41, v48, _ =	vpop (xrf1);
	(erf) = vrcp.f32 v1  }
0x477: {  	v30 =	vsel vm0, v41, v49;
	v40 =	vsel vm0, v48, v46;
	v41, v45, _ =	vpop (xrf1)  }
0x478: {  	v1 =	vperm.xlane v47, v5;
	v36 =	vsel vm0, v41, v36  }
0x479: {  	s0 =	sadd.s32 $0x4, s0;
	v41 =	vsel vm0, v45, v50;
	(erf) = vrcp.f32 v42;
	v42, v44, _ =	vpop (xrf1);
	(xrf1) =	vsort.dscd.msk.f32 $0xffff, v30, v40  }
.Ltmp6:
0x47a: {  	s7 =	sadd.s32 $0x2, s0;
	v30 =	vsel vm0, v42, v51;
	v1 =	vsel vm0, v44, v1;
	(erf) = vrcp.f32 v34;
	v32 =	vpop (erf);
	(xrf1) =	vsort.dscd.msk.f32 $0xffff, v36, v41;
	(pc) =	sbr.rel @p0 .LBB2_9-.Ltmp6, $4  }
0x47b: {  	v42 =	vadd.f32 v32, v13;
	v32 =	vperm.xlane v26, v7;
	v36, v40, _ =	vpop (xrf1);
	(xrf1) =	vsort.dscd.msk.f32 $0xffff, v30, v1;
	v1 =	vmov s7  }
0x47c: {  	v41 =	vsel vm0, v36, v21;
	v30 =	vsel vm0, v40, v33;
	v33 =	vpop (erf);
	v1 =	vshll.u32 v1, $0x7;
	(xrf1) =	vsort.dscd.msk.f32 $0xffff, v38, v39  }
0x47d: {  	v39 =	vadd.f32 v33, v14;
	(xrf1) =	vsort.dscd.msk.f32 $0xffff, v41, v30;
	v1 =	vor.u32 v10, v1;
	v21, v36, _ =	vpop (xrf1);
	(erf) = vrcp.f32 v43  }
0x47e: {  	s1 =	sadd.s32 $0x200, s1;
	(xrf1) =	vsort.dscd.msk.f32 $0xffff, v42, v2;
	v30 =	vperm.xlane v21, v5;
	v33 =	vor.u32 v6, v1;
	v38, v34, _ =	vpop (xrf1);
	v21 =	vmul.f32 $2.500000000e+00, v26  }
0x47f: {  	_ = 	snop  }
0x480: {  	v1, v40, _ =	vpop (xrf1)  }
0x481: {  	v41 =	vpop (erf)  }
0x482: {  	v42, v43, _ =	vpop (xrf1)  }
0x483: {  	v44 =	vpop (erf)  }
0x484: {  	v45 =	vpop (erf)  }
0x485: {  	(xrf1) =	vsort.dscd.msk.f32 $0xffff, v39, v3;
	v63, v46, _ =	vpop (xrf1)  }
0x486: {  	(xrf1) =	vsort.dscd.msk.f32 $0xffff, v35, v37;
	v35, v37, _ =	vpop (xrf1)  }
0x487: {  	(xrf1) =	vsort.dscd.msk.f32 $0xffff, v27, v28;
	v27, v28, _ =	vpop (xrf1)  }
0x488: {  	(xrf1) =	vsort.dscd.msk.f32 $0xffff, v29, v31;
	v29, v31, _ =	vpop (xrf1)  }
0x489: {  	v44 =	vadd.f32 v44, v12;
	v27 =	vperm.xlane v27, v5;
	v28 =	vperm.xlane v28, v5;
	v47, v48, _ =	vpop (xrf1)  }
0x48a: {  	v45 =	vadd.f32 v45, v12;
	v29 =	vperm.xlane v29, v5;
	v31 =	vperm.xlane v31, v5;
	v49, v50, _ =	vpop (xrf1)  }
0x48b: {  	(xrf1) =	vsort.dscd.msk.f32 $0xffff, v44, v0;
	v27 =	vsel vm0, v47, v27;
	v28 =	vsel vm0, v48, v28;
	v53, v54, _ =	vpop (xrf1)  }
0x48c: {  	(xrf1) =	vsort.dscd.msk.f32 $0xffff, v27, v28;
	v55 =	vsel vm0, v53, v29;
	v56 =	vsel vm0, v54, v31  }
0x48d: {  	(xrf1) =	vsort.dscd.msk.f32 $0xffff, v55, v56  }
0x48e: {  	(xrf1) =	vsort.dscd.msk.f32 $0xffff, v45, v0;
	_ =	sdelay $0x5  }
0x48f: {  	v27, v28, _ =	vpop (xrf1)  }
0x490: {  	v40 =	vperm.xlane v40, v5;
	v57, v58, _ =	vpop (xrf1)  }
0x491: {  	v1 =	vperm.xlane v1, v5;
	v43 =	vperm.xlane v43, v5;
	v59, v60, _ =	vpop (xrf1)  }
0x492: {  	v42 =	vperm.xlane v42, v5;
	v37 =	vsel vm0, v37, v40;
	v47, v48, _ =	vpop (xrf1)  }
0x493: {  	v1 =	vsel vm0, v35, v1;
	v31 =	vsel vm0, v58, v43;
	v35, v51, _ =	vpop (xrf1)  }
0x494: {  	v39 =	vperm.xlane v63, v5;
	v46 =	vperm.xlane v46, v5;
	v29 =	vsel vm0, v57, v42;
	v61, v62, _ =	vpop (xrf1)  }
0x495: {  	(xrf1) =	vsort.dscd.msk.f32 $0xffff, v1, v37;
	v27 =	vperm.xlane v27, v5;
	v28 =	vperm.xlane v28, v5;
	v40, v63, _ =	vpop (xrf1)  }
0x496: {  	(xrf1) =	vsort.dscd.msk.f32 $0xffff, v29, v31;
	v39 =	vsel vm0, v61, v39;
	v42 =	vsel vm0, v62, v46;
	v1, v37, _ =	vpop (xrf1)  }
0x497: {  	(xrf1) =	vsort.dscd.msk.f32 $0xffff, v39, v42;
	v29, v31, _ =	vpop (xrf1)  }
0x498: {  	v27 =	vsel vm0, v29, v27;
	v28 =	vsel vm0, v31, v28  }
0x499: {  	(xrf1) =	vsort.dscd.msk.f32 $0xffff, v27, v28;
	_ =	sdelay $0x5  }
0x49a: {  	v53 =	vperm.xlane v38, v5  }
0x49b: {  	v52 =	vperm.xlane v36, v5  }
0x49c: {  	v28 =	vsel vm0, v59, v53  }
0x49d: {  	v30 =	vsel vm0, v49, v30;
	v55 =	vperm.xlane v34, v5;
	v27 =	vsel vm0, v50, v52  }
0x49e: {  	v54 =	vperm.xlane v63, v6;
	v57, v56, _ =	vpop (xrf1);
	(xrf1) =	vsort.dscd.msk.f32 $0xffff, v30, v27  }
0x49f: {  	v58 =	vsel vm0, v60, v55;
	v59 =	vperm.xlane v57, v5;
	v36 =	vperm.xlane v56, v5;
	v60, v61, _ =	vpop (xrf1)  }
0x4a0: {  	v29 =	vsel vm0, v37, v54;
	v31 =	vperm.xlane v60, v5;
	(xrf1) =	vsort.dscd.msk.f32 $0xffff, v28, v58;
	v27, v28, _ =	vpop (xrf1)  }
0x4a1: {  	v34 =	vperm.xlane v61, v5;
	v27 =	vsel vm0, v27, v59;
	v28 =	vsel vm0, v28, v36  }
0x4a2: {  	(xrf1) =	vsort.dscd.msk.f32 $0xffff, v27, v28;
	v62, v63, _ =	vpop (xrf1)  }
0x4a3: {  	v39 =	vsel vm0, v62, v31;
	v42 =	vsel vm0, v63, v34  }
0x4a4: {  	(xrf1) =	vsort.dscd.msk.f32 $0xffff, v39, v42;
	_ =	sdelay $0x1  }
0x4a5: {  	v43 =	vld.idx.msk [tilespmem:v29+s13+$0x0], $0xffff;
	_ =	sdelay $0x1  }
0x4a6: {  	v44 =	vperm.xlane v40, v6;
	_ =	sdelay $0x1  }
0x4a7: {  	v45 =	vperm.xlane v48, v6;
	v1 =	vsel vm0, v1, v44  }
0x4a8: {  	v1 =	vsub.f32 v1, v43  }
0x4a9: {  	v27 =	vsel vm0, v51, v45;
	v49, v48, _ =	vpop (xrf1)  }
0x4aa: {  	v46 =	vperm.xlane v1, v7;
	v31 =	vperm.xlane v48, v6  }
0x4ab: {  	v34, v36, _ =	vpop (xrf1)  }
0x4ac: {  	v28 =	vadd.f32 v46, v1;
	v31 =	vsel vm0, v36, v31  }
0x4ad: {  	v53, v52, _ =	vpop (xrf1)  }
0x4ae: {  	v51 =	vld.idx.msk [tilespmem:v27+s13+$0x0], $0xffff;
	v50 =	vperm.xlane v28, v8;
	v55 =	vperm.xlane v52, v6  }
0x4af: {  	v57, v56, _ =	vpop (xrf1)  }
0x4b0: {  	v54 =	vperm.xlane v47, v6;
	v28 =	vadd.f32 v50, v28;
	v37 =	vsel vm0, v56, v55  }
0x4b1: {  	v26 =	vadd.f32 v32, v26;
	v59 =	vld.idx.msk [tilespmem:v31+s13+$0x0], $0xffff  }
0x4b2: {  	v35 =	vsel vm0, v35, v54;
	v58 =	vperm.xlane v28, v9  }
0x4b3: {  	v60 =	vperm.xlane v26, v8;
	v30 =	vperm.xlane v49, v6;
	v35 =	vsub.f32 v35, v51  }
0x4b4: {  	v28 =	vadd.f32 v58, v28  }
0x4b5: {  	v26 =	vadd.f32 v60, v26;
	v30 =	vsel vm0, v34, v30;
	v61 =	vperm.xlane v35, v7;
	v63 =	vld.idx.msk [tilespmem:v37+s13+$0x0], $0xffff  }
0x4b6: {  	v25 =	vmul.f32 $2.500000000e+00, v25;
	v28 =	vadd.f32 $9.999999680e-21, v28;
	v45 =	vsub.f32 v30, v59  }
0x4b7: {  	v44 =	vperm.xlane v26, v9;
	v62 =	vadd.f32 v61, v35;
	v36 =	vperm.xlane v53, v6  }
0x4b8: {  	(erf) = vrcp.f32 v28;
	v38 =	vperm.xlane v45, v7  }
0x4b9: {  	v26 =	vadd.f32 v44, v26;
	v46 =	vperm.xlane v62, v8;
	v32 =	vsel vm0, v57, v36  }
0x4ba: {  	s1 =	sadd.s32 $0x4, s0;
	v47 =	vadd.f32 v38, v45;
	v32 =	vsub.f32 v32, v63  }
0x4bb: {  	s2 =	sadd.s32 $0x2, s1;
	v25 =	vmul.f32 v41, v25;
	v26 =	vadd.f32 $9.999999680e-21, v26;
	v30 =	vadd.f32 v46, v62  }
0x4bc: {  	[tilespmem:v16+s19+$0x0] =	vst.idx.add.s32.msk $0xff, v11;
	v48 =	vmov s2;
	v51 =	vperm.xlane v47, v8;
	v52 =	vperm.xlane v32, v7  }
0x4bd: {  	[tilespmem:v33+s23+$0x0] =	vst.idx.msk $0xffff, v25;
	v1 =	vmul.f32 $2.500000000e+00, v1;
	v50 =	vshll.u32 v48, $0x7;
	v49 =	vperm.xlane v30, v9  }
0x4be: {  	v25 =	vor.u32 v10, v50;
	v54 =	vadd.f32 v51, v47;
	v55 =	vadd.f32 v52, v32  }
0x4bf: {  	[tilespmem:v16+s19+$0x0] =	vst.idx.add.s32.msk vm1, v11;
	v53 =	vpop (erf);
	(erf) = vrcp.f32 v26;
	v56 =	vor.u32 v6, v25;
	v30 =	vadd.f32 v49, v30  }
0x4c0: {  	[tilespmem:v33+s24+$0x0] =	vst.idx.msk $0xffff, v23;
	v58 =	vperm.xlane v54, v9;
	v59 =	vperm.xlane v55, v8  }
0x4c1: {  	[tilespmem:v23+s19+$0x0] =	vst.idx.add.s32.msk $0xff, v11;
	v57 =	vpop (erf);
	v30 =	vadd.f32 $9.999999680e-21, v30  }
0x4c2: {  	v1 =	vmul.f32 v57, v1;
	v16 =	vadd.f32 v58, v54;
	v60 =	vadd.f32 v59, v55  }
0x4c3: {  	[tilespmem:v23+s19+$0x0] =	vst.idx.add.s32.msk vm1, v11;
	v19 =	vmul.f32 v53, v19  }
0x4c4: {  	(erf) = vrcp.f32 v30;
	[tilespmem:v56+s23+$0x0] =	vst.idx.msk $0xffff, v1;
	v1 =	vadd.f32 $9.999999680e-21, v16;
	v16 =	vperm.xlane v60, v9  }
0x4c5: {  	[tilespmem:v17+s23+$0x0] =	vst.idx.msk $0xffff, v19  }
0x4c6: {  	[tilespmem:v17+s24+$0x0] =	vst.idx.msk $0xffff, v18  }
0x4c7: {  	[tilespmem:v18+s19+$0x0] =	vst.idx.add.s32.msk $0xff, v11  }
0x4c8: {  	[tilespmem:v18+s19+$0x0] =	vst.idx.add.s32.msk vm1, v11;
	(erf) = vrcp.f32 v1;
	v1 =	vadd.f32 v16, v60;
	v16 =	vpop (erf)  }
0x4c9: {  	[tilespmem:v56+s24+$0x0] =	vst.idx.msk $0xffff, v29;
	v16 =	vmul.f32 v16, v21  }
0x4ca: {  	[tilespmem:v29+s19+$0x0] =	vst.idx.add.s32.msk $0xff, v11;
	v1 =	vadd.f32 $9.999999680e-21, v1  }
0x4cb: {  	[tilespmem:v29+s19+$0x0] =	vst.idx.add.s32.msk vm1, v11  }
0x4cc: {  	v61 =	vmul.f32 $2.500000000e+00, v35;
	v17 =	vmov s0;
	(erf) = vrcp.f32 v1;
	[tilespmem:v20+s23+$0x0] =	vst.idx.msk $0xffff, v16  }
0x4cd: {  	v1 =	vshll.u32 v17, $0x7;
	[tilespmem:v20+s24+$0x0] =	vst.idx.msk $0xffff, v22;
	v16 =	vpop (erf)  }
0x4ce: {  	v17 =	vmov s1;
	v1 =	vor.u32 v10, v1;
	[tilespmem:v22+s19+$0x0] =	vst.idx.add.s32.msk $0xff, v11;
	v16 =	vmul.f32 v16, v61  }
0x4cf: {  	v1 =	vor.u32 v6, v1;
	[tilespmem:v22+s19+$0x0] =	vst.idx.add.s32.msk vm1, v11  }
0x4d0: {  	v62 =	vmul.f32 $2.500000000e+00, v45;
	[tilespmem:v24+s23+$0x0] =	vst.idx.msk $0xffff, v16  }
0x4d1: {  	v16 =	vshll.u32 v17, $0x7;
	v17 =	vpop (erf);
	[tilespmem:v24+s24+$0x0] =	vst.idx.msk $0xffff, v27  }
0x4d2: {  	v16 =	vor.u32 v10, v16;
	v17 =	vmul.f32 v17, v62;
	[tilespmem:v27+s19+$0x0] =	vst.idx.add.s32.msk $0xff, v11  }
0x4d3: {  	v16 =	vor.u32 v6, v16;
	[tilespmem:v27+s19+$0x0] =	vst.idx.add.s32.msk vm1, v11  }
0x4d4: {  	v63 =	vmul.f32 $2.500000000e+00, v32;
	[tilespmem:v1+s23+$0x0] =	vst.idx.msk $0xffff, v17  }
0x4d5: {  	[tilespmem:v1+s24+$0x0] =	vst.idx.msk $0xffff, v31;
	v1 =	vpop (erf)  }
0x4d6: {  	[tilespmem:v31+s19+$0x0] =	vst.idx.add.s32.msk $0xff, v11;
	v1 =	vmul.f32 v1, v63  }
0x4d7: {  	[tilespmem:v31+s19+$0x0] =	vst.idx.add.s32.msk vm1, v11  }
0x4d8: {  	[tilespmem:v16+s23+$0x0] =	vst.idx.msk $0xffff, v1  }
0x4d9: {  	p0 =	seq.s32 s29, $0x3;
	[tilespmem:v16+s24+$0x0] =	vst.idx.msk $0xffff, v37  }
.Ltmp7:
0x4da: {  	s7 =	sor.u32 $0x800, s31;
	[tilespmem:v37+s19+$0x0] =	vst.idx.add.s32.msk $0xff, v11;
	(pc) =	sbr.rel @p0 .LBB2_12-.Ltmp7, $4  }
0x4db: {  	s31 =	sadd.s32 s5, s7;
	[tilespmem:v37+s19+$0x0] =	vst.idx.add.s32.msk vm1, v11  }
0x4dc: {  	[hbm4b:s31+s3] =	stream.linear.scatter [tilespmem:s23], [sflag:$0x5], $0x4000, $0x38;
	[tilespmem:$0x18100] =	vst v63  }
0x4dd: {  	s0 =	sadd.s32 s6, s7  }
0x4de: {  	[hbm4b:s0+s3] =	stream.linear.scatter [tilespmem:s24], [sflag:$0x6], $0x4000, $0x38;
	[tilespmem:$0x18100] =	vst v63  }
.Ltmp8:
0x4df: {  	(pc) =	sbr.rel .LBB2_2-.Ltmp8, $3  }
0x4e0: {  	_ =	sdelay $0x1  }
0x4e1: {  	s0 =	sadd.s32 s30, s10;
	s29 =	sadd.s32 $0x1, s29  }
0x4e2: {  	[tilespmem:s15], [sflag:$0x2] =	stream.linear.gather [hbm4b:s0+s3], $0x4000, $0x38;
	[tilespmem:$0x18100] =	vst v63  }
.LBB2_13:
0x4e3: {  	_ =	sfence.sel $0x180000  }
0x4e4: {  	[bflag:$0x0] =	sbarrier.arrive $0xFFFF  }
0x4e5: {  	_ =	strace $0x90000047  }
0x4e6: {  	s0 =	stileid.u32;
	[bflag:$0x2] =	sbarrier.arrive $0xFFFF  }
0x4e7: {  	p0 =	sne.s32 s0, $0x0;
	s0 =	rddreg [dreg:$0x3]  }
0x4e8: {  	s0 =	sadd.s32 @!p0 $0x100000, s0  }
0x4e9: {  	[sflag:s0] =	ssyncadd.tile.s32 @!p0 $0x1;
	_ =	shalt  }
.Lfunc_end2:
_tile_overlayer_lowered:
.L_overlay_start_2:
0x4ea: {  	(tag) =	ssettag $0x2  }
0x4eb: {  	s0 =	rddreg [dreg:$0x0];
	s2 =	stileid.u32  }
0x4ec: {  	s1 =	rddreg [dreg:$0x1];
	p0 =	sne.s32 s2, $0x0  }
0x4ed: {  	s3 =	rddreg [dreg:$0x2];
	[bflag:$0x3] =	sbarrier.arrive $0xFFFF;
	s2 =	simm.s32 @!p0 $0x1C07  }
0x4ee: {  	[timem:s3], [sflag:s2] =	dma.local @!p0 [hbm:s0], s1  }
0x4ef: {  	s0 =	simm.s32 @!p0 $0x7  }
0x4f0: {  	_ =	swait.ge @!p0 [sflag:s0], s1  }
0x4f1: {  	s1 =	ssub.s32 @!p0 $0x0, s1;
	[sflag:s0] =	ssyncset.done @!p0 $0x0  }
0x4f2: {  	[sflag:s0] =	ssyncadd.s32 @!p0 s1  }
0x4f3: {  	[bflag:$0x3] =	sbarrier.arrive $0xFFFF  }
0x4f4: {  	_ =	shalt  }

</sc_bundles>
